<compile_context>
chip_gen: v7x
topology: tpu7x:2x2x1
jax: 0.10.2.dev20260603
libtpu: 0.0.44.dev20260713+nightly
codegen_flags: <defaults>
</compile_context>

<pallas_src>
import functools

import jax
import jax.numpy as jnp
from jax import lax
from jax.experimental import pallas as pl
from jax.experimental.pallas import tpu as pltpu
from jax.experimental.pallas import tpu_sc as plsc

N = 50000
E = 450000
C = 128
K = 9
EPS = 1e-5

N_WORK = 51200
KN = K * N_WORK

NSUB = 16
NCORE = 2
NB = 4
BROWS = N_WORK // NB
TRASH = 128
ACC_ROWS = BROWS + TRASH
ZROWS = ACC_ROWS // NSUB
DROWS = BROWS // NSUB

CHUNK = 128
NCHUNK = 220
IDXBLK = 44
NIDXBLK = NCHUNK // IDXBLK
EPW = NCHUNK * CHUNK
E_PAD = EPW * NSUB
VPC = CHUNK // 16

CAP = 8192
GCH = 64
GBLK = 32
NGBLK = CAP // (GBLK * GCH)

BLK = 512
NBLK = N_WORK // BLK
FBLK = -(-N // BLK)

_mesh = plsc.VectorSubcoreMesh(core_axis_name="c", subcore_axis_name="s")
_sc_params = pltpu.CompilerParams(use_tc_tiling_on_sc=False)
_sc_params_nolayout = pltpu.CompilerParams(
    use_tc_tiling_on_sc=False, needs_layout_passes=False)



GRP = 4
NGRP = IDXBLK // GRP


def _bin_body(gidx, dstx, bg_out, bs_out,
              gch, dch, bg0, bs0, bg1, bs1, pcnt):
    c = lax.axis_index("c")
    s = lax.axis_index("s")
    lane = lax.broadcasted_iota(jnp.int32, (16,), 0)
    lo0 = (2 * c) * BROWS
    lo1 = (2 * c + 1) * BROWS

    @pl.loop(0, CAP // 16)
    def _(i):
        z = ((i * 16 + lane) * 2003) % N
        t = BROWS + ((i * 16) % TRASH) + lane
        bg0[pl.ds(i * 16, 16)] = z
        bg1[pl.ds(i * 16, 16)] = z
        bs0[pl.ds(i * 16, 16)] = t
        bs1[pl.ds(i * 16, 16)] = t

    def scan_group(g, p):
        p0v, p1v = p
        pltpu.sync_copy(gidx.at[s, g], gch)
        pltpu.sync_copy(dstx.at[s, g], dch)
        for v in range(GRP * VPC):
            vi, li = divmod(v, VPC)
            gv = gch[vi, pl.ds(li * 16, 16)]
            dv = dch[vi, pl.ds(li * 16, 16)]
            for which in range(2):
                lo = lo0 if which == 0 else lo1
                bgb = bg0 if which == 0 else bg1
                bsb = bs0 if which == 0 else bs1
                pv = p0v if which == 0 else p1v
                m = jnp.logical_and(dv >= lo, dv < lo + BROWS)
                incl = lax.cumsum(jnp.where(m, 1, 0).astype(jnp.int32),
                                  axis=0)
                cntv = plsc.all_reduce_population_count(m)
                pos = jnp.minimum(pv + incl - 1, CAP - 1)
                plsc.store_scatter(bgb, [pos], gv, mask=m)
                plsc.store_scatter(bsb, [pos], dv - lo, mask=m)
                if which == 0:
                    p0v = pv + cntv
                else:
                    p1v = pv + cntv
        return p0v, p1v

    zerov = jnp.zeros((16,), jnp.int32)
    lax.fori_loop(0, NGRP * NIDXBLK, scan_group, (zerov, zerov),
                  unroll=False)

    pltpu.sync_copy(bg0, bg_out.at[c, s, 0])
    pltpu.sync_copy(bs0, bs_out.at[c, s, 0])
    pltpu.sync_copy(bg1, bg_out.at[c, s, 1])
    pltpu.sync_copy(bs1, bs_out.at[c, s, 1])


@jax.jit
def _bin_edges(gidx, dstx):
    oss = jax.ShapeDtypeStruct((NCORE, NSUB, 2, CAP), jnp.int32)
    kern = pl.kernel(
        _bin_body,
        mesh=_mesh,
        compiler_params=_sc_params_nolayout,
        out_type=[oss, oss],
        scratch_types=[
            pltpu.VMEM((GRP, CHUNK), jnp.int32),
            pltpu.VMEM((GRP, CHUNK), jnp.int32),
            pltpu.VMEM((CAP,), jnp.int32),
            pltpu.VMEM((CAP,), jnp.int32),
            pltpu.VMEM((CAP,), jnp.int32),
            pltpu.VMEM((CAP,), jnp.int32),
            pltpu.SMEM((2,), jnp.int32),
        ],
    )
    return kern(gidx, dstx)



def _scconv_body(xw, bg, bs, zeros, h,
                 gi_v, si_v, rows0, rows1, acc, sem0, sem1):
    c = lax.axis_index("c")
    s = lax.axis_index("s")

    def run_block(which):
        base = (2 * c + which) * BROWS
        pltpu.sync_copy(zeros, acc.at[pl.ds(s * ZROWS, ZROWS)])
        plsc.subcore_barrier()

        @pl.loop(0, NGBLK)
        def _(blk):
            pltpu.sync_copy(bg.at[c, s, which, blk], gi_v)
            pltpu.sync_copy(bs.at[c, s, which, blk], si_v)

            pltpu.async_copy(xw.at[gi_v.at[0]], rows0, sem0)

            @pl.loop(0, GBLK // 2)
            def _(t):
                j = 2 * t
                pltpu.make_async_copy(xw.at[gi_v.at[j]], rows0, sem0).wait()
                pltpu.async_copy(xw.at[gi_v.at[j + 1]], rows1, sem1)
                pltpu.sync_copy(rows0, acc.at[si_v.at[j]], add=True)
                pltpu.make_async_copy(xw.at[gi_v.at[j + 1]], rows1,
                                      sem1).wait()

                @pl.when(j + 2 < GBLK)
                def _():
                    pltpu.async_copy(xw.at[gi_v.at[j + 2]], rows0, sem0)

                pltpu.sync_copy(rows1, acc.at[si_v.at[j + 1]], add=True)

        plsc.subcore_barrier()
        pltpu.sync_copy(acc.at[pl.ds(s * DROWS, DROWS)],
                        h.at[pl.ds(base + s * DROWS, DROWS)])
        plsc.subcore_barrier()

    run_block(0)
    run_block(1)


@jax.jit
def _scconv(xw, bg, bs, zeros):
    kern = pl.kernel(
        _scconv_body,
        mesh=_mesh,
        compiler_params=_sc_params,
        out_type=jax.ShapeDtypeStruct((N_WORK, C), jnp.float32),
        scratch_types=[
            pltpu.VMEM((GBLK, GCH), jnp.int32),
            pltpu.VMEM((GBLK, GCH), jnp.int32),
            pltpu.VMEM((GCH, C), jnp.float32),
            pltpu.VMEM((GCH, C), jnp.float32),
            pltpu.VMEM_SHARED((ACC_ROWS, C), jnp.float32),
            pltpu.SemaphoreType.DMA,
            pltpu.SemaphoreType.DMA,
        ],
    )
    return kern(xw, bg, bs, zeros)



def _premul1_body(x_ref, w_ref, o_ref):
    xb = x_ref[...]
    for k in range(K):
        o_ref[k] = jnp.dot(xb, w_ref[k], preferred_element_type=jnp.float32)


@jax.jit
def _premul1(x_pad, W1):
    out = pl.pallas_call(
        _premul1_body,
        grid=(NBLK,),
        in_specs=[
            pl.BlockSpec((BLK, C), lambda i: (i, 0)),
            pl.BlockSpec((K, C, C), lambda i: (0, 0, 0)),
        ],
        out_specs=pl.BlockSpec((K, BLK, C), lambda i: (0, i, 0)),
        out_shape=jax.ShapeDtypeStruct((K, N_WORK, C), jnp.float32),
    )(x_pad, W1)
    return out.reshape(KN, C)


def _bn_affine(st_ref, g_ref, b_ref):
    mu = st_ref[0:1, :] * (1.0 / N)
    var = st_ref[1:2, :] * (1.0 / N) - mu * mu
    alpha = g_ref[...] * lax.rsqrt(var + EPS)
    shift = b_ref[...] - mu * alpha
    return alpha, shift


def _premul2_body(h_ref, st_ref, g_ref, b_ref, w_ref, o_ref):
    alpha, shift = _bn_affine(st_ref, g_ref, b_ref)
    y = jnp.maximum(h_ref[...] * alpha + shift, 0.0)
    for k in range(K):
        o_ref[k] = jnp.dot(y, w_ref[k], preferred_element_type=jnp.float32)


@jax.jit
def _premul2(h, st, g, b, W2):
    out = pl.pallas_call(
        _premul2_body,
        grid=(NBLK,),
        in_specs=[
            pl.BlockSpec((BLK, C), lambda i: (i, 0)),
            pl.BlockSpec((2, C), lambda i: (0, 0)),
            pl.BlockSpec((1, C), lambda i: (0, 0)),
            pl.BlockSpec((1, C), lambda i: (0, 0)),
            pl.BlockSpec((K, C, C), lambda i: (0, 0, 0)),
        ],
        out_specs=pl.BlockSpec((K, BLK, C), lambda i: (0, i, 0)),
        out_shape=jax.ShapeDtypeStruct((K, N_WORK, C), jnp.float32),
    )(h, st, g, b, W2)
    return out.reshape(KN, C)


def _stats_body(h_ref, o_ref):
    i = pl.program_id(0)
    row = lax.broadcasted_iota(jnp.int32, (BLK, C), 0)
    hb = jnp.where(BLK * i + row < N, h_ref[...], 0.0)
    st = jnp.concatenate(
        [jnp.sum(hb, axis=0, keepdims=True),
         jnp.sum(hb * hb, axis=0, keepdims=True)], axis=0)

    @pl.when(i == 0)
    def _():
        o_ref[...] = st

    @pl.when(i > 0)
    def _():
        o_ref[...] += st


@jax.jit
def _stats(h):
    return pl.pallas_call(
        _stats_body,
        grid=(NBLK,),
        in_specs=[pl.BlockSpec((BLK, C), lambda i: (i, 0))],
        out_specs=pl.BlockSpec((2, C), lambda i: (0, 0)),
        out_shape=jax.ShapeDtypeStruct((2, C), jnp.float32),
    )(h)


def _final_body(h_ref, st_ref, g_ref, b_ref, x_ref, o_ref):
    alpha, shift = _bn_affine(st_ref, g_ref, b_ref)
    o_ref[...] = jnp.maximum(h_ref[...] * alpha + shift + x_ref[...], 0.0)


@jax.jit
def _final(h, st, g, b, x_pad):
    return pl.pallas_call(
        _final_body,
        grid=(FBLK,),
        in_specs=[
            pl.BlockSpec((BLK, C), lambda i: (i, 0)),
            pl.BlockSpec((2, C), lambda i: (0, 0)),
            pl.BlockSpec((1, C), lambda i: (0, 0)),
            pl.BlockSpec((1, C), lambda i: (0, 0)),
            pl.BlockSpec((BLK, C), lambda i: (i, 0)),
        ],
        out_specs=pl.BlockSpec((BLK, C), lambda i: (i, 0)),
        out_shape=jax.ShapeDtypeStruct((N, C), jnp.float32),
    )(h, st, g, b, x_pad)



def kernel(x, edge_index, kernel_idx, W1, gamma1, beta1, W2, gamma2, beta2):
    src = edge_index[0].astype(jnp.int32)
    dst = edge_index[1].astype(jnp.int32)
    pad = E_PAD - E
    gidx = jnp.concatenate(
        [kernel_idx.astype(jnp.int32) * N_WORK + src,
         (jnp.arange(pad, dtype=jnp.int32) * 2003) % N]).reshape(
            NSUB, NGRP * NIDXBLK, GRP, CHUNK)
    dstx = jnp.concatenate(
        [dst, jnp.full((pad,), N, jnp.int32)]).reshape(
            NSUB, NGRP * NIDXBLK, GRP, CHUNK)
    zeros = jnp.zeros((ZROWS, C), jnp.float32)
    x_pad = jnp.concatenate(
        [x, jnp.zeros((N_WORK - N, C), jnp.float32)])
    g1 = gamma1.reshape(1, C)
    b1 = beta1.reshape(1, C)
    g2 = gamma2.reshape(1, C)
    b2 = beta2.reshape(1, C)

    bg, bs = _bin_edges(gidx, dstx)
    bg = bg.reshape(NCORE, NSUB, 2, NGBLK, GBLK, GCH)
    bs = bs.reshape(NCORE, NSUB, 2, NGBLK, GBLK, GCH)

    xw1 = _premul1(x_pad, W1)
    h1 = _scconv(xw1, bg, bs, zeros)
    st1 = _stats(h1)
    xw2 = _premul2(h1, st1, g1, b1, W2)
    h2 = _scconv(xw2, bg, bs, zeros)
    st2 = _stats(h2)
    return _final(h2, st2, g2, b2, x_pad)

# --- scband reference (transcript-rebuilt; emitter-appended) ---
"""Pipeline reference for scband-residual-sparse-block2d-26783416057884 (READ-ONLY COPY).

The authoritative reference and input builder live on the scoring server;
editing this copy changes nothing except your own understanding.
"""

import jax, jax.numpy as jnp
import numpy as np

N = 50000   # number of active voxels
E = 450000  # kernel-map entries (edges), ~9 per voxel for 3x3 conv
C = 128     # in_ch == out_ch (no downsample branch)
K = 9       # 3x3 kernel volume
EPS = 1e-5


def setup_inputs(seed: int = 0) -> dict:
    key = jax.random.key(seed)
    ks = jax.random.split(key, 10)
    x = jax.random.normal(ks[0], (N, C), dtype=jnp.float32)
    edge_index = jax.random.randint(ks[1], (2, E), 0, N)
    kernel_idx = jax.random.randint(ks[2], (E,), 0, K)
    # learned parameters: two 3x3 sparse convs (bias=False) + two BatchNorm1d
    W1 = jax.random.normal(ks[3], (K, C, C), dtype=jnp.float32) * 0.05
    gamma1 = jnp.ones((C,), dtype=jnp.float32)
    beta1 = jnp.zeros((C,), dtype=jnp.float32)
    W2 = jax.random.normal(ks[4], (K, C, C), dtype=jnp.float32) * 0.05
    gamma2 = jnp.ones((C,), dtype=jnp.float32)
    beta2 = jnp.zeros((C,), dtype=jnp.float32)
    return {
        "x": x,
        "edge_index": edge_index,
        "kernel_idx": kernel_idx,
        "W1": W1, "gamma1": gamma1, "beta1": beta1,
        "W2": W2, "gamma2": gamma2, "beta2": beta2,
    }


def _sparse_conv(x, W, edge_index, kernel_idx):
    # SparseConv2d via explicit kernel map (gather -> per-kernel scatter-add -> per-kernel matmul)
    # out[dst] += W[k]^T x[src] for each kernel-map entry (src, dst, k).
    src = edge_index[0]
    dst = edge_index[1]
    n = x.shape[0]
    cin = x.shape[1]
    gathered = jnp.take(x, src, axis=0)  # [E, Cin]
    flat_idx = kernel_idx * n + dst
    acc = jnp.zeros((K * n, cin), dtype=x.dtype).at[flat_idx].add(gathered)
    acc = acc.reshape(K, n, cin)
    return jnp.einsum("knc,kco->no", acc, W)


def _batch_norm(h, gamma, beta):
    # BatchNorm1d in training mode over the voxel (batch) dimension
    mu = jnp.mean(h, axis=0, keepdims=True)
    var = jnp.var(h, axis=0, keepdims=True)
    return (h - mu) * jax.lax.rsqrt(var + EPS) * gamma + beta


def reference(x, edge_index, kernel_idx, W1, gamma1, beta1, W2, gamma2, beta2):
    identity = x  # in_ch == out_ch -> downsample is None
    out = _sparse_conv(x, W1, edge_index, kernel_idx)
    out = jax.nn.relu(_batch_norm(out, gamma1, beta1))
    out = _sparse_conv(out, W2, edge_index, kernel_idx)
    out = _batch_norm(out, gamma2, beta2)
    out = out + identity
    return jax.nn.relu(out)

if __name__ == "__main__":
    import jax
    _d = setup_inputs()
    print(jax.jit(kernel)(*tuple(_d.values())))

</pallas_src>

<mosaic_0001>
#map = affine_map<(d0, d1) -> (0, 0, 0, 0)>
module attributes {stable_mosaic.version = 14 : i64} {
  func.func @_bin_body(%arg0: i32, %arg1: i32, %arg2: memref<16x55x4x128xi32, #tpu.memory_space<hbm>>, %arg3: memref<16x55x4x128xi32, #tpu.memory_space<hbm>>, %arg4: memref<2x16x2x8192xi32, #tpu.memory_space<hbm>>, %arg5: memref<2x16x2x8192xi32, #tpu.memory_space<hbm>>, %arg6: memref<4x128xi32, #tpu.memory_space<vmem>>, %arg7: memref<4x128xi32, #tpu.memory_space<vmem>>, %arg8: memref<8192xi32, #tpu.memory_space<vmem>>, %arg9: memref<8192xi32, #tpu.memory_space<vmem>>, %arg10: memref<8192xi32, #tpu.memory_space<vmem>>, %arg11: memref<8192xi32, #tpu.memory_space<vmem>>, %arg12: memref<2xi32, #tpu.memory_space<smem>>) attributes {dimension_semantics = [#tpu.dimension_semantics<core_parallel>, #tpu.dimension_semantics<subcore_parallel>], iteration_bounds = array<i64: 2, 16>, scalar_prefetch = 0 : i64, scratch_operands = 7 : i64, tpu.core_type = #tpu.core_type<sc_vector_subcore>, window_params = [{transform_indices = #map}, {transform_indices = #map}, {transform_indices = #map}, {transform_indices = #map}]} {
    %iota3A = tpu.iota {dimensions = array<i32: 0>} : vector<16xi32>
    %mul3A = arith.constant 2 : i32
    %mul3A_0 = arith.muli %mul3A, %arg0 : i32
    %mul3A_1 = arith.constant 12800 : i32
    %mul3A_2 = arith.muli %mul3A_0, %mul3A_1 : i32
    %mul3A_3 = arith.constant 2 : i32
    %mul3A_4 = arith.muli %mul3A_3, %arg0 : i32
    %add3A = arith.constant 1 : i32
    %add3A_5 = arith.addi %mul3A_4, %add3A : i32
    %mul3A_6 = arith.constant 12800 : i32
    %mul3A_7 = arith.muli %add3A_5, %mul3A_6 : i32
    %scan3A = arith.constant 0 : i32
    %scan3A_8 = arith.constant 512 : i32
    %scan3A_9 = arith.addi %scan3A, %scan3A_8 : i32
    %scan3A_10 = arith.constant 1 : i32
    scf.for %scan3A_22 = %scan3A to %scan3A_9 step %scan3A_10  : i32 {
      %mul3A_23 = arith.constant 1 : i32
      %mul3A_24 = arith.muli %scan3A_22, %mul3A_23 : i32
      %add3A_25 = arith.constant 0 : i32
      %add3A_26 = arith.addi %add3A_25, %mul3A_24 : i32
      %mul3A_27 = arith.constant 16 : i32
      %mul3A_28 = arith.muli %add3A_26, %mul3A_27 : i32
      %add3A_29 = vector.broadcast %mul3A_28 : i32 to vector<16xi32>
      %add3A_30 = arith.addi %add3A_29, %iota3A : vector<16xi32>
      %mul3A_31 = arith.constant 2003 : i32
      %mul3A_32 = vector.broadcast %mul3A_31 : i32 to vector<16xi32>
      %mul3A_33 = arith.muli %add3A_30, %mul3A_32 : vector<16xi32>
      %jit3A = arith.constant 50000 : i32
      %eq3A = arith.constant 0 : i32
      %eq3A_34 = arith.cmpi eq, %jit3A, %eq3A : i32
      %jit3A_35 = arith.constant 1 : i32
      %select_n3A = arith.select %eq3A_34, %jit3A_35, %jit3A : i32
      %rem3A = vector.broadcast %select_n3A : i32 to vector<16xi32>
      %rem3A_36 = arith.remsi %mul3A_33, %rem3A : vector<16xi32>
      %ne3A = arith.constant 0 : i32
      %ne3A_37 = vector.broadcast %ne3A : i32 to vector<16xi32>
      %ne3A_38 = arith.cmpi ne, %rem3A_36, %ne3A_37 : vector<16xi32>
      %lt3A = arith.constant 0 : i32
      %lt3A_39 = vector.broadcast %lt3A : i32 to vector<16xi32>
      %lt3A_40 = arith.cmpi slt, %rem3A_36, %lt3A_39 : vector<16xi32>
      %lt3A_41 = arith.constant 0 : i32
      %lt3A_42 = arith.cmpi slt, %select_n3A, %lt3A_41 : i32
      %ne3A_43 = vector.broadcast %lt3A_42 : i1 to vector<16xi1>
      %ne3A_44 = vector.broadcast %ne3A_43 : vector<16xi1> to vector<16xi1>
      %ne3A_45 = arith.xori %lt3A_40, %ne3A_44 : vector<16xi1>
      %and3A = arith.andi %ne3A_45, %ne3A_38 : vector<16xi1>
      %add3A_46 = vector.broadcast %select_n3A : i32 to vector<16xi32>
      %add3A_47 = arith.addi %rem3A_36, %add3A_46 : vector<16xi32>
      %select_n3A_48 = arith.select %and3A, %add3A_47, %rem3A_36 : vector<16xi1>, vector<16xi32>
      %mul3A_49 = arith.constant 16 : i32
      %mul3A_50 = arith.muli %add3A_26, %mul3A_49 : i32
      %jit3A_51 = arith.constant 128 : i32
      %eq3A_52 = arith.constant 0 : i32
      %eq3A_53 = arith.cmpi eq, %jit3A_51, %eq3A_52 : i32
      %jit3A_54 = arith.constant 1 : i32
      %select_n3A_55 = arith.select %eq3A_53, %jit3A_54, %jit3A_51 : i32
      %rem3A_56 = arith.remsi %mul3A_50, %select_n3A_55 : i32
      %ne3A_57 = arith.constant 0 : i32
      %ne3A_58 = arith.cmpi ne, %rem3A_56, %ne3A_57 : i32
      %lt3A_59 = arith.constant 0 : i32
      %lt3A_60 = arith.cmpi slt, %rem3A_56, %lt3A_59 : i32
      %lt3A_61 = arith.constant 0 : i32
      %lt3A_62 = arith.cmpi slt, %select_n3A_55, %lt3A_61 : i32
      %ne3A_63 = arith.xori %lt3A_60, %lt3A_62 : i1
      %and3A_64 = arith.andi %ne3A_63, %ne3A_58 : i1
      %add3A_65 = arith.addi %rem3A_56, %select_n3A_55 : i32
      %select_n3A_66 = arith.select %and3A_64, %add3A_65, %rem3A_56 : i32
      %add3A_67 = arith.constant 12800 : i32
      %add3A_68 = arith.addi %add3A_67, %select_n3A_66 : i32
      %add3A_69 = vector.broadcast %add3A_68 : i32 to vector<16xi32>
      %add3A_70 = arith.addi %add3A_69, %iota3A : vector<16xi32>
      %mul3A_71 = arith.constant 16 : i32
      %mul3A_72 = arith.muli %add3A_26, %mul3A_71 : i32
      %swap3A = arith.index_cast %mul3A_72 : i32 to index
      %swap3A_73 = tpu.vector_load %arg8[%swap3A] {strides = array<i32>} : memref<8192xi32, #tpu.memory_space<vmem>>, vector<16xi32>,
      tpu.vector_store %arg8[%swap3A], %select_n3A_48 {strides = array<i32>} : memref<8192xi32, #tpu.memory_space<vmem>>, vector<16xi32>,
      %mul3A_74 = arith.constant 16 : i32
      %mul3A_75 = arith.muli %add3A_26, %mul3A_74 : i32
      %swap3A_76 = arith.index_cast %mul3A_75 : i32 to index
      %swap3A_77 = tpu.vector_load %arg10[%swap3A_76] {strides = array<i32>} : memref<8192xi32, #tpu.memory_space<vmem>>, vector<16xi32>,
      tpu.vector_store %arg10[%swap3A_76], %select_n3A_48 {strides = array<i32>} : memref<8192xi32, #tpu.memory_space<vmem>>, vector<16xi32>,
      %mul3A_78 = arith.constant 16 : i32
      %mul3A_79 = arith.muli %add3A_26, %mul3A_78 : i32
      %swap3A_80 = arith.index_cast %mul3A_79 : i32 to index
      %swap3A_81 = tpu.vector_load %arg9[%swap3A_80] {strides = array<i32>} : memref<8192xi32, #tpu.memory_space<vmem>>, vector<16xi32>,
      tpu.vector_store %arg9[%swap3A_80], %add3A_70 {strides = array<i32>} : memref<8192xi32, #tpu.memory_space<vmem>>, vector<16xi32>,
      %mul3A_82 = arith.constant 16 : i32
      %mul3A_83 = arith.muli %add3A_26, %mul3A_82 : i32
      %swap3A_84 = arith.index_cast %mul3A_83 : i32 to index
      %swap3A_85 = tpu.vector_load %arg11[%swap3A_84] {strides = array<i32>} : memref<8192xi32, #tpu.memory_space<vmem>>, vector<16xi32>,
      tpu.vector_store %arg11[%swap3A_84], %add3A_70 {strides = array<i32>} : memref<8192xi32, #tpu.memory_space<vmem>>, vector<16xi32>,
    }
    %scan3A_11 = arith.constant 512 : i32
    %broadcast_in_dim3A = arith.constant 0 : i32
    %broadcast_in_dim3A_12 = vector.broadcast %broadcast_in_dim3A : i32 to vector<16xi32>
    %scan3A_13 = arith.constant 0 : i32
    %scan3A_14 = arith.constant 55 : i32
    %scan3A_15 = arith.addi %scan3A_13, %scan3A_14 : i32
    %scan3A_16 = arith.constant 1 : i32
    %scan3A_17:2 = scf.for %scan3A_22 = %scan3A_13 to %scan3A_15 step %scan3A_16 iter_args(%scan3A_23 = %broadcast_in_dim3A_12, %scan3A_24 = %broadcast_in_dim3A_12) -> (vector<16xi32>, vector<16xi32>)  : i32 {
      "tpu.region"() ({
        %run_scoped3A_1935 = tpu.sem_alloc : memref<!tpu.dma_semaphore, #tpu.memory_space<semaphore_mem>>
        %dma_start3A = arith.constant 0 : i32
        %dma_start3A_1936 = arith.constant 0 : i32
        %dma_start3A_1937 = tpu.memref_slice %arg2[%arg1, %scan3A_22, %dma_start3A, %dma_start3A_1936] : memref<16x55x4x128xi32, #tpu.memory_space<hbm>> -> memref<1x1x4x128xi32, #tpu.memory_space<hbm>>
        %dma_start3A_1938 = tpu.memref_squeeze %dma_start3A_1937 : memref<1x1x4x128xi32, #tpu.memory_space<hbm>> -> memref<4x128xi32, #tpu.memory_space<hbm>>
        %dma_start3A_1939 = arith.constant 0 : i32
        %dma_start3A_1940 = arith.constant 0 : i32
        %dma_start3A_1941 = tpu.memref_slice %arg2[%arg1, %scan3A_22, %dma_start3A_1939, %dma_start3A_1940] : memref<16x55x4x128xi32, #tpu.memory_space<hbm>> -> memref<1x1x4x128xi32, #tpu.memory_space<hbm>>
        %dma_start3A_1942 = tpu.memref_squeeze %dma_start3A_1941 : memref<1x1x4x128xi32, #tpu.memory_space<hbm>> -> memref<4x128xi32, #tpu.memory_space<hbm>>
        tpu.enqueue_dma source(%dma_start3A_1942 : memref<4x128xi32, #tpu.memory_space<hbm>>) target(%arg6 : memref<4x128xi32, #tpu.memory_space<vmem>>) target_semaphore(%run_scoped3A_1935 : memref<!tpu.dma_semaphore, #tpu.memory_space<semaphore_mem>>)
        %dma_wait3A = arith.constant 0 : i32
        %dma_wait3A_1943 = arith.constant 0 : i32
        %dma_wait3A_1944 = tpu.memref_slice %arg2[%arg1, %scan3A_22, %dma_wait3A, %dma_wait3A_1943] : memref<16x55x4x128xi32, #tpu.memory_space<hbm>> -> memref<1x1x4x128xi32, #tpu.memory_space<hbm>>
        %dma_wait3A_1945 = tpu.memref_squeeze %dma_wait3A_1944 : memref<1x1x4x128xi32, #tpu.memory_space<hbm>> -> memref<4x128xi32, #tpu.memory_space<hbm>>
        %dma_wait3A_1946 = arith.constant 0 : i32
        %dma_wait3A_1947 = arith.constant 0 : i32
        %dma_wait3A_1948 = tpu.memref_slice %arg2[%arg1, %scan3A_22, %dma_wait3A_1946, %dma_wait3A_1947] : memref<16x55x4x128xi32, #tpu.memory_space<hbm>> -> memref<1x1x4x128xi32, #tpu.memory_space<hbm>>
        %dma_wait3A_1949 = tpu.memref_squeeze %dma_wait3A_1948 : memref<1x1x4x128xi32, #tpu.memory_space<hbm>> -> memref<4x128xi32, #tpu.memory_space<hbm>>
        tpu.wait_dma2 semaphore(%run_scoped3A_1935 : memref<!tpu.dma_semaphore, #tpu.memory_space<semaphore_mem>>) src(%dma_wait3A_1949 : memref<4x128xi32, #tpu.memory_space<hbm>>) dst(%arg6 : memref<4x128xi32, #tpu.memory_space<vmem>>)
        tpu.yield
      }) : () -> ()
      "tpu.region"() ({
        %run_scoped3A_1935 = tpu.sem_alloc : memref<!tpu.dma_semaphore, #tpu.memory_space<semaphore_mem>>
        %dma_start3A = arith.constant 0 : i32
        %dma_start3A_1936 = arith.constant 0 : i32
        %dma_start3A_1937 = tpu.memref_slice %arg3[%arg1, %scan3A_22, %dma_start3A, %dma_start3A_1936] : memref<16x55x4x128xi32, #tpu.memory_space<hbm>> -> memref<1x1x4x128xi32, #tpu.memory_space<hbm>>
        %dma_start3A_1938 = tpu.memref_squeeze %dma_start3A_1937 : memref<1x1x4x128xi32, #tpu.memory_space<hbm>> -> memref<4x128xi32, #tpu.memory_space<hbm>>
        %dma_start3A_1939 = arith.constant 0 : i32
        %dma_start3A_1940 = arith.constant 0 : i32
        %dma_start3A_1941 = tpu.memref_slice %arg3[%arg1, %scan3A_22, %dma_start3A_1939, %dma_start3A_1940] : memref<16x55x4x128xi32, #tpu.memory_space<hbm>> -> memref<1x1x4x128xi32, #tpu.memory_space<hbm>>
        %dma_start3A_1942 = tpu.memref_squeeze %dma_start3A_1941 : memref<1x1x4x128xi32, #tpu.memory_space<hbm>> -> memref<4x128xi32, #tpu.memory_space<hbm>>
        tpu.enqueue_dma source(%dma_start3A_1942 : memref<4x128xi32, #tpu.memory_space<hbm>>) target(%arg7 : memref<4x128xi32, #tpu.memory_space<vmem>>) target_semaphore(%run_scoped3A_1935 : memref<!tpu.dma_semaphore, #tpu.memory_space<semaphore_mem>>)
        %dma_wait3A = arith.constant 0 : i32
        %dma_wait3A_1943 = arith.constant 0 : i32
        %dma_wait3A_1944 = tpu.memref_slice %arg3[%arg1, %scan3A_22, %dma_wait3A, %dma_wait3A_1943] : memref<16x55x4x128xi32, #tpu.memory_space<hbm>> -> memref<1x1x4x128xi32, #tpu.memory_space<hbm>>
        %dma_wait3A_1945 = tpu.memref_squeeze %dma_wait3A_1944 : memref<1x1x4x128xi32, #tpu.memory_space<hbm>> -> memref<4x128xi32, #tpu.memory_space<hbm>>
        %dma_wait3A_1946 = arith.constant 0 : i32
        %dma_wait3A_1947 = arith.constant 0 : i32
        %dma_wait3A_1948 = tpu.memref_slice %arg3[%arg1, %scan3A_22, %dma_wait3A_1946, %dma_wait3A_1947] : memref<16x55x4x128xi32, #tpu.memory_space<hbm>> -> memref<1x1x4x128xi32, #tpu.memory_space<hbm>>
        %dma_wait3A_1949 = tpu.memref_squeeze %dma_wait3A_1948 : memref<1x1x4x128xi32, #tpu.memory_space<hbm>> -> memref<4x128xi32, #tpu.memory_space<hbm>>
        tpu.wait_dma2 semaphore(%run_scoped3A_1935 : memref<!tpu.dma_semaphore, #tpu.memory_space<semaphore_mem>>) src(%dma_wait3A_1949 : memref<4x128xi32, #tpu.memory_space<hbm>>) dst(%arg7 : memref<4x128xi32, #tpu.memory_space<vmem>>)
        tpu.yield
      }) : () -> ()
      %get3A = arith.constant 0 : i32
      %get3A_25 = arith.index_cast %get3A : i32 to index
      %get3A_26 = arith.constant 0 : index
      %get3A_27 = tpu.vector_load %arg6[%get3A_25, %get3A_26] {strides = array<i32>} : memref<4x128xi32, #tpu.memory_space<vmem>>, vector<16xi32>,
      %get3A_28 = arith.constant 0 : i32
      %get3A_29 = arith.index_cast %get3A_28 : i32 to index
      %get3A_30 = arith.constant 0 : index
      %get3A_31 = tpu.vector_load %arg7[%get3A_29, %get3A_30] {strides = array<i32>} : memref<4x128xi32, #tpu.memory_space<vmem>>, vector<16xi32>,
      %ge3A = vector.broadcast %mul3A_2 : i32 to vector<16xi32>
      %ge3A_32 = arith.cmpi sge, %get3A_31, %ge3A : vector<16xi32>
      %add3A_33 = arith.constant 12800 : i32
      %add3A_34 = arith.addi %mul3A_2, %add3A_33 : i32
      %lt3A = vector.broadcast %add3A_34 : i32 to vector<16xi32>
      %lt3A_35 = arith.cmpi slt, %get3A_31, %lt3A : vector<16xi32>
      %and3A = arith.andi %ge3A_32, %lt3A_35 : vector<16xi1>
      %jit3A = arith.constant 1 : i32
      %jit3A_36 = arith.constant 0 : i32
      %broadcast_in_dim3A_37 = vector.broadcast %jit3A : i32 to vector<16xi32>
      %broadcast_in_dim3A_38 = vector.broadcast %jit3A_36 : i32 to vector<16xi32>
      %select_n3A = arith.select %and3A, %broadcast_in_dim3A_37, %broadcast_in_dim3A_38 : vector<16xi1>, vector<16xi32>
      %cumsum3A = arith.constant true
      %cumsum3A_39 = vector.broadcast %cumsum3A : i1 to vector<16xi1>
      %cumsum3A_40 = tpu.scan <sum>, %select_n3A masked %cumsum3A_39 : vector<16xi32>, vector<16xi1> -> vector<16xi32>
      %all_reduce_population_count3A = tpu.all_reduce %and3A {dim = 0 : i64, kind = #tpu.reduction_kind<sum>} : vector<16xi1> -> vector<16xi32>
      %add3A_41 = arith.addi %scan3A_23, %cumsum3A_40 : vector<16xi32>
      %sub3A = arith.constant 1 : i32
      %sub3A_42 = vector.broadcast %sub3A : i32 to vector<16xi32>
      %sub3A_43 = arith.subi %add3A_41, %sub3A_42 : vector<16xi32>
      %min3A = arith.constant 8191 : i32
      %min3A_44 = vector.broadcast %min3A : i32 to vector<16xi32>
      %min3A_45 = arith.minsi %sub3A_43, %min3A_44 : vector<16xi32>
      tpu.vector_store_idx %arg8[%min3A_45], %get3A_27 masked %and3A : memref<8192xi32, #tpu.memory_space<vmem>>[vector<16xi32>], vector<16xi32>, vector<16xi1>
      %sub3A_46 = vector.broadcast %mul3A_2 : i32 to vector<16xi32>
      %sub3A_47 = arith.subi %get3A_31, %sub3A_46 : vector<16xi32>
      tpu.vector_store_idx %arg9[%min3A_45], %sub3A_47 masked %and3A : memref<8192xi32, #tpu.memory_space<vmem>>[vector<16xi32>], vector<16xi32>, vector<16xi1>
      %add3A_48 = arith.addi %scan3A_23, %all_reduce_population_count3A : vector<16xi32>
      %ge3A_49 = vector.broadcast %mul3A_7 : i32 to vector<16xi32>
      %ge3A_50 = arith.cmpi sge, %get3A_31, %ge3A_49 : vector<16xi32>
      %add3A_51 = arith.constant 12800 : i32
      %add3A_52 = arith.addi %mul3A_7, %add3A_51 : i32
      %lt3A_53 = vector.broadcast %add3A_52 : i32 to vector<16xi32>
      %lt3A_54 = arith.cmpi slt, %get3A_31, %lt3A_53 : vector<16xi32>
      %and3A_55 = arith.andi %ge3A_50, %lt3A_54 : vector<16xi1>
      %jit3A_56 = arith.constant 1 : i32
      %jit3A_57 = arith.constant 0 : i32
      %broadcast_in_dim3A_58 = vector.broadcast %jit3A_56 : i32 to vector<16xi32>
      %broadcast_in_dim3A_59 = vector.broadcast %jit3A_57 : i32 to vector<16xi32>
      %select_n3A_60 = arith.select %and3A_55, %broadcast_in_dim3A_58, %broadcast_in_dim3A_59 : vector<16xi1>, vector<16xi32>
      %cumsum3A_61 = arith.constant true
      %cumsum3A_62 = vector.broadcast %cumsum3A_61 : i1 to vector<16xi1>
      %cumsum3A_63 = tpu.scan <sum>, %select_n3A_60 masked %cumsum3A_62 : vector<16xi32>, vector<16xi1> -> vector<16xi32>
      %all_reduce_population_count3A_64 = tpu.all_reduce %and3A_55 {dim = 0 : i64, kind = #tpu.reduction_kind<sum>} : vector<16xi1> -> vector<16xi32>
      %add3A_65 = arith.addi %scan3A_24, %cumsum3A_63 : vector<16xi32>
      %sub3A_66 = arith.constant 1 : i32
      %sub3A_67 = vector.broadcast %sub3A_66 : i32 to vector<16xi32>
      %sub3A_68 = arith.subi %add3A_65, %sub3A_67 : vector<16xi32>
      %min3A_69 = arith.constant 8191 : i32
      %min3A_70 = vector.broadcast %min3A_69 : i32 to vector<16xi32>
      %min3A_71 = arith.minsi %sub3A_68, %min3A_70 : vector<16xi32>
      tpu.vector_store_idx %arg10[%min3A_71], %get3A_27 masked %and3A_55 : memref<8192xi32, #tpu.memory_space<vmem>>[vector<16xi32>], vector<16xi32>, vector<16xi1>
      %sub3A_72 = vector.broadcast %mul3A_7 : i32 to vector<16xi32>
      %sub3A_73 = arith.subi %get3A_31, %sub3A_72 : vector<16xi32>
      tpu.vector_store_idx %arg11[%min3A_71], %sub3A_73 masked %and3A_55 : memref<8192xi32, #tpu.memory_space<vmem>>[vector<16xi32>], vector<16xi32>, vector<16xi1>
      %add3A_74 = arith.addi %scan3A_24, %all_reduce_population_count3A_64 : vector<16xi32>
      %get3A_75 = arith.constant 0 : i32
      %get3A_76 = arith.index_cast %get3A_75 : i32 to index
      %get3A_77 = arith.constant 16 : index
      %get3A_78 = tpu.vector_load %arg6[%get3A_76, %get3A_77] {strides = array<i32>} : memref<4x128xi32, #tpu.memory_space<vmem>>, vector<16xi32>,
      %get3A_79 = arith.constant 0 : i32
      %get3A_80 = arith.index_cast %get3A_79 : i32 to index
      %get3A_81 = arith.constant 16 : index
      %get3A_82 = tpu.vector_load %arg7[%get3A_80, %get3A_81] {strides = array<i32>} : memref<4x128xi32, #tpu.memory_space<vmem>>, vector<16xi32>,
      %ge3A_83 = vector.broadcast %mul3A_2 : i32 to vector<16xi32>
      %ge3A_84 = arith.cmpi sge, %get3A_82, %ge3A_83 : vector<16xi32>
      %add3A_85 = arith.constant 12800 : i32
      %add3A_86 = arith.addi %mul3A_2, %add3A_85 : i32
      %lt3A_87 = vector.broadcast %add3A_86 : i32 to vector<16xi32>
      %lt3A_88 = arith.cmpi slt, %get3A_82, %lt3A_87 : vector<16xi32>
      %and3A_89 = arith.andi %ge3A_84, %lt3A_88 : vector<16xi1>
      %jit3A_90 = arith.constant 1 : i32
      %jit3A_91 = arith.constant 0 : i32
      %broadcast_in_dim3A_92 = vector.broadcast %jit3A_90 : i32 to vector<16xi32>
      %broadcast_in_dim3A_93 = vector.broadcast %jit3A_91 : i32 to vector<16xi32>
      %select_n3A_94 = arith.select %and3A_89, %broadcast_in_dim3A_92, %broadcast_in_dim3A_93 : vector<16xi1>, vector<16xi32>
      %cumsum3A_95 = arith.constant true
      %cumsum3A_96 = vector.broadcast %cumsum3A_95 : i1 to vector<16xi1>
      %cumsum3A_97 = tpu.scan <sum>, %select_n3A_94 masked %cumsum3A_96 : vector<16xi32>, vector<16xi1> -> vector<16xi32>
      %all_reduce_population_count3A_98 = tpu.all_reduce %and3A_89 {dim = 0 : i64, kind = #tpu.reduction_kind<sum>} : vector<16xi1> -> vector<16xi32>
      %add3A_99 = arith.addi %add3A_48, %cumsum3A_97 : vector<16xi32>
      %sub3A_100 = arith.constant 1 : i32
      %sub3A_101 = vector.broadcast %sub3A_100 : i32 to vector<16xi32>
      %sub3A_102 = arith.subi %add3A_99, %sub3A_101 : vector<16xi32>
      %min3A_103 = arith.constant 8191 : i32
      %min3A_104 = vector.broadcast %min3A_103 : i32 to vector<16xi32>
      %min3A_105 = arith.minsi %sub3A_102, %min3A_104 : vector<16xi32>
      tpu.vector_store_idx %arg8[%min3A_105], %get3A_78 masked %and3A_89 : memref<8192xi32, #tpu.memory_space<vmem>>[vector<16xi32>], vector<16xi32>, vector<16xi1>
      %sub3A_106 = vector.broadcast %mul3A_2 : i32 to vector<16xi32>
      %sub3A_107 = arith.subi %get3A_82, %sub3A_106 : vector<16xi32>
      tpu.vector_store_idx %arg9[%min3A_105], %sub3A_107 masked %and3A_89 : memref<8192xi32, #tpu.memory_space<vmem>>[vector<16xi32>], vector<16xi32>, vector<16xi1>
      %add3A_108 = arith.addi %add3A_48, %all_reduce_population_count3A_98 : vector<16xi32>
      %ge3A_109 = vector.broadcast %mul3A_7 : i32 to vector<16xi32>
      %ge3A_110 = arith.cmpi sge, %get3A_82, %ge3A_109 : vector<16xi32>
      %add3A_111 = arith.constant 12800 : i32
      %add3A_112 = arith.addi %mul3A_7, %add3A_111 : i32
      %lt3A_113 = vector.broadcast %add3A_112 : i32 to vector<16xi32>
      %lt3A_114 = arith.cmpi slt, %get3A_82, %lt3A_113 : vector<16xi32>
      %and3A_115 = arith.andi %ge3A_110, %lt3A_114 : vector<16xi1>
      %jit3A_116 = arith.constant 1 : i32
      %jit3A_117 = arith.constant 0 : i32
      %broadcast_in_dim3A_118 = vector.broadcast %jit3A_116 : i32 to vector<16xi32>
      %broadcast_in_dim3A_119 = vector.broadcast %jit3A_117 : i32 to vector<16xi32>
      %select_n3A_120 = arith.select %and3A_115, %broadcast_in_dim3A_118, %broadcast_in_dim3A_119 : vector<16xi1>, vector<16xi32>
      %cumsum3A_121 = arith.constant true
      %cumsum3A_122 = vector.broadcast %cumsum3A_121 : i1 to vector<16xi1>
      %cumsum3A_123 = tpu.scan <sum>, %select_n3A_120 masked %cumsum3A_122 : vector<16xi32>, vector<16xi1> -> vector<16xi32>
      %all_reduce_population_count3A_124 = tpu.all_reduce %and3A_115 {dim = 0 : i64, kind = #tpu.reduction_kind<sum>} : vector<16xi1> -> vector<16xi32>
      %add3A_125 = arith.addi %add3A_74, %cumsum3A_123 : vector<16xi32>
      %sub3A_126 = arith.constant 1 : i32
      %sub3A_127 = vector.broadcast %sub3A_126 : i32 to vector<16xi32>
      %sub3A_128 = arith.subi %add3A_125, %sub3A_127 : vector<16xi32>
      %min3A_129 = arith.constant 8191 : i32
      %min3A_130 = vector.broadcast %min3A_129 : i32 to vector<16xi32>
      %min3A_131 = arith.minsi %sub3A_128, %min3A_130 : vector<16xi32>
      tpu.vector_store_idx %arg10[%min3A_131], %get3A_78 masked %and3A_115 : memref<8192xi32, #tpu.memory_space<vmem>>[vector<16xi32>], vector<16xi32>, vector<16xi1>
      %sub3A_132 = vector.broadcast %mul3A_7 : i32 to vector<16xi32>
      %sub3A_133 = arith.subi %get3A_82, %sub3A_132 : vector<16xi32>
      tpu.vector_store_idx %arg11[%min3A_131], %sub3A_133 masked %and3A_115 : memref<8192xi32, #tpu.memory_space<vmem>>[vector<16xi32>], vector<16xi32>, vector<16xi1>
      %add3A_134 = arith.addi %add3A_74, %all_reduce_population_count3A_124 : vector<16xi32>
      %get3A_135 = arith.constant 0 : i32
      %get3A_136 = arith.index_cast %get3A_135 : i32 to index
      %get3A_137 = arith.constant 32 : index
      %get3A_138 = tpu.vector_load %arg6[%get3A_136, %get3A_137] {strides = array<i32>} : memref<4x128xi32, #tpu.memory_space<vmem>>, vector<16xi32>,
      %get3A_139 = arith.constant 0 : i32
      %get3A_140 = arith.index_cast %get3A_139 : i32 to index
      %get3A_141 = arith.constant 32 : index
      %get3A_142 = tpu.vector_load %arg7[%get3A_140, %get3A_141] {strides = array<i32>} : memref<4x128xi32, #tpu.memory_space<vmem>>, vector<16xi32>,
      %ge3A_143 = vector.broadcast %mul3A_2 : i32 to vector<16xi32>
      %ge3A_144 = arith.cmpi sge, %get3A_142, %ge3A_143 : vector<16xi32>
      %add3A_145 = arith.constant 12800 : i32
      %add3A_146 = arith.addi %mul3A_2, %add3A_145 : i32
      %lt3A_147 = vector.broadcast %add3A_146 : i32 to vector<16xi32>
      %lt3A_148 = arith.cmpi slt, %get3A_142, %lt3A_147 : vector<16xi32>
      %and3A_149 = arith.andi %ge3A_144, %lt3A_148 : vector<16xi1>
      %jit3A_150 = arith.constant 1 : i32
      %jit3A_151 = arith.constant 0 : i32
      %broadcast_in_dim3A_152 = vector.broadcast %jit3A_150 : i32 to vector<16xi32>
      %broadcast_in_dim3A_153 = vector.broadcast %jit3A_151 : i32 to vector<16xi32>
      %select_n3A_154 = arith.select %and3A_149, %broadcast_in_dim3A_152, %broadcast_in_dim3A_153 : vector<16xi1>, vector<16xi32>
      %cumsum3A_155 = arith.constant true
      %cumsum3A_156 = vector.broadcast %cumsum3A_155 : i1 to vector<16xi1>
      %cumsum3A_157 = tpu.scan <sum>, %select_n3A_154 masked %cumsum3A_156 : vector<16xi32>, vector<16xi1> -> vector<16xi32>
      %all_reduce_population_count3A_158 = tpu.all_reduce %and3A_149 {dim = 0 : i64, kind = #tpu.reduction_kind<sum>} : vector<16xi1> -> vector<16xi32>
      %add3A_159 = arith.addi %add3A_108, %cumsum3A_157 : vector<16xi32>
      %sub3A_160 = arith.constant 1 : i32
      %sub3A_161 = vector.broadcast %sub3A_160 : i32 to vector<16xi32>
      %sub3A_162 = arith.subi %add3A_159, %sub3A_161 : vector<16xi32>
      %min3A_163 = arith.constant 8191 : i32
      %min3A_164 = vector.broadcast %min3A_163 : i32 to vector<16xi32>
      %min3A_165 = arith.minsi %sub3A_162, %min3A_164 : vector<16xi32>
      tpu.vector_store_idx %arg8[%min3A_165], %get3A_138 masked %and3A_149 : memref<8192xi32, #tpu.memory_space<vmem>>[vector<16xi32>], vector<16xi32>, vector<16xi1>
      %sub3A_166 = vector.broadcast %mul3A_2 : i32 to vector<16xi32>
      %sub3A_167 = arith.subi %get3A_142, %sub3A_166 : vector<16xi32>
      tpu.vector_store_idx %arg9[%min3A_165], %sub3A_167 masked %and3A_149 : memref<8192xi32, #tpu.memory_space<vmem>>[vector<16xi32>], vector<16xi32>, vector<16xi1>
      %add3A_168 = arith.addi %add3A_108, %all_reduce_population_count3A_158 : vector<16xi32>
      %ge3A_169 = vector.broadcast %mul3A_7 : i32 to vector<16xi32>
      %ge3A_170 = arith.cmpi sge, %get3A_142, %ge3A_169 : vector<16xi32>
      %add3A_171 = arith.constant 12800 : i32
      %add3A_172 = arith.addi %mul3A_7, %add3A_171 : i32
      %lt3A_173 = vector.broadcast %add3A_172 : i32 to vector<16xi32>
      %lt3A_174 = arith.cmpi slt, %get3A_142, %lt3A_173 : vector<16xi32>
      %and3A_175 = arith.andi %ge3A_170, %lt3A_174 : vector<16xi1>
      %jit3A_176 = arith.constant 1 : i32
      %jit3A_177 = arith.constant 0 : i32
      %broadcast_in_dim3A_178 = vector.broadcast %jit3A_176 : i32 to vector<16xi32>
      %broadcast_in_dim3A_179 = vector.broadcast %jit3A_177 : i32 to vector<16xi32>
      %select_n3A_180 = arith.select %and3A_175, %broadcast_in_dim3A_178, %broadcast_in_dim3A_179 : vector<16xi1>, vector<16xi32>
      %cumsum3A_181 = arith.constant true
      %cumsum3A_182 = vector.broadcast %cumsum3A_181 : i1 to vector<16xi1>
      %cumsum3A_183 = tpu.scan <sum>, %select_n3A_180 masked %cumsum3A_182 : vector<16xi32>, vector<16xi1> -> vector<16xi32>
      %all_reduce_population_count3A_184 = tpu.all_reduce %and3A_175 {dim = 0 : i64, kind = #tpu.reduction_kind<sum>} : vector<16xi1> -> vector<16xi32>
      %add3A_185 = arith.addi %add3A_134, %cumsum3A_183 : vector<16xi32>
      %sub3A_186 = arith.constant 1 : i32
      %sub3A_187 = vector.broadcast %sub3A_186 : i32 to vector<16xi32>
      %sub3A_188 = arith.subi %add3A_185, %sub3A_187 : vector<16xi32>
      %min3A_189 = arith.constant 8191 : i32
      %min3A_190 = vector.broadcast %min3A_189 : i32 to vector<16xi32>
      %min3A_191 = arith.minsi %sub3A_188, %min3A_190 : vector<16xi32>
      tpu.vector_store_idx %arg10[%min3A_191], %get3A_138 masked %and3A_175 : memref<8192xi32, #tpu.memory_space<vmem>>[vector<16xi32>], vector<16xi32>, vector<16xi1>
      %sub3A_192 = vector.broadcast %mul3A_7 : i32 to vector<16xi32>
      %sub3A_193 = arith.subi %get3A_142, %sub3A_192 : vector<16xi32>
      tpu.vector_store_idx %arg11[%min3A_191], %sub3A_193 masked %and3A_175 : memref<8192xi32, #tpu.memory_space<vmem>>[vector<16xi32>], vector<16xi32>, vector<16xi1>
      %add3A_194 = arith.addi %add3A_134, %all_reduce_population_count3A_184 : vector<16xi32>
      %get3A_195 = arith.constant 0 : i32
      %get3A_196 = arith.index_cast %get3A_195 : i32 to index
      %get3A_197 = arith.constant 48 : index
      %get3A_198 = tpu.vector_load %arg6[%get3A_196, %get3A_197] {strides = array<i32>} : memref<4x128xi32, #tpu.memory_space<vmem>>, vector<16xi32>,
      %get3A_199 = arith.constant 0 : i32
      %get3A_200 = arith.index_cast %get3A_199 : i32 to index
      %get3A_201 = arith.constant 48 : index
      %get3A_202 = tpu.vector_load %arg7[%get3A_200, %get3A_201] {strides = array<i32>} : memref<4x128xi32, #tpu.memory_space<vmem>>, vector<16xi32>,
      %ge3A_203 = vector.broadcast %mul3A_2 : i32 to vector<16xi32>
      %ge3A_204 = arith.cmpi sge, %get3A_202, %ge3A_203 : vector<16xi32>
      %add3A_205 = arith.constant 12800 : i32
      %add3A_206 = arith.addi %mul3A_2, %add3A_205 : i32
      %lt3A_207 = vector.broadcast %add3A_206 : i32 to vector<16xi32>
      %lt3A_208 = arith.cmpi slt, %get3A_202, %lt3A_207 : vector<16xi32>
      %and3A_209 = arith.andi %ge3A_204, %lt3A_208 : vector<16xi1>
      %jit3A_210 = arith.constant 1 : i32
      %jit3A_211 = arith.constant 0 : i32
      %broadcast_in_dim3A_212 = vector.broadcast %jit3A_210 : i32 to vector<16xi32>
      %broadcast_in_dim3A_213 = vector.broadcast %jit3A_211 : i32 to vector<16xi32>
      %select_n3A_214 = arith.select %and3A_209, %broadcast_in_dim3A_212, %broadcast_in_dim3A_213 : vector<16xi1>, vector<16xi32>
      %cumsum3A_215 = arith.constant true
      %cumsum3A_216 = vector.broadcast %cumsum3A_215 : i1 to vector<16xi1>
      %cumsum3A_217 = tpu.scan <sum>, %select_n3A_214 masked %cumsum3A_216 : vector<16xi32>, vector<16xi1> -> vector<16xi32>
      %all_reduce_population_count3A_218 = tpu.all_reduce %and3A_209 {dim = 0 : i64, kind = #tpu.reduction_kind<sum>} : vector<16xi1> -> vector<16xi32>
      %add3A_219 = arith.addi %add3A_168, %cumsum3A_217 : vector<16xi32>
      %sub3A_220 = arith.constant 1 : i32
      %sub3A_221 = vector.broadcast %sub3A_220 : i32 to vector<16xi32>
      %sub3A_222 = arith.subi %add3A_219, %sub3A_221 : vector<16xi32>
      %min3A_223 = arith.constant 8191 : i32
      %min3A_224 = vector.broadcast %min3A_223 : i32 to vector<16xi32>
      %min3A_225 = arith.minsi %sub3A_222, %min3A_224 : vector<16xi32>
      tpu.vector_store_idx %arg8[%min3A_225], %get3A_198 masked %and3A_209 : memref<8192xi32, #tpu.memory_space<vmem>>[vector<16xi32>], vector<16xi32>, vector<16xi1>
      %sub3A_226 = vector.broadcast %mul3A_2 : i32 to vector<16xi32>
      %sub3A_227 = arith.subi %get3A_202, %sub3A_226 : vector<16xi32>
      tpu.vector_store_idx %arg9[%min3A_225], %sub3A_227 masked %and3A_209 : memref<8192xi32, #tpu.memory_space<vmem>>[vector<16xi32>], vector<16xi32>, vector<16xi1>
      %add3A_228 = arith.addi %add3A_168, %all_reduce_population_count3A_218 : vector<16xi32>
      %ge3A_229 = vector.broadcast %mul3A_7 : i32 to vector<16xi32>
      %ge3A_230 = arith.cmpi sge, %get3A_202, %ge3A_229 : vector<16xi32>
      %add3A_231 = arith.constant 12800 : i32
      %add3A_232 = arith.addi %mul3A_7, %add3A_231 : i32
      %lt3A_233 = vector.broadcast %add3A_232 : i32 to vector<16xi32>
      %lt3A_234 = arith.cmpi slt, %get3A_202, %lt3A_233 : vector<16xi32>
      %and3A_235 = arith.andi %ge3A_230, %lt3A_234 : vector<16xi1>
      %jit3A_236 = arith.constant 1 : i32
      %jit3A_237 = arith.constant 0 : i32
      %broadcast_in_dim3A_238 = vector.broadcast %jit3A_236 : i32 to vector<16xi32>
      %broadcast_in_dim3A_239 = vector.broadcast %jit3A_237 : i32 to vector<16xi32>
      %select_n3A_240 = arith.select %and3A_235, %broadcast_in_dim3A_238, %broadcast_in_dim3A_239 : vector<16xi1>, vector<16xi32>
      %cumsum3A_241 = arith.constant true
      %cumsum3A_242 = vector.broadcast %cumsum3A_241 : i1 to vector<16xi1>
      %cumsum3A_243 = tpu.scan <sum>, %select_n3A_240 masked %cumsum3A_242 : vector<16xi32>, vector<16xi1> -> vector<16xi32>
      %all_reduce_population_count3A_244 = tpu.all_reduce %and3A_235 {dim = 0 : i64, kind = #tpu.reduction_kind<sum>} : vector<16xi1> -> vector<16xi32>
      %add3A_245 = arith.addi %add3A_194, %cumsum3A_243 : vector<16xi32>
      %sub3A_246 = arith.constant 1 : i32
      %sub3A_247 = vector.broadcast %sub3A_246 : i32 to vector<16xi32>
      %sub3A_248 = arith.subi %add3A_245, %sub3A_247 : vector<16xi32>
      %min3A_249 = arith.constant 8191 : i32
      %min3A_250 = vector.broadcast %min3A_249 : i32 to vector<16xi32>
      %min3A_251 = arith.minsi %sub3A_248, %min3A_250 : vector<16xi32>
      tpu.vector_store_idx %arg10[%min3A_251], %get3A_198 masked %and3A_235 : memref<8192xi32, #tpu.memory_space<vmem>>[vector<16xi32>], vector<16xi32>, vector<16xi1>
      %sub3A_252 = vector.broadcast %mul3A_7 : i32 to vector<16xi32>
      %sub3A_253 = arith.subi %get3A_202, %sub3A_252 : vector<16xi32>
      tpu.vector_store_idx %arg11[%min3A_251], %sub3A_253 masked %and3A_235 : memref<8192xi32, #tpu.memory_space<vmem>>[vector<16xi32>], vector<16xi32>, vector<16xi1>
      %add3A_254 = arith.addi %add3A_194, %all_reduce_population_count3A_244 : vector<16xi32>
      %get3A_255 = arith.constant 0 : i32
      %get3A_256 = arith.index_cast %get3A_255 : i32 to index
      %get3A_257 = arith.constant 64 : index
      %get3A_258 = tpu.vector_load %arg6[%get3A_256, %get3A_257] {strides = array<i32>} : memref<4x128xi32, #tpu.memory_space<vmem>>, vector<16xi32>,
      %get3A_259 = arith.constant 0 : i32
      %get3A_260 = arith.index_cast %get3A_259 : i32 to index
      %get3A_261 = arith.constant 64 : index
      %get3A_262 = tpu.vector_load %arg7[%get3A_260, %get3A_261] {strides = array<i32>} : memref<4x128xi32, #tpu.memory_space<vmem>>, vector<16xi32>,
      %ge3A_263 = vector.broadcast %mul3A_2 : i32 to vector<16xi32>
      %ge3A_264 = arith.cmpi sge, %get3A_262, %ge3A_263 : vector<16xi32>
      %add3A_265 = arith.constant 12800 : i32
      %add3A_266 = arith.addi %mul3A_2, %add3A_265 : i32
      %lt3A_267 = vector.broadcast %add3A_266 : i32 to vector<16xi32>
      %lt3A_268 = arith.cmpi slt, %get3A_262, %lt3A_267 : vector<16xi32>
      %and3A_269 = arith.andi %ge3A_264, %lt3A_268 : vector<16xi1>
      %jit3A_270 = arith.constant 1 : i32
      %jit3A_271 = arith.constant 0 : i32
      %broadcast_in_dim3A_272 = vector.broadcast %jit3A_270 : i32 to vector<16xi32>
      %broadcast_in_dim3A_273 = vector.broadcast %jit3A_271 : i32 to vector<16xi32>
      %select_n3A_274 = arith.select %and3A_269, %broadcast_in_dim3A_272, %broadcast_in_dim3A_273 : vector<16xi1>, vector<16xi32>
      %cumsum3A_275 = arith.constant true
      %cumsum3A_276 = vector.broadcast %cumsum3A_275 : i1 to vector<16xi1>
      %cumsum3A_277 = tpu.scan <sum>, %select_n3A_274 masked %cumsum3A_276 : vector<16xi32>, vector<16xi1> -> vector<16xi32>
      %all_reduce_population_count3A_278 = tpu.all_reduce %and3A_269 {dim = 0 : i64, kind = #tpu.reduction_kind<sum>} : vector<16xi1> -> vector<16xi32>
      %add3A_279 = arith.addi %add3A_228, %cumsum3A_277 : vector<16xi32>
      %sub3A_280 = arith.constant 1 : i32
      %sub3A_281 = vector.broadcast %sub3A_280 : i32 to vector<16xi32>
      %sub3A_282 = arith.subi %add3A_279, %sub3A_281 : vector<16xi32>
      %min3A_283 = arith.constant 8191 : i32
      %min3A_284 = vector.broadcast %min3A_283 : i32 to vector<16xi32>
      %min3A_285 = arith.minsi %sub3A_282, %min3A_284 : vector<16xi32>
      tpu.vector_store_idx %arg8[%min3A_285], %get3A_258 masked %and3A_269 : memref<8192xi32, #tpu.memory_space<vmem>>[vector<16xi32>], vector<16xi32>, vector<16xi1>
      %sub3A_286 = vector.broadcast %mul3A_2 : i32 to vector<16xi32>
      %sub3A_287 = arith.subi %get3A_262, %sub3A_286 : vector<16xi32>
      tpu.vector_store_idx %arg9[%min3A_285], %sub3A_287 masked %and3A_269 : memref<8192xi32, #tpu.memory_space<vmem>>[vector<16xi32>], vector<16xi32>, vector<16xi1>
      %add3A_288 = arith.addi %add3A_228, %all_reduce_population_count3A_278 : vector<16xi32>
      %ge3A_289 = vector.broadcast %mul3A_7 : i32 to vector<16xi32>
      %ge3A_290 = arith.cmpi sge, %get3A_262, %ge3A_289 : vector<16xi32>
      %add3A_291 = arith.constant 12800 : i32
      %add3A_292 = arith.addi %mul3A_7, %add3A_291 : i32
      %lt3A_293 = vector.broadcast %add3A_292 : i32 to vector<16xi32>
      %lt3A_294 = arith.cmpi slt, %get3A_262, %lt3A_293 : vector<16xi32>
      %and3A_295 = arith.andi %ge3A_290, %lt3A_294 : vector<16xi1>
      %jit3A_296 = arith.constant 1 : i32
      %jit3A_297 = arith.constant 0 : i32
      %broadcast_in_dim3A_298 = vector.broadcast %jit3A_296 : i32 to vector<16xi32>
      %broadcast_in_dim3A_299 = vector.broadcast %jit3A_297 : i32 to vector<16xi32>
      %select_n3A_300 = arith.select %and3A_295, %broadcast_in_dim3A_298, %broadcast_in_dim3A_299 : vector<16xi1>, vector<16xi32>
      %cumsum3A_301 = arith.constant true
      %cumsum3A_302 = vector.broadcast %cumsum3A_301 : i1 to vector<16xi1>
      %cumsum3A_303 = tpu.scan <sum>, %select_n3A_300 masked %cumsum3A_302 : vector<16xi32>, vector<16xi1> -> vector<16xi32>
      %all_reduce_population_count3A_304 = tpu.all_reduce %and3A_295 {dim = 0 : i64, kind = #tpu.reduction_kind<sum>} : vector<16xi1> -> vector<16xi32>
      %add3A_305 = arith.addi %add3A_254, %cumsum3A_303 : vector<16xi32>
      %sub3A_306 = arith.constant 1 : i32
      %sub3A_307 = vector.broadcast %sub3A_306 : i32 to vector<16xi32>
      %sub3A_308 = arith.subi %add3A_305, %sub3A_307 : vector<16xi32>
      %min3A_309 = arith.constant 8191 : i32
      %min3A_310 = vector.broadcast %min3A_309 : i32 to vector<16xi32>
      %min3A_311 = arith.minsi %sub3A_308, %min3A_310 : vector<16xi32>
      tpu.vector_store_idx %arg10[%min3A_311], %get3A_258 masked %and3A_295 : memref<8192xi32, #tpu.memory_space<vmem>>[vector<16xi32>], vector<16xi32>, vector<16xi1>
      %sub3A_312 = vector.broadcast %mul3A_7 : i32 to vector<16xi32>
      %sub3A_313 = arith.subi %get3A_262, %sub3A_312 : vector<16xi32>
      tpu.vector_store_idx %arg11[%min3A_311], %sub3A_313 masked %and3A_295 : memref<8192xi32, #tpu.memory_space<vmem>>[vector<16xi32>], vector<16xi32>, vector<16xi1>
      %add3A_314 = arith.addi %add3A_254, %all_reduce_population_count3A_304 : vector<16xi32>
      %get3A_315 = arith.constant 0 : i32
      %get3A_316 = arith.index_cast %get3A_315 : i32 to index
      %get3A_317 = arith.constant 80 : index
      %get3A_318 = tpu.vector_load %arg6[%get3A_316, %get3A_317] {strides = array<i32>} : memref<4x128xi32, #tpu.memory_space<vmem>>, vector<16xi32>,
      %get3A_319 = arith.constant 0 : i32
      %get3A_320 = arith.index_cast %get3A_319 : i32 to index
      %get3A_321 = arith.constant 80 : index
      %get3A_322 = tpu.vector_load %arg7[%get3A_320, %get3A_321] {strides = array<i32>} : memref<4x128xi32, #tpu.memory_space<vmem>>, vector<16xi32>,
      %ge3A_323 = vector.broadcast %mul3A_2 : i32 to vector<16xi32>
      %ge3A_324 = arith.cmpi sge, %get3A_322, %ge3A_323 : vector<16xi32>
      %add3A_325 = arith.constant 12800 : i32
      %add3A_326 = arith.addi %mul3A_2, %add3A_325 : i32
      %lt3A_327 = vector.broadcast %add3A_326 : i32 to vector<16xi32>
      %lt3A_328 = arith.cmpi slt, %get3A_322, %lt3A_327 : vector<16xi32>
      %and3A_329 = arith.andi %ge3A_324, %lt3A_328 : vector<16xi1>
      %jit3A_330 = arith.constant 1 : i32
      %jit3A_331 = arith.constant 0 : i32
      %broadcast_in_dim3A_332 = vector.broadcast %jit3A_330 : i32 to vector<16xi32>
      %broadcast_in_dim3A_333 = vector.broadcast %jit3A_331 : i32 to vector<16xi32>
      %select_n3A_334 = arith.select %and3A_329, %broadcast_in_dim3A_332, %broadcast_in_dim3A_333 : vector<16xi1>, vector<16xi32>
      %cumsum3A_335 = arith.constant true
      %cumsum3A_336 = vector.broadcast %cumsum3A_335 : i1 to vector<16xi1>
      %cumsum3A_337 = tpu.scan <sum>, %select_n3A_334 masked %cumsum3A_336 : vector<16xi32>, vector<16xi1> -> vector<16xi32>
      %all_reduce_population_count3A_338 = tpu.all_reduce %and3A_329 {dim = 0 : i64, kind = #tpu.reduction_kind<sum>} : vector<16xi1> -> vector<16xi32>
      %add3A_339 = arith.addi %add3A_288, %cumsum3A_337 : vector<16xi32>
      %sub3A_340 = arith.constant 1 : i32
      %sub3A_341 = vector.broadcast %sub3A_340 : i32 to vector<16xi32>
      %sub3A_342 = arith.subi %add3A_339, %sub3A_341 : vector<16xi32>
      %min3A_343 = arith.constant 8191 : i32
      %min3A_344 = vector.broadcast %min3A_343 : i32 to vector<16xi32>
      %min3A_345 = arith.minsi %sub3A_342, %min3A_344 : vector<16xi32>
      tpu.vector_store_idx %arg8[%min3A_345], %get3A_318 masked %and3A_329 : memref<8192xi32, #tpu.memory_space<vmem>>[vector<16xi32>], vector<16xi32>, vector<16xi1>
      %sub3A_346 = vector.broadcast %mul3A_2 : i32 to vector<16xi32>
      %sub3A_347 = arith.subi %get3A_322, %sub3A_346 : vector<16xi32>
      tpu.vector_store_idx %arg9[%min3A_345], %sub3A_347 masked %and3A_329 : memref<8192xi32, #tpu.memory_space<vmem>>[vector<16xi32>], vector<16xi32>, vector<16xi1>
      %add3A_348 = arith.addi %add3A_288, %all_reduce_population_count3A_338 : vector<16xi32>
      %ge3A_349 = vector.broadcast %mul3A_7 : i32 to vector<16xi32>
      %ge3A_350 = arith.cmpi sge, %get3A_322, %ge3A_349 : vector<16xi32>
      %add3A_351 = arith.constant 12800 : i32
      %add3A_352 = arith.addi %mul3A_7, %add3A_351 : i32
      %lt3A_353 = vector.broadcast %add3A_352 : i32 to vector<16xi32>
      %lt3A_354 = arith.cmpi slt, %get3A_322, %lt3A_353 : vector<16xi32>
      %and3A_355 = arith.andi %ge3A_350, %lt3A_354 : vector<16xi1>
      %jit3A_356 = arith.constant 1 : i32
      %jit3A_357 = arith.constant 0 : i32
      %broadcast_in_dim3A_358 = vector.broadcast %jit3A_356 : i32 to vector<16xi32>
      %broadcast_in_dim3A_359 = vector.broadcast %jit3A_357 : i32 to vector<16xi32>
      %select_n3A_360 = arith.select %and3A_355, %broadcast_in_dim3A_358, %broadcast_in_dim3A_359 : vector<16xi1>, vector<16xi32>
      %cumsum3A_361 = arith.constant true
      %cumsum3A_362 = vector.broadcast %cumsum3A_361 : i1 to vector<16xi1>
      %cumsum3A_363 = tpu.scan <sum>, %select_n3A_360 masked %cumsum3A_362 : vector<16xi32>, vector<16xi1> -> vector<16xi32>
      %all_reduce_population_count3A_364 = tpu.all_reduce %and3A_355 {dim = 0 : i64, kind = #tpu.reduction_kind<sum>} : vector<16xi1> -> vector<16xi32>
      %add3A_365 = arith.addi %add3A_314, %cumsum3A_363 : vector<16xi32>
      %sub3A_366 = arith.constant 1 : i32
      %sub3A_367 = vector.broadcast %sub3A_366 : i32 to vector<16xi32>
      %sub3A_368 = arith.subi %add3A_365, %sub3A_367 : vector<16xi32>
      %min3A_369 = arith.constant 8191 : i32
      %min3A_370 = vector.broadcast %min3A_369 : i32 to vector<16xi32>
      %min3A_371 = arith.minsi %sub3A_368, %min3A_370 : vector<16xi32>
      tpu.vector_store_idx %arg10[%min3A_371], %get3A_318 masked %and3A_355 : memref<8192xi32, #tpu.memory_space<vmem>>[vector<16xi32>], vector<16xi32>, vector<16xi1>
      %sub3A_372 = vector.broadcast %mul3A_7 : i32 to vector<16xi32>
      %sub3A_373 = arith.subi %get3A_322, %sub3A_372 : vector<16xi32>
      tpu.vector_store_idx %arg11[%min3A_371], %sub3A_373 masked %and3A_355 : memref<8192xi32, #tpu.memory_space<vmem>>[vector<16xi32>], vector<16xi32>, vector<16xi1>
      %add3A_374 = arith.addi %add3A_314, %all_reduce_population_count3A_364 : vector<16xi32>
      %get3A_375 = arith.constant 0 : i32
      %get3A_376 = arith.index_cast %get3A_375 : i32 to index
      %get3A_377 = arith.constant 96 : index
      %get3A_378 = tpu.vector_load %arg6[%get3A_376, %get3A_377] {strides = array<i32>} : memref<4x128xi32, #tpu.memory_space<vmem>>, vector<16xi32>,
      %get3A_379 = arith.constant 0 : i32
      %get3A_380 = arith.index_cast %get3A_379 : i32 to index
      %get3A_381 = arith.constant 96 : index
      %get3A_382 = tpu.vector_load %arg7[%get3A_380, %get3A_381] {strides = array<i32>} : memref<4x128xi32, #tpu.memory_space<vmem>>, vector<16xi32>,
      %ge3A_383 = vector.broadcast %mul3A_2 : i32 to vector<16xi32>
      %ge3A_384 = arith.cmpi sge, %get3A_382, %ge3A_383 : vector<16xi32>
      %add3A_385 = arith.constant 12800 : i32
      %add3A_386 = arith.addi %mul3A_2, %add3A_385 : i32
      %lt3A_387 = vector.broadcast %add3A_386 : i32 to vector<16xi32>
      %lt3A_388 = arith.cmpi slt, %get3A_382, %lt3A_387 : vector<16xi32>
      %and3A_389 = arith.andi %ge3A_384, %lt3A_388 : vector<16xi1>
      %jit3A_390 = arith.constant 1 : i32
      %jit3A_391 = arith.constant 0 : i32
      %broadcast_in_dim3A_392 = vector.broadcast %jit3A_390 : i32 to vector<16xi32>
      %broadcast_in_dim3A_393 = vector.broadcast %jit3A_391 : i32 to vector<16xi32>
      %select_n3A_394 = arith.select %and3A_389, %broadcast_in_dim3A_392, %broadcast_in_dim3A_393 : vector<16xi1>, vector<16xi32>
      %cumsum3A_395 = arith.constant true
      %cumsum3A_396 = vector.broadcast %cumsum3A_395 : i1 to vector<16xi1>
      %cumsum3A_397 = tpu.scan <sum>, %select_n3A_394 masked %cumsum3A_396 : vector<16xi32>, vector<16xi1> -> vector<16xi32>
      %all_reduce_population_count3A_398 = tpu.all_reduce %and3A_389 {dim = 0 : i64, kind = #tpu.reduction_kind<sum>} : vector<16xi1> -> vector<16xi32>
      %add3A_399 = arith.addi %add3A_348, %cumsum3A_397 : vector<16xi32>
      %sub3A_400 = arith.constant 1 : i32
      %sub3A_401 = vector.broadcast %sub3A_400 : i32 to vector<16xi32>
      %sub3A_402 = arith.subi %add3A_399, %sub3A_401 : vector<16xi32>
      %min3A_403 = arith.constant 8191 : i32
      %min3A_404 = vector.broadcast %min3A_403 : i32 to vector<16xi32>
      %min3A_405 = arith.minsi %sub3A_402, %min3A_404 : vector<16xi32>
      tpu.vector_store_idx %arg8[%min3A_405], %get3A_378 masked %and3A_389 : memref<8192xi32, #tpu.memory_space<vmem>>[vector<16xi32>], vector<16xi32>, vector<16xi1>
      %sub3A_406 = vector.broadcast %mul3A_2 : i32 to vector<16xi32>
      %sub3A_407 = arith.subi %get3A_382, %sub3A_406 : vector<16xi32>
      tpu.vector_store_idx %arg9[%min3A_405], %sub3A_407 masked %and3A_389 : memref<8192xi32, #tpu.memory_space<vmem>>[vector<16xi32>], vector<16xi32>, vector<16xi1>
      %add3A_408 = arith.addi %add3A_348, %all_reduce_population_count3A_398 : vector<16xi32>
      %ge3A_409 = vector.broadcast %mul3A_7 : i32 to vector<16xi32>
      %ge3A_410 = arith.cmpi sge, %get3A_382, %ge3A_409 : vector<16xi32>
      %add3A_411 = arith.constant 12800 : i32
      %add3A_412 = arith.addi %mul3A_7, %add3A_411 : i32
      %lt3A_413 = vector.broadcast %add3A_412 : i32 to vector<16xi32>
      %lt3A_414 = arith.cmpi slt, %get3A_382, %lt3A_413 : vector<16xi32>
      %and3A_415 = arith.andi %ge3A_410, %lt3A_414 : vector<16xi1>
      %jit3A_416 = arith.constant 1 : i32
      %jit3A_417 = arith.constant 0 : i32
      %broadcast_in_dim3A_418 = vector.broadcast %jit3A_416 : i32 to vector<16xi32>
      %broadcast_in_dim3A_419 = vector.broadcast %jit3A_417 : i32 to vector<16xi32>
      %select_n3A_420 = arith.select %and3A_415, %broadcast_in_dim3A_418, %broadcast_in_dim3A_419 : vector<16xi1>, vector<16xi32>
      %cumsum3A_421 = arith.constant true
      %cumsum3A_422 = vector.broadcast %cumsum3A_421 : i1 to vector<16xi1>
      %cumsum3A_423 = tpu.scan <sum>, %select_n3A_420 masked %cumsum3A_422 : vector<16xi32>, vector<16xi1> -> vector<16xi32>
      %all_reduce_population_count3A_424 = tpu.all_reduce %and3A_415 {dim = 0 : i64, kind = #tpu.reduction_kind<sum>} : vector<16xi1> -> vector<16xi32>
      %add3A_425 = arith.addi %add3A_374, %cumsum3A_423 : vector<16xi32>
      %sub3A_426 = arith.constant 1 : i32
      %sub3A_427 = vector.broadcast %sub3A_426 : i32 to vector<16xi32>
      %sub3A_428 = arith.subi %add3A_425, %sub3A_427 : vector<16xi32>
      %min3A_429 = arith.constant 8191 : i32
      %min3A_430 = vector.broadcast %min3A_429 : i32 to vector<16xi32>
      %min3A_431 = arith.minsi %sub3A_428, %min3A_430 : vector<16xi32>
      tpu.vector_store_idx %arg10[%min3A_431], %get3A_378 masked %and3A_415 : memref<8192xi32, #tpu.memory_space<vmem>>[vector<16xi32>], vector<16xi32>, vector<16xi1>
      %sub3A_432 = vector.broadcast %mul3A_7 : i32 to vector<16xi32>
      %sub3A_433 = arith.subi %get3A_382, %sub3A_432 : vector<16xi32>
      tpu.vector_store_idx %arg11[%min3A_431], %sub3A_433 masked %and3A_415 : memref<8192xi32, #tpu.memory_space<vmem>>[vector<16xi32>], vector<16xi32>, vector<16xi1>
      %add3A_434 = arith.addi %add3A_374, %all_reduce_population_count3A_424 : vector<16xi32>
      %get3A_435 = arith.constant 0 : i32
      %get3A_436 = arith.index_cast %get3A_435 : i32 to index
      %get3A_437 = arith.constant 112 : index
      %get3A_438 = tpu.vector_load %arg6[%get3A_436, %get3A_437] {strides = array<i32>} : memref<4x128xi32, #tpu.memory_space<vmem>>, vector<16xi32>,
      %get3A_439 = arith.constant 0 : i32
      %get3A_440 = arith.index_cast %get3A_439 : i32 to index
      %get3A_441 = arith.constant 112 : index
      %get3A_442 = tpu.vector_load %arg7[%get3A_440, %get3A_441] {strides = array<i32>} : memref<4x128xi32, #tpu.memory_space<vmem>>, vector<16xi32>,
      %ge3A_443 = vector.broadcast %mul3A_2 : i32 to vector<16xi32>
      %ge3A_444 = arith.cmpi sge, %get3A_442, %ge3A_443 : vector<16xi32>
      %add3A_445 = arith.constant 12800 : i32
      %add3A_446 = arith.addi %mul3A_2, %add3A_445 : i32
      %lt3A_447 = vector.broadcast %add3A_446 : i32 to vector<16xi32>
      %lt3A_448 = arith.cmpi slt, %get3A_442, %lt3A_447 : vector<16xi32>
      %and3A_449 = arith.andi %ge3A_444, %lt3A_448 : vector<16xi1>
      %jit3A_450 = arith.constant 1 : i32
      %jit3A_451 = arith.constant 0 : i32
      %broadcast_in_dim3A_452 = vector.broadcast %jit3A_450 : i32 to vector<16xi32>
      %broadcast_in_dim3A_453 = vector.broadcast %jit3A_451 : i32 to vector<16xi32>
      %select_n3A_454 = arith.select %and3A_449, %broadcast_in_dim3A_452, %broadcast_in_dim3A_453 : vector<16xi1>, vector<16xi32>
      %cumsum3A_455 = arith.constant true
      %cumsum3A_456 = vector.broadcast %cumsum3A_455 : i1 to vector<16xi1>
      %cumsum3A_457 = tpu.scan <sum>, %select_n3A_454 masked %cumsum3A_456 : vector<16xi32>, vector<16xi1> -> vector<16xi32>
      %all_reduce_population_count3A_458 = tpu.all_reduce %and3A_449 {dim = 0 : i64, kind = #tpu.reduction_kind<sum>} : vector<16xi1> -> vector<16xi32>
      %add3A_459 = arith.addi %add3A_408, %cumsum3A_457 : vector<16xi32>
      %sub3A_460 = arith.constant 1 : i32
      %sub3A_461 = vector.broadcast %sub3A_460 : i32 to vector<16xi32>
      %sub3A_462 = arith.subi %add3A_459, %sub3A_461 : vector<16xi32>
      %min3A_463 = arith.constant 8191 : i32
      %min3A_464 = vector.broadcast %min3A_463 : i32 to vector<16xi32>
      %min3A_465 = arith.minsi %sub3A_462, %min3A_464 : vector<16xi32>
      tpu.vector_store_idx %arg8[%min3A_465], %get3A_438 masked %and3A_449 : memref<8192xi32, #tpu.memory_space<vmem>>[vector<16xi32>], vector<16xi32>, vector<16xi1>
      %sub3A_466 = vector.broadcast %mul3A_2 : i32 to vector<16xi32>
      %sub3A_467 = arith.subi %get3A_442, %sub3A_466 : vector<16xi32>
      tpu.vector_store_idx %arg9[%min3A_465], %sub3A_467 masked %and3A_449 : memref<8192xi32, #tpu.memory_space<vmem>>[vector<16xi32>], vector<16xi32>, vector<16xi1>
      %add3A_468 = arith.addi %add3A_408, %all_reduce_population_count3A_458 : vector<16xi32>
      %ge3A_469 = vector.broadcast %mul3A_7 : i32 to vector<16xi32>
      %ge3A_470 = arith.cmpi sge, %get3A_442, %ge3A_469 : vector<16xi32>
      %add3A_471 = arith.constant 12800 : i32
      %add3A_472 = arith.addi %mul3A_7, %add3A_471 : i32
      %lt3A_473 = vector.broadcast %add3A_472 : i32 to vector<16xi32>
      %lt3A_474 = arith.cmpi slt, %get3A_442, %lt3A_473 : vector<16xi32>
      %and3A_475 = arith.andi %ge3A_470, %lt3A_474 : vector<16xi1>
      %jit3A_476 = arith.constant 1 : i32
      %jit3A_477 = arith.constant 0 : i32
      %broadcast_in_dim3A_478 = vector.broadcast %jit3A_476 : i32 to vector<16xi32>
      %broadcast_in_dim3A_479 = vector.broadcast %jit3A_477 : i32 to vector<16xi32>
      %select_n3A_480 = arith.select %and3A_475, %broadcast_in_dim3A_478, %broadcast_in_dim3A_479 : vector<16xi1>, vector<16xi32>
      %cumsum3A_481 = arith.constant true
      %cumsum3A_482 = vector.broadcast %cumsum3A_481 : i1 to vector<16xi1>
      %cumsum3A_483 = tpu.scan <sum>, %select_n3A_480 masked %cumsum3A_482 : vector<16xi32>, vector<16xi1> -> vector<16xi32>
      %all_reduce_population_count3A_484 = tpu.all_reduce %and3A_475 {dim = 0 : i64, kind = #tpu.reduction_kind<sum>} : vector<16xi1> -> vector<16xi32>
      %add3A_485 = arith.addi %add3A_434, %cumsum3A_483 : vector<16xi32>
      %sub3A_486 = arith.constant 1 : i32
      %sub3A_487 = vector.broadcast %sub3A_486 : i32 to vector<16xi32>
      %sub3A_488 = arith.subi %add3A_485, %sub3A_487 : vector<16xi32>
      %min3A_489 = arith.constant 8191 : i32
      %min3A_490 = vector.broadcast %min3A_489 : i32 to vector<16xi32>
      %min3A_491 = arith.minsi %sub3A_488, %min3A_490 : vector<16xi32>
      tpu.vector_store_idx %arg10[%min3A_491], %get3A_438 masked %and3A_475 : memref<8192xi32, #tpu.memory_space<vmem>>[vector<16xi32>], vector<16xi32>, vector<16xi1>
      %sub3A_492 = vector.broadcast %mul3A_7 : i32 to vector<16xi32>
      %sub3A_493 = arith.subi %get3A_442, %sub3A_492 : vector<16xi32>
      tpu.vector_store_idx %arg11[%min3A_491], %sub3A_493 masked %and3A_475 : memref<8192xi32, #tpu.memory_space<vmem>>[vector<16xi32>], vector<16xi32>, vector<16xi1>
      %add3A_494 = arith.addi %add3A_434, %all_reduce_population_count3A_484 : vector<16xi32>
      %get3A_495 = arith.constant 1 : i32
      %get3A_496 = arith.index_cast %get3A_495 : i32 to index
      %get3A_497 = arith.constant 0 : index
      %get3A_498 = tpu.vector_load %arg6[%get3A_496, %get3A_497] {strides = array<i32>} : memref<4x128xi32, #tpu.memory_space<vmem>>, vector<16xi32>,
      %get3A_499 = arith.constant 1 : i32
      %get3A_500 = arith.index_cast %get3A_499 : i32 to index
      %get3A_501 = arith.constant 0 : index
      %get3A_502 = tpu.vector_load %arg7[%get3A_500, %get3A_501] {strides = array<i32>} : memref<4x128xi32, #tpu.memory_space<vmem>>, vector<16xi32>,
      %ge3A_503 = vector.broadcast %mul3A_2 : i32 to vector<16xi32>
      %ge3A_504 = arith.cmpi sge, %get3A_502, %ge3A_503 : vector<16xi32>
      %add3A_505 = arith.constant 12800 : i32
      %add3A_506 = arith.addi %mul3A_2, %add3A_505 : i32
      %lt3A_507 = vector.broadcast %add3A_506 : i32 to vector<16xi32>
      %lt3A_508 = arith.cmpi slt, %get3A_502, %lt3A_507 : vector<16xi32>
      %and3A_509 = arith.andi %ge3A_504, %lt3A_508 : vector<16xi1>
      %jit3A_510 = arith.constant 1 : i32
      %jit3A_511 = arith.constant 0 : i32
      %broadcast_in_dim3A_512 = vector.broadcast %jit3A_510 : i32 to vector<16xi32>
      %broadcast_in_dim3A_513 = vector.broadcast %jit3A_511 : i32 to vector<16xi32>
      %select_n3A_514 = arith.select %and3A_509, %broadcast_in_dim3A_512, %broadcast_in_dim3A_513 : vector<16xi1>, vector<16xi32>
      %cumsum3A_515 = arith.constant true
      %cumsum3A_516 = vector.broadcast %cumsum3A_515 : i1 to vector<16xi1>
      %cumsum3A_517 = tpu.scan <sum>, %select_n3A_514 masked %cumsum3A_516 : vector<16xi32>, vector<16xi1> -> vector<16xi32>
      %all_reduce_population_count3A_518 = tpu.all_reduce %and3A_509 {dim = 0 : i64, kind = #tpu.reduction_kind<sum>} : vector<16xi1> -> vector<16xi32>
      %add3A_519 = arith.addi %add3A_468, %cumsum3A_517 : vector<16xi32>
      %sub3A_520 = arith.constant 1 : i32
      %sub3A_521 = vector.broadcast %sub3A_520 : i32 to vector<16xi32>
      %sub3A_522 = arith.subi %add3A_519, %sub3A_521 : vector<16xi32>
      %min3A_523 = arith.constant 8191 : i32
      %min3A_524 = vector.broadcast %min3A_523 : i32 to vector<16xi32>
      %min3A_525 = arith.minsi %sub3A_522, %min3A_524 : vector<16xi32>
      tpu.vector_store_idx %arg8[%min3A_525], %get3A_498 masked %and3A_509 : memref<8192xi32, #tpu.memory_space<vmem>>[vector<16xi32>], vector<16xi32>, vector<16xi1>
      %sub3A_526 = vector.broadcast %mul3A_2 : i32 to vector<16xi32>
      %sub3A_527 = arith.subi %get3A_502, %sub3A_526 : vector<16xi32>
      tpu.vector_store_idx %arg9[%min3A_525], %sub3A_527 masked %and3A_509 : memref<8192xi32, #tpu.memory_space<vmem>>[vector<16xi32>], vector<16xi32>, vector<16xi1>
      %add3A_528 = arith.addi %add3A_468, %all_reduce_population_count3A_518 : vector<16xi32>
      %ge3A_529 = vector.broadcast %mul3A_7 : i32 to vector<16xi32>
      %ge3A_530 = arith.cmpi sge, %get3A_502, %ge3A_529 : vector<16xi32>
      %add3A_531 = arith.constant 12800 : i32
      %add3A_532 = arith.addi %mul3A_7, %add3A_531 : i32
      %lt3A_533 = vector.broadcast %add3A_532 : i32 to vector<16xi32>
      %lt3A_534 = arith.cmpi slt, %get3A_502, %lt3A_533 : vector<16xi32>
      %and3A_535 = arith.andi %ge3A_530, %lt3A_534 : vector<16xi1>
      %jit3A_536 = arith.constant 1 : i32
      %jit3A_537 = arith.constant 0 : i32
      %broadcast_in_dim3A_538 = vector.broadcast %jit3A_536 : i32 to vector<16xi32>
      %broadcast_in_dim3A_539 = vector.broadcast %jit3A_537 : i32 to vector<16xi32>
      %select_n3A_540 = arith.select %and3A_535, %broadcast_in_dim3A_538, %broadcast_in_dim3A_539 : vector<16xi1>, vector<16xi32>
      %cumsum3A_541 = arith.constant true
      %cumsum3A_542 = vector.broadcast %cumsum3A_541 : i1 to vector<16xi1>
      %cumsum3A_543 = tpu.scan <sum>, %select_n3A_540 masked %cumsum3A_542 : vector<16xi32>, vector<16xi1> -> vector<16xi32>
      %all_reduce_population_count3A_544 = tpu.all_reduce %and3A_535 {dim = 0 : i64, kind = #tpu.reduction_kind<sum>} : vector<16xi1> -> vector<16xi32>
      %add3A_545 = arith.addi %add3A_494, %cumsum3A_543 : vector<16xi32>
      %sub3A_546 = arith.constant 1 : i32
      %sub3A_547 = vector.broadcast %sub3A_546 : i32 to vector<16xi32>
      %sub3A_548 = arith.subi %add3A_545, %sub3A_547 : vector<16xi32>
      %min3A_549 = arith.constant 8191 : i32
      %min3A_550 = vector.broadcast %min3A_549 : i32 to vector<16xi32>
      %min3A_551 = arith.minsi %sub3A_548, %min3A_550 : vector<16xi32>
      tpu.vector_store_idx %arg10[%min3A_551], %get3A_498 masked %and3A_535 : memref<8192xi32, #tpu.memory_space<vmem>>[vector<16xi32>], vector<16xi32>, vector<16xi1>
      %sub3A_552 = vector.broadcast %mul3A_7 : i32 to vector<16xi32>
      %sub3A_553 = arith.subi %get3A_502, %sub3A_552 : vector<16xi32>
      tpu.vector_store_idx %arg11[%min3A_551], %sub3A_553 masked %and3A_535 : memref<8192xi32, #tpu.memory_space<vmem>>[vector<16xi32>], vector<16xi32>, vector<16xi1>
      %add3A_554 = arith.addi %add3A_494, %all_reduce_population_count3A_544 : vector<16xi32>
      %get3A_555 = arith.constant 1 : i32
      %get3A_556 = arith.index_cast %get3A_555 : i32 to index
      %get3A_557 = arith.constant 16 : index
      %get3A_558 = tpu.vector_load %arg6[%get3A_556, %get3A_557] {strides = array<i32>} : memref<4x128xi32, #tpu.memory_space<vmem>>, vector<16xi32>,
      %get3A_559 = arith.constant 1 : i32
      %get3A_560 = arith.index_cast %get3A_559 : i32 to index
      %get3A_561 = arith.constant 16 : index
      %get3A_562 = tpu.vector_load %arg7[%get3A_560, %get3A_561] {strides = array<i32>} : memref<4x128xi32, #tpu.memory_space<vmem>>, vector<16xi32>,
      %ge3A_563 = vector.broadcast %mul3A_2 : i32 to vector<16xi32>
      %ge3A_564 = arith.cmpi sge, %get3A_562, %ge3A_563 : vector<16xi32>
      %add3A_565 = arith.constant 12800 : i32
      %add3A_566 = arith.addi %mul3A_2, %add3A_565 : i32
      %lt3A_567 = vector.broadcast %add3A_566 : i32 to vector<16xi32>
      %lt3A_568 = arith.cmpi slt, %get3A_562, %lt3A_567 : vector<16xi32>
      %and3A_569 = arith.andi %ge3A_564, %lt3A_568 : vector<16xi1>
      %jit3A_570 = arith.constant 1 : i32
      %jit3A_571 = arith.constant 0 : i32
      %broadcast_in_dim3A_572 = vector.broadcast %jit3A_570 : i32 to vector<16xi32>
      %broadcast_in_dim3A_573 = vector.broadcast %jit3A_571 : i32 to vector<16xi32>
      %select_n3A_574 = arith.select %and3A_569, %broadcast_in_dim3A_572, %broadcast_in_dim3A_573 : vector<16xi1>, vector<16xi32>
      %cumsum3A_575 = arith.constant true
      %cumsum3A_576 = vector.broadcast %cumsum3A_575 : i1 to vector<16xi1>
      %cumsum3A_577 = tpu.scan <sum>, %select_n3A_574 masked %cumsum3A_576 : vector<16xi32>, vector<16xi1> -> vector<16xi32>
      %all_reduce_population_count3A_578 = tpu.all_reduce %and3A_569 {dim = 0 : i64, kind = #tpu.reduction_kind<sum>} : vector<16xi1> -> vector<16xi32>
      %add3A_579 = arith.addi %add3A_528, %cumsum3A_577 : vector<16xi32>
      %sub3A_580 = arith.constant 1 : i32
      %sub3A_581 = vector.broadcast %sub3A_580 : i32 to vector<16xi32>
      %sub3A_582 = arith.subi %add3A_579, %sub3A_581 : vector<16xi32>
      %min3A_583 = arith.constant 8191 : i32
      %min3A_584 = vector.broadcast %min3A_583 : i32 to vector<16xi32>
      %min3A_585 = arith.minsi %sub3A_582, %min3A_584 : vector<16xi32>
      tpu.vector_store_idx %arg8[%min3A_585], %get3A_558 masked %and3A_569 : memref<8192xi32, #tpu.memory_space<vmem>>[vector<16xi32>], vector<16xi32>, vector<16xi1>
      %sub3A_586 = vector.broadcast %mul3A_2 : i32 to vector<16xi32>
      %sub3A_587 = arith.subi %get3A_562, %sub3A_586 : vector<16xi32>
      tpu.vector_store_idx %arg9[%min3A_585], %sub3A_587 masked %and3A_569 : memref<8192xi32, #tpu.memory_space<vmem>>[vector<16xi32>], vector<16xi32>, vector<16xi1>
      %add3A_588 = arith.addi %add3A_528, %all_reduce_population_count3A_578 : vector<16xi32>
      %ge3A_589 = vector.broadcast %mul3A_7 : i32 to vector<16xi32>
      %ge3A_590 = arith.cmpi sge, %get3A_562, %ge3A_589 : vector<16xi32>
      %add3A_591 = arith.constant 12800 : i32
      %add3A_592 = arith.addi %mul3A_7, %add3A_591 : i32
      %lt3A_593 = vector.broadcast %add3A_592 : i32 to vector<16xi32>
      %lt3A_594 = arith.cmpi slt, %get3A_562, %lt3A_593 : vector<16xi32>
      %and3A_595 = arith.andi %ge3A_590, %lt3A_594 : vector<16xi1>
      %jit3A_596 = arith.constant 1 : i32
      %jit3A_597 = arith.constant 0 : i32
      %broadcast_in_dim3A_598 = vector.broadcast %jit3A_596 : i32 to vector<16xi32>
      %broadcast_in_dim3A_599 = vector.broadcast %jit3A_597 : i32 to vector<16xi32>
      %select_n3A_600 = arith.select %and3A_595, %broadcast_in_dim3A_598, %broadcast_in_dim3A_599 : vector<16xi1>, vector<16xi32>
      %cumsum3A_601 = arith.constant true
      %cumsum3A_602 = vector.broadcast %cumsum3A_601 : i1 to vector<16xi1>
      %cumsum3A_603 = tpu.scan <sum>, %select_n3A_600 masked %cumsum3A_602 : vector<16xi32>, vector<16xi1> -> vector<16xi32>
      %all_reduce_population_count3A_604 = tpu.all_reduce %and3A_595 {dim = 0 : i64, kind = #tpu.reduction_kind<sum>} : vector<16xi1> -> vector<16xi32>
      %add3A_605 = arith.addi %add3A_554, %cumsum3A_603 : vector<16xi32>
      %sub3A_606 = arith.constant 1 : i32
      %sub3A_607 = vector.broadcast %sub3A_606 : i32 to vector<16xi32>
      %sub3A_608 = arith.subi %add3A_605, %sub3A_607 : vector<16xi32>
      %min3A_609 = arith.constant 8191 : i32
      %min3A_610 = vector.broadcast %min3A_609 : i32 to vector<16xi32>
      %min3A_611 = arith.minsi %sub3A_608, %min3A_610 : vector<16xi32>
      tpu.vector_store_idx %arg10[%min3A_611], %get3A_558 masked %and3A_595 : memref<8192xi32, #tpu.memory_space<vmem>>[vector<16xi32>], vector<16xi32>, vector<16xi1>
      %sub3A_612 = vector.broadcast %mul3A_7 : i32 to vector<16xi32>
      %sub3A_613 = arith.subi %get3A_562, %sub3A_612 : vector<16xi32>
      tpu.vector_store_idx %arg11[%min3A_611], %sub3A_613 masked %and3A_595 : memref<8192xi32, #tpu.memory_space<vmem>>[vector<16xi32>], vector<16xi32>, vector<16xi1>
      %add3A_614 = arith.addi %add3A_554, %all_reduce_population_count3A_604 : vector<16xi32>
      %get3A_615 = arith.constant 1 : i32
      %get3A_616 = arith.index_cast %get3A_615 : i32 to index
      %get3A_617 = arith.constant 32 : index
      %get3A_618 = tpu.vector_load %arg6[%get3A_616, %get3A_617] {strides = array<i32>} : memref<4x128xi32, #tpu.memory_space<vmem>>, vector<16xi32>,
      %get3A_619 = arith.constant 1 : i32
      %get3A_620 = arith.index_cast %get3A_619 : i32 to index
      %get3A_621 = arith.constant 32 : index
      %get3A_622 = tpu.vector_load %arg7[%get3A_620, %get3A_621] {strides = array<i32>} : memref<4x128xi32, #tpu.memory_space<vmem>>, vector<16xi32>,
      %ge3A_623 = vector.broadcast %mul3A_2 : i32 to vector<16xi32>
      %ge3A_624 = arith.cmpi sge, %get3A_622, %ge3A_623 : vector<16xi32>
      %add3A_625 = arith.constant 12800 : i32
      %add3A_626 = arith.addi %mul3A_2, %add3A_625 : i32
      %lt3A_627 = vector.broadcast %add3A_626 : i32 to vector<16xi32>
      %lt3A_628 = arith.cmpi slt, %get3A_622, %lt3A_627 : vector<16xi32>
      %and3A_629 = arith.andi %ge3A_624, %lt3A_628 : vector<16xi1>
      %jit3A_630 = arith.constant 1 : i32
      %jit3A_631 = arith.constant 0 : i32
      %broadcast_in_dim3A_632 = vector.broadcast %jit3A_630 : i32 to vector<16xi32>
      %broadcast_in_dim3A_633 = vector.broadcast %jit3A_631 : i32 to vector<16xi32>
      %select_n3A_634 = arith.select %and3A_629, %broadcast_in_dim3A_632, %broadcast_in_dim3A_633 : vector<16xi1>, vector<16xi32>
      %cumsum3A_635 = arith.constant true
      %cumsum3A_636 = vector.broadcast %cumsum3A_635 : i1 to vector<16xi1>
      %cumsum3A_637 = tpu.scan <sum>, %select_n3A_634 masked %cumsum3A_636 : vector<16xi32>, vector<16xi1> -> vector<16xi32>
      %all_reduce_population_count3A_638 = tpu.all_reduce %and3A_629 {dim = 0 : i64, kind = #tpu.reduction_kind<sum>} : vector<16xi1> -> vector<16xi32>
      %add3A_639 = arith.addi %add3A_588, %cumsum3A_637 : vector<16xi32>
      %sub3A_640 = arith.constant 1 : i32
      %sub3A_641 = vector.broadcast %sub3A_640 : i32 to vector<16xi32>
      %sub3A_642 = arith.subi %add3A_639, %sub3A_641 : vector<16xi32>
      %min3A_643 = arith.constant 8191 : i32
      %min3A_644 = vector.broadcast %min3A_643 : i32 to vector<16xi32>
      %min3A_645 = arith.minsi %sub3A_642, %min3A_644 : vector<16xi32>
      tpu.vector_store_idx %arg8[%min3A_645], %get3A_618 masked %and3A_629 : memref<8192xi32, #tpu.memory_space<vmem>>[vector<16xi32>], vector<16xi32>, vector<16xi1>
      %sub3A_646 = vector.broadcast %mul3A_2 : i32 to vector<16xi32>
      %sub3A_647 = arith.subi %get3A_622, %sub3A_646 : vector<16xi32>
      tpu.vector_store_idx %arg9[%min3A_645], %sub3A_647 masked %and3A_629 : memref<8192xi32, #tpu.memory_space<vmem>>[vector<16xi32>], vector<16xi32>, vector<16xi1>
      %add3A_648 = arith.addi %add3A_588, %all_reduce_population_count3A_638 : vector<16xi32>
      %ge3A_649 = vector.broadcast %mul3A_7 : i32 to vector<16xi32>
      %ge3A_650 = arith.cmpi sge, %get3A_622, %ge3A_649 : vector<16xi32>
      %add3A_651 = arith.constant 12800 : i32
      %add3A_652 = arith.addi %mul3A_7, %add3A_651 : i32
      %lt3A_653 = vector.broadcast %add3A_652 : i32 to vector<16xi32>
      %lt3A_654 = arith.cmpi slt, %get3A_622, %lt3A_653 : vector<16xi32>
      %and3A_655 = arith.andi %ge3A_650, %lt3A_654 : vector<16xi1>
      %jit3A_656 = arith.constant 1 : i32
      %jit3A_657 = arith.constant 0 : i32
      %broadcast_in_dim3A_658 = vector.broadcast %jit3A_656 : i32 to vector<16xi32>
      %broadcast_in_dim3A_659 = vector.broadcast %jit3A_657 : i32 to vector<16xi32>
      %select_n3A_660 = arith.select %and3A_655, %broadcast_in_dim3A_658, %broadcast_in_dim3A_659 : vector<16xi1>, vector<16xi32>
      %cumsum3A_661 = arith.constant true
      %cumsum3A_662 = vector.broadcast %cumsum3A_661 : i1 to vector<16xi1>
      %cumsum3A_663 = tpu.scan <sum>, %select_n3A_660 masked %cumsum3A_662 : vector<16xi32>, vector<16xi1> -> vector<16xi32>
      %all_reduce_population_count3A_664 = tpu.all_reduce %and3A_655 {dim = 0 : i64, kind = #tpu.reduction_kind<sum>} : vector<16xi1> -> vector<16xi32>
      %add3A_665 = arith.addi %add3A_614, %cumsum3A_663 : vector<16xi32>
      %sub3A_666 = arith.constant 1 : i32
      %sub3A_667 = vector.broadcast %sub3A_666 : i32 to vector<16xi32>
      %sub3A_668 = arith.subi %add3A_665, %sub3A_667 : vector<16xi32>
      %min3A_669 = arith.constant 8191 : i32
      %min3A_670 = vector.broadcast %min3A_669 : i32 to vector<16xi32>
      %min3A_671 = arith.minsi %sub3A_668, %min3A_670 : vector<16xi32>
      tpu.vector_store_idx %arg10[%min3A_671], %get3A_618 masked %and3A_655 : memref<8192xi32, #tpu.memory_space<vmem>>[vector<16xi32>], vector<16xi32>, vector<16xi1>
      %sub3A_672 = vector.broadcast %mul3A_7 : i32 to vector<16xi32>
      %sub3A_673 = arith.subi %get3A_622, %sub3A_672 : vector<16xi32>
      tpu.vector_store_idx %arg11[%min3A_671], %sub3A_673 masked %and3A_655 : memref<8192xi32, #tpu.memory_space<vmem>>[vector<16xi32>], vector<16xi32>, vector<16xi1>
      %add3A_674 = arith.addi %add3A_614, %all_reduce_population_count3A_664 : vector<16xi32>
      %get3A_675 = arith.constant 1 : i32
      %get3A_676 = arith.index_cast %get3A_675 : i32 to index
      %get3A_677 = arith.constant 48 : index
      %get3A_678 = tpu.vector_load %arg6[%get3A_676, %get3A_677] {strides = array<i32>} : memref<4x128xi32, #tpu.memory_space<vmem>>, vector<16xi32>,
      %get3A_679 = arith.constant 1 : i32
      %get3A_680 = arith.index_cast %get3A_679 : i32 to index
      %get3A_681 = arith.constant 48 : index
      %get3A_682 = tpu.vector_load %arg7[%get3A_680, %get3A_681] {strides = array<i32>} : memref<4x128xi32, #tpu.memory_space<vmem>>, vector<16xi32>,
      %ge3A_683 = vector.broadcast %mul3A_2 : i32 to vector<16xi32>
      %ge3A_684 = arith.cmpi sge, %get3A_682, %ge3A_683 : vector<16xi32>
      %add3A_685 = arith.constant 12800 : i32
      %add3A_686 = arith.addi %mul3A_2, %add3A_685 : i32
      %lt3A_687 = vector.broadcast %add3A_686 : i32 to vector<16xi32>
      %lt3A_688 = arith.cmpi slt, %get3A_682, %lt3A_687 : vector<16xi32>
      %and3A_689 = arith.andi %ge3A_684, %lt3A_688 : vector<16xi1>
      %jit3A_690 = arith.constant 1 : i32
      %jit3A_691 = arith.constant 0 : i32
      %broadcast_in_dim3A_692 = vector.broadcast %jit3A_690 : i32 to vector<16xi32>
      %broadcast_in_dim3A_693 = vector.broadcast %jit3A_691 : i32 to vector<16xi32>
      %select_n3A_694 = arith.select %and3A_689, %broadcast_in_dim3A_692, %broadcast_in_dim3A_693 : vector<16xi1>, vector<16xi32>
      %cumsum3A_695 = arith.constant true
      %cumsum3A_696 = vector.broadcast %cumsum3A_695 : i1 to vector<16xi1>
      %cumsum3A_697 = tpu.scan <sum>, %select_n3A_694 masked %cumsum3A_696 : vector<16xi32>, vector<16xi1> -> vector<16xi32>
      %all_reduce_population_count3A_698 = tpu.all_reduce %and3A_689 {dim = 0 : i64, kind = #tpu.reduction_kind<sum>} : vector<16xi1> -> vector<16xi32>
      %add3A_699 = arith.addi %add3A_648, %cumsum3A_697 : vector<16xi32>
      %sub3A_700 = arith.constant 1 : i32
      %sub3A_701 = vector.broadcast %sub3A_700 : i32 to vector<16xi32>
      %sub3A_702 = arith.subi %add3A_699, %sub3A_701 : vector<16xi32>
      %min3A_703 = arith.constant 8191 : i32
      %min3A_704 = vector.broadcast %min3A_703 : i32 to vector<16xi32>
      %min3A_705 = arith.minsi %sub3A_702, %min3A_704 : vector<16xi32>
      tpu.vector_store_idx %arg8[%min3A_705], %get3A_678 masked %and3A_689 : memref<8192xi32, #tpu.memory_space<vmem>>[vector<16xi32>], vector<16xi32>, vector<16xi1>
      %sub3A_706 = vector.broadcast %mul3A_2 : i32 to vector<16xi32>
      %sub3A_707 = arith.subi %get3A_682, %sub3A_706 : vector<16xi32>
      tpu.vector_store_idx %arg9[%min3A_705], %sub3A_707 masked %and3A_689 : memref<8192xi32, #tpu.memory_space<vmem>>[vector<16xi32>], vector<16xi32>, vector<16xi1>
      %add3A_708 = arith.addi %add3A_648, %all_reduce_population_count3A_698 : vector<16xi32>
      %ge3A_709 = vector.broadcast %mul3A_7 : i32 to vector<16xi32>
      %ge3A_710 = arith.cmpi sge, %get3A_682, %ge3A_709 : vector<16xi32>
      %add3A_711 = arith.constant 12800 : i32
      %add3A_712 = arith.addi %mul3A_7, %add3A_711 : i32
      %lt3A_713 = vector.broadcast %add3A_712 : i32 to vector<16xi32>
      %lt3A_714 = arith.cmpi slt, %get3A_682, %lt3A_713 : vector<16xi32>
      %and3A_715 = arith.andi %ge3A_710, %lt3A_714 : vector<16xi1>
      %jit3A_716 = arith.constant 1 : i32
      %jit3A_717 = arith.constant 0 : i32
      %broadcast_in_dim3A_718 = vector.broadcast %jit3A_716 : i32 to vector<16xi32>
      %broadcast_in_dim3A_719 = vector.broadcast %jit3A_717 : i32 to vector<16xi32>
      %select_n3A_720 = arith.select %and3A_715, %broadcast_in_dim3A_718, %broadcast_in_dim3A_719 : vector<16xi1>, vector<16xi32>
      %cumsum3A_721 = arith.constant true
      %cumsum3A_722 = vector.broadcast %cumsum3A_721 : i1 to vector<16xi1>
      %cumsum3A_723 = tpu.scan <sum>, %select_n3A_720 masked %cumsum3A_722 : vector<16xi32>, vector<16xi1> -> vector<16xi32>
      %all_reduce_population_count3A_724 = tpu.all_reduce %and3A_715 {dim = 0 : i64, kind = #tpu.reduction_kind<sum>} : vector<16xi1> -> vector<16xi32>
      %add3A_725 = arith.addi %add3A_674, %cumsum3A_723 : vector<16xi32>
      %sub3A_726 = arith.constant 1 : i32
      %sub3A_727 = vector.broadcast %sub3A_726 : i32 to vector<16xi32>
      %sub3A_728 = arith.subi %add3A_725, %sub3A_727 : vector<16xi32>
      %min3A_729 = arith.constant 8191 : i32
      %min3A_730 = vector.broadcast %min3A_729 : i32 to vector<16xi32>
      %min3A_731 = arith.minsi %sub3A_728, %min3A_730 : vector<16xi32>
      tpu.vector_store_idx %arg10[%min3A_731], %get3A_678 masked %and3A_715 : memref<8192xi32, #tpu.memory_space<vmem>>[vector<16xi32>], vector<16xi32>, vector<16xi1>
      %sub3A_732 = vector.broadcast %mul3A_7 : i32 to vector<16xi32>
      %sub3A_733 = arith.subi %get3A_682, %sub3A_732 : vector<16xi32>
      tpu.vector_store_idx %arg11[%min3A_731], %sub3A_733 masked %and3A_715 : memref<8192xi32, #tpu.memory_space<vmem>>[vector<16xi32>], vector<16xi32>, vector<16xi1>
      %add3A_734 = arith.addi %add3A_674, %all_reduce_population_count3A_724 : vector<16xi32>
      %get3A_735 = arith.constant 1 : i32
      %get3A_736 = arith.index_cast %get3A_735 : i32 to index
      %get3A_737 = arith.constant 64 : index
      %get3A_738 = tpu.vector_load %arg6[%get3A_736, %get3A_737] {strides = array<i32>} : memref<4x128xi32, #tpu.memory_space<vmem>>, vector<16xi32>,
      %get3A_739 = arith.constant 1 : i32
      %get3A_740 = arith.index_cast %get3A_739 : i32 to index
      %get3A_741 = arith.constant 64 : index
      %get3A_742 = tpu.vector_load %arg7[%get3A_740, %get3A_741] {strides = array<i32>} : memref<4x128xi32, #tpu.memory_space<vmem>>, vector<16xi32>,
      %ge3A_743 = vector.broadcast %mul3A_2 : i32 to vector<16xi32>
      %ge3A_744 = arith.cmpi sge, %get3A_742, %ge3A_743 : vector<16xi32>
      %add3A_745 = arith.constant 12800 : i32
      %add3A_746 = arith.addi %mul3A_2, %add3A_745 : i32
      %lt3A_747 = vector.broadcast %add3A_746 : i32 to vector<16xi32>
      %lt3A_748 = arith.cmpi slt, %get3A_742, %lt3A_747 : vector<16xi32>
      %and3A_749 = arith.andi %ge3A_744, %lt3A_748 : vector<16xi1>
      %jit3A_750 = arith.constant 1 : i32
      %jit3A_751 = arith.constant 0 : i32
      %broadcast_in_dim3A_752 = vector.broadcast %jit3A_750 : i32 to vector<16xi32>
      %broadcast_in_dim3A_753 = vector.broadcast %jit3A_751 : i32 to vector<16xi32>
      %select_n3A_754 = arith.select %and3A_749, %broadcast_in_dim3A_752, %broadcast_in_dim3A_753 : vector<16xi1>, vector<16xi32>
      %cumsum3A_755 = arith.constant true
      %cumsum3A_756 = vector.broadcast %cumsum3A_755 : i1 to vector<16xi1>
      %cumsum3A_757 = tpu.scan <sum>, %select_n3A_754 masked %cumsum3A_756 : vector<16xi32>, vector<16xi1> -> vector<16xi32>
      %all_reduce_population_count3A_758 = tpu.all_reduce %and3A_749 {dim = 0 : i64, kind = #tpu.reduction_kind<sum>} : vector<16xi1> -> vector<16xi32>
      %add3A_759 = arith.addi %add3A_708, %cumsum3A_757 : vector<16xi32>
      %sub3A_760 = arith.constant 1 : i32
      %sub3A_761 = vector.broadcast %sub3A_760 : i32 to vector<16xi32>
      %sub3A_762 = arith.subi %add3A_759, %sub3A_761 : vector<16xi32>
      %min3A_763 = arith.constant 8191 : i32
      %min3A_764 = vector.broadcast %min3A_763 : i32 to vector<16xi32>
      %min3A_765 = arith.minsi %sub3A_762, %min3A_764 : vector<16xi32>
      tpu.vector_store_idx %arg8[%min3A_765], %get3A_738 masked %and3A_749 : memref<8192xi32, #tpu.memory_space<vmem>>[vector<16xi32>], vector<16xi32>, vector<16xi1>
      %sub3A_766 = vector.broadcast %mul3A_2 : i32 to vector<16xi32>
      %sub3A_767 = arith.subi %get3A_742, %sub3A_766 : vector<16xi32>
      tpu.vector_store_idx %arg9[%min3A_765], %sub3A_767 masked %and3A_749 : memref<8192xi32, #tpu.memory_space<vmem>>[vector<16xi32>], vector<16xi32>, vector<16xi1>
      %add3A_768 = arith.addi %add3A_708, %all_reduce_population_count3A_758 : vector<16xi32>
      %ge3A_769 = vector.broadcast %mul3A_7 : i32 to vector<16xi32>
      %ge3A_770 = arith.cmpi sge, %get3A_742, %ge3A_769 : vector<16xi32>
      %add3A_771 = arith.constant 12800 : i32
      %add3A_772 = arith.addi %mul3A_7, %add3A_771 : i32
      %lt3A_773 = vector.broadcast %add3A_772 : i32 to vector<16xi32>
      %lt3A_774 = arith.cmpi slt, %get3A_742, %lt3A_773 : vector<16xi32>
      %and3A_775 = arith.andi %ge3A_770, %lt3A_774 : vector<16xi1>
      %jit3A_776 = arith.constant 1 : i32
      %jit3A_777 = arith.constant 0 : i32
      %broadcast_in_dim3A_778 = vector.broadcast %jit3A_776 : i32 to vector<16xi32>
      %broadcast_in_dim3A_779 = vector.broadcast %jit3A_777 : i32 to vector<16xi32>
      %select_n3A_780 = arith.select %and3A_775, %broadcast_in_dim3A_778, %broadcast_in_dim3A_779 : vector<16xi1>, vector<16xi32>
      %cumsum3A_781 = arith.constant true
      %cumsum3A_782 = vector.broadcast %cumsum3A_781 : i1 to vector<16xi1>
      %cumsum3A_783 = tpu.scan <sum>, %select_n3A_780 masked %cumsum3A_782 : vector<16xi32>, vector<16xi1> -> vector<16xi32>
      %all_reduce_population_count3A_784 = tpu.all_reduce %and3A_775 {dim = 0 : i64, kind = #tpu.reduction_kind<sum>} : vector<16xi1> -> vector<16xi32>
      %add3A_785 = arith.addi %add3A_734, %cumsum3A_783 : vector<16xi32>
      %sub3A_786 = arith.constant 1 : i32
      %sub3A_787 = vector.broadcast %sub3A_786 : i32 to vector<16xi32>
      %sub3A_788 = arith.subi %add3A_785, %sub3A_787 : vector<16xi32>
      %min3A_789 = arith.constant 8191 : i32
      %min3A_790 = vector.broadcast %min3A_789 : i32 to vector<16xi32>
      %min3A_791 = arith.minsi %sub3A_788, %min3A_790 : vector<16xi32>
      tpu.vector_store_idx %arg10[%min3A_791], %get3A_738 masked %and3A_775 : memref<8192xi32, #tpu.memory_space<vmem>>[vector<16xi32>], vector<16xi32>, vector<16xi1>
      %sub3A_792 = vector.broadcast %mul3A_7 : i32 to vector<16xi32>
      %sub3A_793 = arith.subi %get3A_742, %sub3A_792 : vector<16xi32>
      tpu.vector_store_idx %arg11[%min3A_791], %sub3A_793 masked %and3A_775 : memref<8192xi32, #tpu.memory_space<vmem>>[vector<16xi32>], vector<16xi32>, vector<16xi1>
      %add3A_794 = arith.addi %add3A_734, %all_reduce_population_count3A_784 : vector<16xi32>
      %get3A_795 = arith.constant 1 : i32
      %get3A_796 = arith.index_cast %get3A_795 : i32 to index
      %get3A_797 = arith.constant 80 : index
      %get3A_798 = tpu.vector_load %arg6[%get3A_796, %get3A_797] {strides = array<i32>} : memref<4x128xi32, #tpu.memory_space<vmem>>, vector<16xi32>,
      %get3A_799 = arith.constant 1 : i32
      %get3A_800 = arith.index_cast %get3A_799 : i32 to index
      %get3A_801 = arith.constant 80 : index
      %get3A_802 = tpu.vector_load %arg7[%get3A_800, %get3A_801] {strides = array<i32>} : memref<4x128xi32, #tpu.memory_space<vmem>>, vector<16xi32>,
      %ge3A_803 = vector.broadcast %mul3A_2 : i32 to vector<16xi32>
      %ge3A_804 = arith.cmpi sge, %get3A_802, %ge3A_803 : vector<16xi32>
      %add3A_805 = arith.constant 12800 : i32
      %add3A_806 = arith.addi %mul3A_2, %add3A_805 : i32
      %lt3A_807 = vector.broadcast %add3A_806 : i32 to vector<16xi32>
      %lt3A_808 = arith.cmpi slt, %get3A_802, %lt3A_807 : vector<16xi32>
      %and3A_809 = arith.andi %ge3A_804, %lt3A_808 : vector<16xi1>
      %jit3A_810 = arith.constant 1 : i32
      %jit3A_811 = arith.constant 0 : i32
      %broadcast_in_dim3A_812 = vector.broadcast %jit3A_810 : i32 to vector<16xi32>
      %broadcast_in_dim3A_813 = vector.broadcast %jit3A_811 : i32 to vector<16xi32>
      %select_n3A_814 = arith.select %and3A_809, %broadcast_in_dim3A_812, %broadcast_in_dim3A_813 : vector<16xi1>, vector<16xi32>
      %cumsum3A_815 = arith.constant true
      %cumsum3A_816 = vector.broadcast %cumsum3A_815 : i1 to vector<16xi1>
      %cumsum3A_817 = tpu.scan <sum>, %select_n3A_814 masked %cumsum3A_816 : vector<16xi32>, vector<16xi1> -> vector<16xi32>
      %all_reduce_population_count3A_818 = tpu.all_reduce %and3A_809 {dim = 0 : i64, kind = #tpu.reduction_kind<sum>} : vector<16xi1> -> vector<16xi32>
      %add3A_819 = arith.addi %add3A_768, %cumsum3A_817 : vector<16xi32>
      %sub3A_820 = arith.constant 1 : i32
      %sub3A_821 = vector.broadcast %sub3A_820 : i32 to vector<16xi32>
      %sub3A_822 = arith.subi %add3A_819, %sub3A_821 : vector<16xi32>
      %min3A_823 = arith.constant 8191 : i32
      %min3A_824 = vector.broadcast %min3A_823 : i32 to vector<16xi32>
      %min3A_825 = arith.minsi %sub3A_822, %min3A_824 : vector<16xi32>
      tpu.vector_store_idx %arg8[%min3A_825], %get3A_798 masked %and3A_809 : memref<8192xi32, #tpu.memory_space<vmem>>[vector<16xi32>], vector<16xi32>, vector<16xi1>
      %sub3A_826 = vector.broadcast %mul3A_2 : i32 to vector<16xi32>
      %sub3A_827 = arith.subi %get3A_802, %sub3A_826 : vector<16xi32>
      tpu.vector_store_idx %arg9[%min3A_825], %sub3A_827 masked %and3A_809 : memref<8192xi32, #tpu.memory_space<vmem>>[vector<16xi32>], vector<16xi32>, vector<16xi1>
      %add3A_828 = arith.addi %add3A_768, %all_reduce_population_count3A_818 : vector<16xi32>
      %ge3A_829 = vector.broadcast %mul3A_7 : i32 to vector<16xi32>
      %ge3A_830 = arith.cmpi sge, %get3A_802, %ge3A_829 : vector<16xi32>
      %add3A_831 = arith.constant 12800 : i32
      %add3A_832 = arith.addi %mul3A_7, %add3A_831 : i32
      %lt3A_833 = vector.broadcast %add3A_832 : i32 to vector<16xi32>
      %lt3A_834 = arith.cmpi slt, %get3A_802, %lt3A_833 : vector<16xi32>
      %and3A_835 = arith.andi %ge3A_830, %lt3A_834 : vector<16xi1>
      %jit3A_836 = arith.constant 1 : i32
      %jit3A_837 = arith.constant 0 : i32
      %broadcast_in_dim3A_838 = vector.broadcast %jit3A_836 : i32 to vector<16xi32>
      %broadcast_in_dim3A_839 = vector.broadcast %jit3A_837 : i32 to vector<16xi32>
      %select_n3A_840 = arith.select %and3A_835, %broadcast_in_dim3A_838, %broadcast_in_dim3A_839 : vector<16xi1>, vector<16xi32>
      %cumsum3A_841 = arith.constant true
      %cumsum3A_842 = vector.broadcast %cumsum3A_841 : i1 to vector<16xi1>
      %cumsum3A_843 = tpu.scan <sum>, %select_n3A_840 masked %cumsum3A_842 : vector<16xi32>, vector<16xi1> -> vector<16xi32>
      %all_reduce_population_count3A_844 = tpu.all_reduce %and3A_835 {dim = 0 : i64, kind = #tpu.reduction_kind<sum>} : vector<16xi1> -> vector<16xi32>
      %add3A_845 = arith.addi %add3A_794, %cumsum3A_843 : vector<16xi32>
      %sub3A_846 = arith.constant 1 : i32
      %sub3A_847 = vector.broadcast %sub3A_846 : i32 to vector<16xi32>
      %sub3A_848 = arith.subi %add3A_845, %sub3A_847 : vector<16xi32>
      %min3A_849 = arith.constant 8191 : i32
      %min3A_850 = vector.broadcast %min3A_849 : i32 to vector<16xi32>
      %min3A_851 = arith.minsi %sub3A_848, %min3A_850 : vector<16xi32>
      tpu.vector_store_idx %arg10[%min3A_851], %get3A_798 masked %and3A_835 : memref<8192xi32, #tpu.memory_space<vmem>>[vector<16xi32>], vector<16xi32>, vector<16xi1>
      %sub3A_852 = vector.broadcast %mul3A_7 : i32 to vector<16xi32>
      %sub3A_853 = arith.subi %get3A_802, %sub3A_852 : vector<16xi32>
      tpu.vector_store_idx %arg11[%min3A_851], %sub3A_853 masked %and3A_835 : memref<8192xi32, #tpu.memory_space<vmem>>[vector<16xi32>], vector<16xi32>, vector<16xi1>
      %add3A_854 = arith.addi %add3A_794, %all_reduce_population_count3A_844 : vector<16xi32>
      %get3A_855 = arith.constant 1 : i32
      %get3A_856 = arith.index_cast %get3A_855 : i32 to index
      %get3A_857 = arith.constant 96 : index
      %get3A_858 = tpu.vector_load %arg6[%get3A_856, %get3A_857] {strides = array<i32>} : memref<4x128xi32, #tpu.memory_space<vmem>>, vector<16xi32>,
      %get3A_859 = arith.constant 1 : i32
      %get3A_860 = arith.index_cast %get3A_859 : i32 to index
      %get3A_861 = arith.constant 96 : index
      %get3A_862 = tpu.vector_load %arg7[%get3A_860, %get3A_861] {strides = array<i32>} : memref<4x128xi32, #tpu.memory_space<vmem>>, vector<16xi32>,
      %ge3A_863 = vector.broadcast %mul3A_2 : i32 to vector<16xi32>
      %ge3A_864 = arith.cmpi sge, %get3A_862, %ge3A_863 : vector<16xi32>
      %add3A_865 = arith.constant 12800 : i32
      %add3A_866 = arith.addi %mul3A_2, %add3A_865 : i32
      %lt3A_867 = vector.broadcast %add3A_866 : i32 to vector<16xi32>
      %lt3A_868 = arith.cmpi slt, %get3A_862, %lt3A_867 : vector<16xi32>
      %and3A_869 = arith.andi %ge3A_864, %lt3A_868 : vector<16xi1>
      %jit3A_870 = arith.constant 1 : i32
      %jit3A_871 = arith.constant 0 : i32
      %broadcast_in_dim3A_872 = vector.broadcast %jit3A_870 : i32 to vector<16xi32>
      %broadcast_in_dim3A_873 = vector.broadcast %jit3A_871 : i32 to vector<16xi32>
      %select_n3A_874 = arith.select %and3A_869, %broadcast_in_dim3A_872, %broadcast_in_dim3A_873 : vector<16xi1>, vector<16xi32>
      %cumsum3A_875 = arith.constant true
      %cumsum3A_876 = vector.broadcast %cumsum3A_875 : i1 to vector<16xi1>
      %cumsum3A_877 = tpu.scan <sum>, %select_n3A_874 masked %cumsum3A_876 : vector<16xi32>, vector<16xi1> -> vector<16xi32>
      %all_reduce_population_count3A_878 = tpu.all_reduce %and3A_869 {dim = 0 : i64, kind = #tpu.reduction_kind<sum>} : vector<16xi1> -> vector<16xi32>
      %add3A_879 = arith.addi %add3A_828, %cumsum3A_877 : vector<16xi32>
      %sub3A_880 = arith.constant 1 : i32
      %sub3A_881 = vector.broadcast %sub3A_880 : i32 to vector<16xi32>
      %sub3A_882 = arith.subi %add3A_879, %sub3A_881 : vector<16xi32>
      %min3A_883 = arith.constant 8191 : i32
      %min3A_884 = vector.broadcast %min3A_883 : i32 to vector<16xi32>
      %min3A_885 = arith.minsi %sub3A_882, %min3A_884 : vector<16xi32>
      tpu.vector_store_idx %arg8[%min3A_885], %get3A_858 masked %and3A_869 : memref<8192xi32, #tpu.memory_space<vmem>>[vector<16xi32>], vector<16xi32>, vector<16xi1>
      %sub3A_886 = vector.broadcast %mul3A_2 : i32 to vector<16xi32>
      %sub3A_887 = arith.subi %get3A_862, %sub3A_886 : vector<16xi32>
      tpu.vector_store_idx %arg9[%min3A_885], %sub3A_887 masked %and3A_869 : memref<8192xi32, #tpu.memory_space<vmem>>[vector<16xi32>], vector<16xi32>, vector<16xi1>
      %add3A_888 = arith.addi %add3A_828, %all_reduce_population_count3A_878 : vector<16xi32>
      %ge3A_889 = vector.broadcast %mul3A_7 : i32 to vector<16xi32>
      %ge3A_890 = arith.cmpi sge, %get3A_862, %ge3A_889 : vector<16xi32>
      %add3A_891 = arith.constant 12800 : i32
      %add3A_892 = arith.addi %mul3A_7, %add3A_891 : i32
      %lt3A_893 = vector.broadcast %add3A_892 : i32 to vector<16xi32>
      %lt3A_894 = arith.cmpi slt, %get3A_862, %lt3A_893 : vector<16xi32>
      %and3A_895 = arith.andi %ge3A_890, %lt3A_894 : vector<16xi1>
      %jit3A_896 = arith.constant 1 : i32
      %jit3A_897 = arith.constant 0 : i32
      %broadcast_in_dim3A_898 = vector.broadcast %jit3A_896 : i32 to vector<16xi32>
      %broadcast_in_dim3A_899 = vector.broadcast %jit3A_897 : i32 to vector<16xi32>
      %select_n3A_900 = arith.select %and3A_895, %broadcast_in_dim3A_898, %broadcast_in_dim3A_899 : vector<16xi1>, vector<16xi32>
      %cumsum3A_901 = arith.constant true
      %cumsum3A_902 = vector.broadcast %cumsum3A_901 : i1 to vector<16xi1>
      %cumsum3A_903 = tpu.scan <sum>, %select_n3A_900 masked %cumsum3A_902 : vector<16xi32>, vector<16xi1> -> vector<16xi32>
      %all_reduce_population_count3A_904 = tpu.all_reduce %and3A_895 {dim = 0 : i64, kind = #tpu.reduction_kind<sum>} : vector<16xi1> -> vector<16xi32>
      %add3A_905 = arith.addi %add3A_854, %cumsum3A_903 : vector<16xi32>
      %sub3A_906 = arith.constant 1 : i32
      %sub3A_907 = vector.broadcast %sub3A_906 : i32 to vector<16xi32>
      %sub3A_908 = arith.subi %add3A_905, %sub3A_907 : vector<16xi32>
      %min3A_909 = arith.constant 8191 : i32
      %min3A_910 = vector.broadcast %min3A_909 : i32 to vector<16xi32>
      %min3A_911 = arith.minsi %sub3A_908, %min3A_910 : vector<16xi32>
      tpu.vector_store_idx %arg10[%min3A_911], %get3A_858 masked %and3A_895 : memref<8192xi32, #tpu.memory_space<vmem>>[vector<16xi32>], vector<16xi32>, vector<16xi1>
      %sub3A_912 = vector.broadcast %mul3A_7 : i32 to vector<16xi32>
      %sub3A_913 = arith.subi %get3A_862, %sub3A_912 : vector<16xi32>
      tpu.vector_store_idx %arg11[%min3A_911], %sub3A_913 masked %and3A_895 : memref<8192xi32, #tpu.memory_space<vmem>>[vector<16xi32>], vector<16xi32>, vector<16xi1>
      %add3A_914 = arith.addi %add3A_854, %all_reduce_population_count3A_904 : vector<16xi32>
      %get3A_915 = arith.constant 1 : i32
      %get3A_916 = arith.index_cast %get3A_915 : i32 to index
      %get3A_917 = arith.constant 112 : index
      %get3A_918 = tpu.vector_load %arg6[%get3A_916, %get3A_917] {strides = array<i32>} : memref<4x128xi32, #tpu.memory_space<vmem>>, vector<16xi32>,
      %get3A_919 = arith.constant 1 : i32
      %get3A_920 = arith.index_cast %get3A_919 : i32 to index
      %get3A_921 = arith.constant 112 : index
      %get3A_922 = tpu.vector_load %arg7[%get3A_920, %get3A_921] {strides = array<i32>} : memref<4x128xi32, #tpu.memory_space<vmem>>, vector<16xi32>,
      %ge3A_923 = vector.broadcast %mul3A_2 : i32 to vector<16xi32>
      %ge3A_924 = arith.cmpi sge, %get3A_922, %ge3A_923 : vector<16xi32>
      %add3A_925 = arith.constant 12800 : i32
      %add3A_926 = arith.addi %mul3A_2, %add3A_925 : i32
      %lt3A_927 = vector.broadcast %add3A_926 : i32 to vector<16xi32>
      %lt3A_928 = arith.cmpi slt, %get3A_922, %lt3A_927 : vector<16xi32>
      %and3A_929 = arith.andi %ge3A_924, %lt3A_928 : vector<16xi1>
      %jit3A_930 = arith.constant 1 : i32
      %jit3A_931 = arith.constant 0 : i32
      %broadcast_in_dim3A_932 = vector.broadcast %jit3A_930 : i32 to vector<16xi32>
      %broadcast_in_dim3A_933 = vector.broadcast %jit3A_931 : i32 to vector<16xi32>
      %select_n3A_934 = arith.select %and3A_929, %broadcast_in_dim3A_932, %broadcast_in_dim3A_933 : vector<16xi1>, vector<16xi32>
      %cumsum3A_935 = arith.constant true
      %cumsum3A_936 = vector.broadcast %cumsum3A_935 : i1 to vector<16xi1>
      %cumsum3A_937 = tpu.scan <sum>, %select_n3A_934 masked %cumsum3A_936 : vector<16xi32>, vector<16xi1> -> vector<16xi32>
      %all_reduce_population_count3A_938 = tpu.all_reduce %and3A_929 {dim = 0 : i64, kind = #tpu.reduction_kind<sum>} : vector<16xi1> -> vector<16xi32>
      %add3A_939 = arith.addi %add3A_888, %cumsum3A_937 : vector<16xi32>
      %sub3A_940 = arith.constant 1 : i32
      %sub3A_941 = vector.broadcast %sub3A_940 : i32 to vector<16xi32>
      %sub3A_942 = arith.subi %add3A_939, %sub3A_941 : vector<16xi32>
      %min3A_943 = arith.constant 8191 : i32
      %min3A_944 = vector.broadcast %min3A_943 : i32 to vector<16xi32>
      %min3A_945 = arith.minsi %sub3A_942, %min3A_944 : vector<16xi32>
      tpu.vector_store_idx %arg8[%min3A_945], %get3A_918 masked %and3A_929 : memref<8192xi32, #tpu.memory_space<vmem>>[vector<16xi32>], vector<16xi32>, vector<16xi1>
      %sub3A_946 = vector.broadcast %mul3A_2 : i32 to vector<16xi32>
      %sub3A_947 = arith.subi %get3A_922, %sub3A_946 : vector<16xi32>
      tpu.vector_store_idx %arg9[%min3A_945], %sub3A_947 masked %and3A_929 : memref<8192xi32, #tpu.memory_space<vmem>>[vector<16xi32>], vector<16xi32>, vector<16xi1>
      %add3A_948 = arith.addi %add3A_888, %all_reduce_population_count3A_938 : vector<16xi32>
      %ge3A_949 = vector.broadcast %mul3A_7 : i32 to vector<16xi32>
      %ge3A_950 = arith.cmpi sge, %get3A_922, %ge3A_949 : vector<16xi32>
      %add3A_951 = arith.constant 12800 : i32
      %add3A_952 = arith.addi %mul3A_7, %add3A_951 : i32
      %lt3A_953 = vector.broadcast %add3A_952 : i32 to vector<16xi32>
      %lt3A_954 = arith.cmpi slt, %get3A_922, %lt3A_953 : vector<16xi32>
      %and3A_955 = arith.andi %ge3A_950, %lt3A_954 : vector<16xi1>
      %jit3A_956 = arith.constant 1 : i32
      %jit3A_957 = arith.constant 0 : i32
      %broadcast_in_dim3A_958 = vector.broadcast %jit3A_956 : i32 to vector<16xi32>
      %broadcast_in_dim3A_959 = vector.broadcast %jit3A_957 : i32 to vector<16xi32>
      %select_n3A_960 = arith.select %and3A_955, %broadcast_in_dim3A_958, %broadcast_in_dim3A_959 : vector<16xi1>, vector<16xi32>
      %cumsum3A_961 = arith.constant true
      %cumsum3A_962 = vector.broadcast %cumsum3A_961 : i1 to vector<16xi1>
      %cumsum3A_963 = tpu.scan <sum>, %select_n3A_960 masked %cumsum3A_962 : vector<16xi32>, vector<16xi1> -> vector<16xi32>
      %all_reduce_population_count3A_964 = tpu.all_reduce %and3A_955 {dim = 0 : i64, kind = #tpu.reduction_kind<sum>} : vector<16xi1> -> vector<16xi32>
      %add3A_965 = arith.addi %add3A_914, %cumsum3A_963 : vector<16xi32>
      %sub3A_966 = arith.constant 1 : i32
      %sub3A_967 = vector.broadcast %sub3A_966 : i32 to vector<16xi32>
      %sub3A_968 = arith.subi %add3A_965, %sub3A_967 : vector<16xi32>
      %min3A_969 = arith.constant 8191 : i32
      %min3A_970 = vector.broadcast %min3A_969 : i32 to vector<16xi32>
      %min3A_971 = arith.minsi %sub3A_968, %min3A_970 : vector<16xi32>
      tpu.vector_store_idx %arg10[%min3A_971], %get3A_918 masked %and3A_955 : memref<8192xi32, #tpu.memory_space<vmem>>[vector<16xi32>], vector<16xi32>, vector<16xi1>
      %sub3A_972 = vector.broadcast %mul3A_7 : i32 to vector<16xi32>
      %sub3A_973 = arith.subi %get3A_922, %sub3A_972 : vector<16xi32>
      tpu.vector_store_idx %arg11[%min3A_971], %sub3A_973 masked %and3A_955 : memref<8192xi32, #tpu.memory_space<vmem>>[vector<16xi32>], vector<16xi32>, vector<16xi1>
      %add3A_974 = arith.addi %add3A_914, %all_reduce_population_count3A_964 : vector<16xi32>
      %get3A_975 = arith.constant 2 : i32
      %get3A_976 = arith.index_cast %get3A_975 : i32 to index
      %get3A_977 = arith.constant 0 : index
      %get3A_978 = tpu.vector_load %arg6[%get3A_976, %get3A_977] {strides = array<i32>} : memref<4x128xi32, #tpu.memory_space<vmem>>, vector<16xi32>,
      %get3A_979 = arith.constant 2 : i32
      %get3A_980 = arith.index_cast %get3A_979 : i32 to index
      %get3A_981 = arith.constant 0 : index
      %get3A_982 = tpu.vector_load %arg7[%get3A_980, %get3A_981] {strides = array<i32>} : memref<4x128xi32, #tpu.memory_space<vmem>>, vector<16xi32>,
      %ge3A_983 = vector.broadcast %mul3A_2 : i32 to vector<16xi32>
      %ge3A_984 = arith.cmpi sge, %get3A_982, %ge3A_983 : vector<16xi32>
      %add3A_985 = arith.constant 12800 : i32
      %add3A_986 = arith.addi %mul3A_2, %add3A_985 : i32
      %lt3A_987 = vector.broadcast %add3A_986 : i32 to vector<16xi32>
      %lt3A_988 = arith.cmpi slt, %get3A_982, %lt3A_987 : vector<16xi32>
      %and3A_989 = arith.andi %ge3A_984, %lt3A_988 : vector<16xi1>
      %jit3A_990 = arith.constant 1 : i32
      %jit3A_991 = arith.constant 0 : i32
      %broadcast_in_dim3A_992 = vector.broadcast %jit3A_990 : i32 to vector<16xi32>
      %broadcast_in_dim3A_993 = vector.broadcast %jit3A_991 : i32 to vector<16xi32>
      %select_n3A_994 = arith.select %and3A_989, %broadcast_in_dim3A_992, %broadcast_in_dim3A_993 : vector<16xi1>, vector<16xi32>
      %cumsum3A_995 = arith.constant true
      %cumsum3A_996 = vector.broadcast %cumsum3A_995 : i1 to vector<16xi1>
      %cumsum3A_997 = tpu.scan <sum>, %select_n3A_994 masked %cumsum3A_996 : vector<16xi32>, vector<16xi1> -> vector<16xi32>
      %all_reduce_population_count3A_998 = tpu.all_reduce %and3A_989 {dim = 0 : i64, kind = #tpu.reduction_kind<sum>} : vector<16xi1> -> vector<16xi32>
      %add3A_999 = arith.addi %add3A_948, %cumsum3A_997 : vector<16xi32>
      %sub3A_1000 = arith.constant 1 : i32
      %sub3A_1001 = vector.broadcast %sub3A_1000 : i32 to vector<16xi32>
      %sub3A_1002 = arith.subi %add3A_999, %sub3A_1001 : vector<16xi32>
      %min3A_1003 = arith.constant 8191 : i32
      %min3A_1004 = vector.broadcast %min3A_1003 : i32 to vector<16xi32>
      %min3A_1005 = arith.minsi %sub3A_1002, %min3A_1004 : vector<16xi32>
      tpu.vector_store_idx %arg8[%min3A_1005], %get3A_978 masked %and3A_989 : memref<8192xi32, #tpu.memory_space<vmem>>[vector<16xi32>], vector<16xi32>, vector<16xi1>
      %sub3A_1006 = vector.broadcast %mul3A_2 : i32 to vector<16xi32>
      %sub3A_1007 = arith.subi %get3A_982, %sub3A_1006 : vector<16xi32>
      tpu.vector_store_idx %arg9[%min3A_1005], %sub3A_1007 masked %and3A_989 : memref<8192xi32, #tpu.memory_space<vmem>>[vector<16xi32>], vector<16xi32>, vector<16xi1>
      %add3A_1008 = arith.addi %add3A_948, %all_reduce_population_count3A_998 : vector<16xi32>
      %ge3A_1009 = vector.broadcast %mul3A_7 : i32 to vector<16xi32>
      %ge3A_1010 = arith.cmpi sge, %get3A_982, %ge3A_1009 : vector<16xi32>
      %add3A_1011 = arith.constant 12800 : i32
      %add3A_1012 = arith.addi %mul3A_7, %add3A_1011 : i32
      %lt3A_1013 = vector.broadcast %add3A_1012 : i32 to vector<16xi32>
      %lt3A_1014 = arith.cmpi slt, %get3A_982, %lt3A_1013 : vector<16xi32>
      %and3A_1015 = arith.andi %ge3A_1010, %lt3A_1014 : vector<16xi1>
      %jit3A_1016 = arith.constant 1 : i32
      %jit3A_1017 = arith.constant 0 : i32
      %broadcast_in_dim3A_1018 = vector.broadcast %jit3A_1016 : i32 to vector<16xi32>
      %broadcast_in_dim3A_1019 = vector.broadcast %jit3A_1017 : i32 to vector<16xi32>
      %select_n3A_1020 = arith.select %and3A_1015, %broadcast_in_dim3A_1018, %broadcast_in_dim3A_1019 : vector<16xi1>, vector<16xi32>
      %cumsum3A_1021 = arith.constant true
      %cumsum3A_1022 = vector.broadcast %cumsum3A_1021 : i1 to vector<16xi1>
      %cumsum3A_1023 = tpu.scan <sum>, %select_n3A_1020 masked %cumsum3A_1022 : vector<16xi32>, vector<16xi1> -> vector<16xi32>
      %all_reduce_population_count3A_1024 = tpu.all_reduce %and3A_1015 {dim = 0 : i64, kind = #tpu.reduction_kind<sum>} : vector<16xi1> -> vector<16xi32>
      %add3A_1025 = arith.addi %add3A_974, %cumsum3A_1023 : vector<16xi32>
      %sub3A_1026 = arith.constant 1 : i32
      %sub3A_1027 = vector.broadcast %sub3A_1026 : i32 to vector<16xi32>
      %sub3A_1028 = arith.subi %add3A_1025, %sub3A_1027 : vector<16xi32>
      %min3A_1029 = arith.constant 8191 : i32
      %min3A_1030 = vector.broadcast %min3A_1029 : i32 to vector<16xi32>
      %min3A_1031 = arith.minsi %sub3A_1028, %min3A_1030 : vector<16xi32>
      tpu.vector_store_idx %arg10[%min3A_1031], %get3A_978 masked %and3A_1015 : memref<8192xi32, #tpu.memory_space<vmem>>[vector<16xi32>], vector<16xi32>, vector<16xi1>
      %sub3A_1032 = vector.broadcast %mul3A_7 : i32 to vector<16xi32>
      %sub3A_1033 = arith.subi %get3A_982, %sub3A_1032 : vector<16xi32>
      tpu.vector_store_idx %arg11[%min3A_1031], %sub3A_1033 masked %and3A_1015 : memref<8192xi32, #tpu.memory_space<vmem>>[vector<16xi32>], vector<16xi32>, vector<16xi1>
      %add3A_1034 = arith.addi %add3A_974, %all_reduce_population_count3A_1024 : vector<16xi32>
      %get3A_1035 = arith.constant 2 : i32
      %get3A_1036 = arith.index_cast %get3A_1035 : i32 to index
      %get3A_1037 = arith.constant 16 : index
      %get3A_1038 = tpu.vector_load %arg6[%get3A_1036, %get3A_1037] {strides = array<i32>} : memref<4x128xi32, #tpu.memory_space<vmem>>, vector<16xi32>,
      %get3A_1039 = arith.constant 2 : i32
      %get3A_1040 = arith.index_cast %get3A_1039 : i32 to index
      %get3A_1041 = arith.constant 16 : index
      %get3A_1042 = tpu.vector_load %arg7[%get3A_1040, %get3A_1041] {strides = array<i32>} : memref<4x128xi32, #tpu.memory_space<vmem>>, vector<16xi32>,
      %ge3A_1043 = vector.broadcast %mul3A_2 : i32 to vector<16xi32>
      %ge3A_1044 = arith.cmpi sge, %get3A_1042, %ge3A_1043 : vector<16xi32>
      %add3A_1045 = arith.constant 12800 : i32
      %add3A_1046 = arith.addi %mul3A_2, %add3A_1045 : i32
      %lt3A_1047 = vector.broadcast %add3A_1046 : i32 to vector<16xi32>
      %lt3A_1048 = arith.cmpi slt, %get3A_1042, %lt3A_1047 : vector<16xi32>
      %and3A_1049 = arith.andi %ge3A_1044, %lt3A_1048 : vector<16xi1>
      %jit3A_1050 = arith.constant 1 : i32
      %jit3A_1051 = arith.constant 0 : i32
      %broadcast_in_dim3A_1052 = vector.broadcast %jit3A_1050 : i32 to vector<16xi32>
      %broadcast_in_dim3A_1053 = vector.broadcast %jit3A_1051 : i32 to vector<16xi32>
      %select_n3A_1054 = arith.select %and3A_1049, %broadcast_in_dim3A_1052, %broadcast_in_dim3A_1053 : vector<16xi1>, vector<16xi32>
      %cumsum3A_1055 = arith.constant true
      %cumsum3A_1056 = vector.broadcast %cumsum3A_1055 : i1 to vector<16xi1>
      %cumsum3A_1057 = tpu.scan <sum>, %select_n3A_1054 masked %cumsum3A_1056 : vector<16xi32>, vector<16xi1> -> vector<16xi32>
      %all_reduce_population_count3A_1058 = tpu.all_reduce %and3A_1049 {dim = 0 : i64, kind = #tpu.reduction_kind<sum>} : vector<16xi1> -> vector<16xi32>
      %add3A_1059 = arith.addi %add3A_1008, %cumsum3A_1057 : vector<16xi32>
      %sub3A_1060 = arith.constant 1 : i32
      %sub3A_1061 = vector.broadcast %sub3A_1060 : i32 to vector<16xi32>
      %sub3A_1062 = arith.subi %add3A_1059, %sub3A_1061 : vector<16xi32>
      %min3A_1063 = arith.constant 8191 : i32
      %min3A_1064 = vector.broadcast %min3A_1063 : i32 to vector<16xi32>
      %min3A_1065 = arith.minsi %sub3A_1062, %min3A_1064 : vector<16xi32>
      tpu.vector_store_idx %arg8[%min3A_1065], %get3A_1038 masked %and3A_1049 : memref<8192xi32, #tpu.memory_space<vmem>>[vector<16xi32>], vector<16xi32>, vector<16xi1>
      %sub3A_1066 = vector.broadcast %mul3A_2 : i32 to vector<16xi32>
      %sub3A_1067 = arith.subi %get3A_1042, %sub3A_1066 : vector<16xi32>
      tpu.vector_store_idx %arg9[%min3A_1065], %sub3A_1067 masked %and3A_1049 : memref<8192xi32, #tpu.memory_space<vmem>>[vector<16xi32>], vector<16xi32>, vector<16xi1>
      %add3A_1068 = arith.addi %add3A_1008, %all_reduce_population_count3A_1058 : vector<16xi32>
      %ge3A_1069 = vector.broadcast %mul3A_7 : i32 to vector<16xi32>
      %ge3A_1070 = arith.cmpi sge, %get3A_1042, %ge3A_1069 : vector<16xi32>
      %add3A_1071 = arith.constant 12800 : i32
      %add3A_1072 = arith.addi %mul3A_7, %add3A_1071 : i32
      %lt3A_1073 = vector.broadcast %add3A_1072 : i32 to vector<16xi32>
      %lt3A_1074 = arith.cmpi slt, %get3A_1042, %lt3A_1073 : vector<16xi32>
      %and3A_1075 = arith.andi %ge3A_1070, %lt3A_1074 : vector<16xi1>
      %jit3A_1076 = arith.constant 1 : i32
      %jit3A_1077 = arith.constant 0 : i32
      %broadcast_in_dim3A_1078 = vector.broadcast %jit3A_1076 : i32 to vector<16xi32>
      %broadcast_in_dim3A_1079 = vector.broadcast %jit3A_1077 : i32 to vector<16xi32>
      %select_n3A_1080 = arith.select %and3A_1075, %broadcast_in_dim3A_1078, %broadcast_in_dim3A_1079 : vector<16xi1>, vector<16xi32>
      %cumsum3A_1081 = arith.constant true
      %cumsum3A_1082 = vector.broadcast %cumsum3A_1081 : i1 to vector<16xi1>
      %cumsum3A_1083 = tpu.scan <sum>, %select_n3A_1080 masked %cumsum3A_1082 : vector<16xi32>, vector<16xi1> -> vector<16xi32>
      %all_reduce_population_count3A_1084 = tpu.all_reduce %and3A_1075 {dim = 0 : i64, kind = #tpu.reduction_kind<sum>} : vector<16xi1> -> vector<16xi32>
      %add3A_1085 = arith.addi %add3A_1034, %cumsum3A_1083 : vector<16xi32>
      %sub3A_1086 = arith.constant 1 : i32
      %sub3A_1087 = vector.broadcast %sub3A_1086 : i32 to vector<16xi32>
      %sub3A_1088 = arith.subi %add3A_1085, %sub3A_1087 : vector<16xi32>
      %min3A_1089 = arith.constant 8191 : i32
      %min3A_1090 = vector.broadcast %min3A_1089 : i32 to vector<16xi32>
      %min3A_1091 = arith.minsi %sub3A_1088, %min3A_1090 : vector<16xi32>
      tpu.vector_store_idx %arg10[%min3A_1091], %get3A_1038 masked %and3A_1075 : memref<8192xi32, #tpu.memory_space<vmem>>[vector<16xi32>], vector<16xi32>, vector<16xi1>
      %sub3A_1092 = vector.broadcast %mul3A_7 : i32 to vector<16xi32>
      %sub3A_1093 = arith.subi %get3A_1042, %sub3A_1092 : vector<16xi32>
      tpu.vector_store_idx %arg11[%min3A_1091], %sub3A_1093 masked %and3A_1075 : memref<8192xi32, #tpu.memory_space<vmem>>[vector<16xi32>], vector<16xi32>, vector<16xi1>
      %add3A_1094 = arith.addi %add3A_1034, %all_reduce_population_count3A_1084 : vector<16xi32>
      %get3A_1095 = arith.constant 2 : i32
      %get3A_1096 = arith.index_cast %get3A_1095 : i32 to index
      %get3A_1097 = arith.constant 32 : index
      %get3A_1098 = tpu.vector_load %arg6[%get3A_1096, %get3A_1097] {strides = array<i32>} : memref<4x128xi32, #tpu.memory_space<vmem>>, vector<16xi32>,
      %get3A_1099 = arith.constant 2 : i32
      %get3A_1100 = arith.index_cast %get3A_1099 : i32 to index
      %get3A_1101 = arith.constant 32 : index
      %get3A_1102 = tpu.vector_load %arg7[%get3A_1100, %get3A_1101] {strides = array<i32>} : memref<4x128xi32, #tpu.memory_space<vmem>>, vector<16xi32>,
      %ge3A_1103 = vector.broadcast %mul3A_2 : i32 to vector<16xi32>
      %ge3A_1104 = arith.cmpi sge, %get3A_1102, %ge3A_1103 : vector<16xi32>
      %add3A_1105 = arith.constant 12800 : i32
      %add3A_1106 = arith.addi %mul3A_2, %add3A_1105 : i32
      %lt3A_1107 = vector.broadcast %add3A_1106 : i32 to vector<16xi32>
      %lt3A_1108 = arith.cmpi slt, %get3A_1102, %lt3A_1107 : vector<16xi32>
      %and3A_1109 = arith.andi %ge3A_1104, %lt3A_1108 : vector<16xi1>
      %jit3A_1110 = arith.constant 1 : i32
      %jit3A_1111 = arith.constant 0 : i32
      %broadcast_in_dim3A_1112 = vector.broadcast %jit3A_1110 : i32 to vector<16xi32>
      %broadcast_in_dim3A_1113 = vector.broadcast %jit3A_1111 : i32 to vector<16xi32>
      %select_n3A_1114 = arith.select %and3A_1109, %broadcast_in_dim3A_1112, %broadcast_in_dim3A_1113 : vector<16xi1>, vector<16xi32>
      %cumsum3A_1115 = arith.constant true
      %cumsum3A_1116 = vector.broadcast %cumsum3A_1115 : i1 to vector<16xi1>
      %cumsum3A_1117 = tpu.scan <sum>, %select_n3A_1114 masked %cumsum3A_1116 : vector<16xi32>, vector<16xi1> -> vector<16xi32>
      %all_reduce_population_count3A_1118 = tpu.all_reduce %and3A_1109 {dim = 0 : i64, kind = #tpu.reduction_kind<sum>} : vector<16xi1> -> vector<16xi32>
      %add3A_1119 = arith.addi %add3A_1068, %cumsum3A_1117 : vector<16xi32>
      %sub3A_1120 = arith.constant 1 : i32
      %sub3A_1121 = vector.broadcast %sub3A_1120 : i32 to vector<16xi32>
      %sub3A_1122 = arith.subi %add3A_1119, %sub3A_1121 : vector<16xi32>
      %min3A_1123 = arith.constant 8191 : i32
      %min3A_1124 = vector.broadcast %min3A_1123 : i32 to vector<16xi32>
      %min3A_1125 = arith.minsi %sub3A_1122, %min3A_1124 : vector<16xi32>
      tpu.vector_store_idx %arg8[%min3A_1125], %get3A_1098 masked %and3A_1109 : memref<8192xi32, #tpu.memory_space<vmem>>[vector<16xi32>], vector<16xi32>, vector<16xi1>
      %sub3A_1126 = vector.broadcast %mul3A_2 : i32 to vector<16xi32>
      %sub3A_1127 = arith.subi %get3A_1102, %sub3A_1126 : vector<16xi32>
      tpu.vector_store_idx %arg9[%min3A_1125], %sub3A_1127 masked %and3A_1109 : memref<8192xi32, #tpu.memory_space<vmem>>[vector<16xi32>], vector<16xi32>, vector<16xi1>
      %add3A_1128 = arith.addi %add3A_1068, %all_reduce_population_count3A_1118 : vector<16xi32>
      %ge3A_1129 = vector.broadcast %mul3A_7 : i32 to vector<16xi32>
      %ge3A_1130 = arith.cmpi sge, %get3A_1102, %ge3A_1129 : vector<16xi32>
      %add3A_1131 = arith.constant 12800 : i32
      %add3A_1132 = arith.addi %mul3A_7, %add3A_1131 : i32
      %lt3A_1133 = vector.broadcast %add3A_1132 : i32 to vector<16xi32>
      %lt3A_1134 = arith.cmpi slt, %get3A_1102, %lt3A_1133 : vector<16xi32>
      %and3A_1135 = arith.andi %ge3A_1130, %lt3A_1134 : vector<16xi1>
      %jit3A_1136 = arith.constant 1 : i32
      %jit3A_1137 = arith.constant 0 : i32
      %broadcast_in_dim3A_1138 = vector.broadcast %jit3A_1136 : i32 to vector<16xi32>
      %broadcast_in_dim3A_1139 = vector.broadcast %jit3A_1137 : i32 to vector<16xi32>
      %select_n3A_1140 = arith.select %and3A_1135, %broadcast_in_dim3A_1138, %broadcast_in_dim3A_1139 : vector<16xi1>, vector<16xi32>
      %cumsum3A_1141 = arith.constant true
      %cumsum3A_1142 = vector.broadcast %cumsum3A_1141 : i1 to vector<16xi1>
      %cumsum3A_1143 = tpu.scan <sum>, %select_n3A_1140 masked %cumsum3A_1142 : vector<16xi32>, vector<16xi1> -> vector<16xi32>
      %all_reduce_population_count3A_1144 = tpu.all_reduce %and3A_1135 {dim = 0 : i64, kind = #tpu.reduction_kind<sum>} : vector<16xi1> -> vector<16xi32>
      %add3A_1145 = arith.addi %add3A_1094, %cumsum3A_1143 : vector<16xi32>
      %sub3A_1146 = arith.constant 1 : i32
      %sub3A_1147 = vector.broadcast %sub3A_1146 : i32 to vector<16xi32>
      %sub3A_1148 = arith.subi %add3A_1145, %sub3A_1147 : vector<16xi32>
      %min3A_1149 = arith.constant 8191 : i32
      %min3A_1150 = vector.broadcast %min3A_1149 : i32 to vector<16xi32>
      %min3A_1151 = arith.minsi %sub3A_1148, %min3A_1150 : vector<16xi32>
      tpu.vector_store_idx %arg10[%min3A_1151], %get3A_1098 masked %and3A_1135 : memref<8192xi32, #tpu.memory_space<vmem>>[vector<16xi32>], vector<16xi32>, vector<16xi1>
      %sub3A_1152 = vector.broadcast %mul3A_7 : i32 to vector<16xi32>
      %sub3A_1153 = arith.subi %get3A_1102, %sub3A_1152 : vector<16xi32>
      tpu.vector_store_idx %arg11[%min3A_1151], %sub3A_1153 masked %and3A_1135 : memref<8192xi32, #tpu.memory_space<vmem>>[vector<16xi32>], vector<16xi32>, vector<16xi1>
      %add3A_1154 = arith.addi %add3A_1094, %all_reduce_population_count3A_1144 : vector<16xi32>
      %get3A_1155 = arith.constant 2 : i32
      %get3A_1156 = arith.index_cast %get3A_1155 : i32 to index
      %get3A_1157 = arith.constant 48 : index
      %get3A_1158 = tpu.vector_load %arg6[%get3A_1156, %get3A_1157] {strides = array<i32>} : memref<4x128xi32, #tpu.memory_space<vmem>>, vector<16xi32>,
      %get3A_1159 = arith.constant 2 : i32
      %get3A_1160 = arith.index_cast %get3A_1159 : i32 to index
      %get3A_1161 = arith.constant 48 : index
      %get3A_1162 = tpu.vector_load %arg7[%get3A_1160, %get3A_1161] {strides = array<i32>} : memref<4x128xi32, #tpu.memory_space<vmem>>, vector<16xi32>,
      %ge3A_1163 = vector.broadcast %mul3A_2 : i32 to vector<16xi32>
      %ge3A_1164 = arith.cmpi sge, %get3A_1162, %ge3A_1163 : vector<16xi32>
      %add3A_1165 = arith.constant 12800 : i32
      %add3A_1166 = arith.addi %mul3A_2, %add3A_1165 : i32
      %lt3A_1167 = vector.broadcast %add3A_1166 : i32 to vector<16xi32>
      %lt3A_1168 = arith.cmpi slt, %get3A_1162, %lt3A_1167 : vector<16xi32>
      %and3A_1169 = arith.andi %ge3A_1164, %lt3A_1168 : vector<16xi1>
      %jit3A_1170 = arith.constant 1 : i32
      %jit3A_1171 = arith.constant 0 : i32
      %broadcast_in_dim3A_1172 = vector.broadcast %jit3A_1170 : i32 to vector<16xi32>
      %broadcast_in_dim3A_1173 = vector.broadcast %jit3A_1171 : i32 to vector<16xi32>
      %select_n3A_1174 = arith.select %and3A_1169, %broadcast_in_dim3A_1172, %broadcast_in_dim3A_1173 : vector<16xi1>, vector<16xi32>
      %cumsum3A_1175 = arith.constant true
      %cumsum3A_1176 = vector.broadcast %cumsum3A_1175 : i1 to vector<16xi1>
      %cumsum3A_1177 = tpu.scan <sum>, %select_n3A_1174 masked %cumsum3A_1176 : vector<16xi32>, vector<16xi1> -> vector<16xi32>
      %all_reduce_population_count3A_1178 = tpu.all_reduce %and3A_1169 {dim = 0 : i64, kind = #tpu.reduction_kind<sum>} : vector<16xi1> -> vector<16xi32>
      %add3A_1179 = arith.addi %add3A_1128, %cumsum3A_1177 : vector<16xi32>
      %sub3A_1180 = arith.constant 1 : i32
      %sub3A_1181 = vector.broadcast %sub3A_1180 : i32 to vector<16xi32>
      %sub3A_1182 = arith.subi %add3A_1179, %sub3A_1181 : vector<16xi32>
      %min3A_1183 = arith.constant 8191 : i32
      %min3A_1184 = vector.broadcast %min3A_1183 : i32 to vector<16xi32>
      %min3A_1185 = arith.minsi %sub3A_1182, %min3A_1184 : vector<16xi32>
      tpu.vector_store_idx %arg8[%min3A_1185], %get3A_1158 masked %and3A_1169 : memref<8192xi32, #tpu.memory_space<vmem>>[vector<16xi32>], vector<16xi32>, vector<16xi1>
      %sub3A_1186 = vector.broadcast %mul3A_2 : i32 to vector<16xi32>
      %sub3A_1187 = arith.subi %get3A_1162, %sub3A_1186 : vector<16xi32>
      tpu.vector_store_idx %arg9[%min3A_1185], %sub3A_1187 masked %and3A_1169 : memref<8192xi32, #tpu.memory_space<vmem>>[vector<16xi32>], vector<16xi32>, vector<16xi1>
      %add3A_1188 = arith.addi %add3A_1128, %all_reduce_population_count3A_1178 : vector<16xi32>
      %ge3A_1189 = vector.broadcast %mul3A_7 : i32 to vector<16xi32>
      %ge3A_1190 = arith.cmpi sge, %get3A_1162, %ge3A_1189 : vector<16xi32>
      %add3A_1191 = arith.constant 12800 : i32
      %add3A_1192 = arith.addi %mul3A_7, %add3A_1191 : i32
      %lt3A_1193 = vector.broadcast %add3A_1192 : i32 to vector<16xi32>
      %lt3A_1194 = arith.cmpi slt, %get3A_1162, %lt3A_1193 : vector<16xi32>
      %and3A_1195 = arith.andi %ge3A_1190, %lt3A_1194 : vector<16xi1>
      %jit3A_1196 = arith.constant 1 : i32
      %jit3A_1197 = arith.constant 0 : i32
      %broadcast_in_dim3A_1198 = vector.broadcast %jit3A_1196 : i32 to vector<16xi32>
      %broadcast_in_dim3A_1199 = vector.broadcast %jit3A_1197 : i32 to vector<16xi32>
      %select_n3A_1200 = arith.select %and3A_1195, %broadcast_in_dim3A_1198, %broadcast_in_dim3A_1199 : vector<16xi1>, vector<16xi32>
      %cumsum3A_1201 = arith.constant true
      %cumsum3A_1202 = vector.broadcast %cumsum3A_1201 : i1 to vector<16xi1>
      %cumsum3A_1203 = tpu.scan <sum>, %select_n3A_1200 masked %cumsum3A_1202 : vector<16xi32>, vector<16xi1> -> vector<16xi32>
      %all_reduce_population_count3A_1204 = tpu.all_reduce %and3A_1195 {dim = 0 : i64, kind = #tpu.reduction_kind<sum>} : vector<16xi1> -> vector<16xi32>
      %add3A_1205 = arith.addi %add3A_1154, %cumsum3A_1203 : vector<16xi32>
      %sub3A_1206 = arith.constant 1 : i32
      %sub3A_1207 = vector.broadcast %sub3A_1206 : i32 to vector<16xi32>
      %sub3A_1208 = arith.subi %add3A_1205, %sub3A_1207 : vector<16xi32>
      %min3A_1209 = arith.constant 8191 : i32
      %min3A_1210 = vector.broadcast %min3A_1209 : i32 to vector<16xi32>
      %min3A_1211 = arith.minsi %sub3A_1208, %min3A_1210 : vector<16xi32>
      tpu.vector_store_idx %arg10[%min3A_1211], %get3A_1158 masked %and3A_1195 : memref<8192xi32, #tpu.memory_space<vmem>>[vector<16xi32>], vector<16xi32>, vector<16xi1>
      %sub3A_1212 = vector.broadcast %mul3A_7 : i32 to vector<16xi32>
      %sub3A_1213 = arith.subi %get3A_1162, %sub3A_1212 : vector<16xi32>
      tpu.vector_store_idx %arg11[%min3A_1211], %sub3A_1213 masked %and3A_1195 : memref<8192xi32, #tpu.memory_space<vmem>>[vector<16xi32>], vector<16xi32>, vector<16xi1>
      %add3A_1214 = arith.addi %add3A_1154, %all_reduce_population_count3A_1204 : vector<16xi32>
      %get3A_1215 = arith.constant 2 : i32
      %get3A_1216 = arith.index_cast %get3A_1215 : i32 to index
      %get3A_1217 = arith.constant 64 : index
      %get3A_1218 = tpu.vector_load %arg6[%get3A_1216, %get3A_1217] {strides = array<i32>} : memref<4x128xi32, #tpu.memory_space<vmem>>, vector<16xi32>,
      %get3A_1219 = arith.constant 2 : i32
      %get3A_1220 = arith.index_cast %get3A_1219 : i32 to index
      %get3A_1221 = arith.constant 64 : index
      %get3A_1222 = tpu.vector_load %arg7[%get3A_1220, %get3A_1221] {strides = array<i32>} : memref<4x128xi32, #tpu.memory_space<vmem>>, vector<16xi32>,
      %ge3A_1223 = vector.broadcast %mul3A_2 : i32 to vector<16xi32>
      %ge3A_1224 = arith.cmpi sge, %get3A_1222, %ge3A_1223 : vector<16xi32>
      %add3A_1225 = arith.constant 12800 : i32
      %add3A_1226 = arith.addi %mul3A_2, %add3A_1225 : i32
      %lt3A_1227 = vector.broadcast %add3A_1226 : i32 to vector<16xi32>
      %lt3A_1228 = arith.cmpi slt, %get3A_1222, %lt3A_1227 : vector<16xi32>
      %and3A_1229 = arith.andi %ge3A_1224, %lt3A_1228 : vector<16xi1>
      %jit3A_1230 = arith.constant 1 : i32
      %jit3A_1231 = arith.constant 0 : i32
      %broadcast_in_dim3A_1232 = vector.broadcast %jit3A_1230 : i32 to vector<16xi32>
      %broadcast_in_dim3A_1233 = vector.broadcast %jit3A_1231 : i32 to vector<16xi32>
      %select_n3A_1234 = arith.select %and3A_1229, %broadcast_in_dim3A_1232, %broadcast_in_dim3A_1233 : vector<16xi1>, vector<16xi32>
      %cumsum3A_1235 = arith.constant true
      %cumsum3A_1236 = vector.broadcast %cumsum3A_1235 : i1 to vector<16xi1>
      %cumsum3A_1237 = tpu.scan <sum>, %select_n3A_1234 masked %cumsum3A_1236 : vector<16xi32>, vector<16xi1> -> vector<16xi32>
      %all_reduce_population_count3A_1238 = tpu.all_reduce %and3A_1229 {dim = 0 : i64, kind = #tpu.reduction_kind<sum>} : vector<16xi1> -> vector<16xi32>
      %add3A_1239 = arith.addi %add3A_1188, %cumsum3A_1237 : vector<16xi32>
      %sub3A_1240 = arith.constant 1 : i32
      %sub3A_1241 = vector.broadcast %sub3A_1240 : i32 to vector<16xi32>
      %sub3A_1242 = arith.subi %add3A_1239, %sub3A_1241 : vector<16xi32>
      %min3A_1243 = arith.constant 8191 : i32
      %min3A_1244 = vector.broadcast %min3A_1243 : i32 to vector<16xi32>
      %min3A_1245 = arith.minsi %sub3A_1242, %min3A_1244 : vector<16xi32>
      tpu.vector_store_idx %arg8[%min3A_1245], %get3A_1218 masked %and3A_1229 : memref<8192xi32, #tpu.memory_space<vmem>>[vector<16xi32>], vector<16xi32>, vector<16xi1>
      %sub3A_1246 = vector.broadcast %mul3A_2 : i32 to vector<16xi32>
      %sub3A_1247 = arith.subi %get3A_1222, %sub3A_1246 : vector<16xi32>
      tpu.vector_store_idx %arg9[%min3A_1245], %sub3A_1247 masked %and3A_1229 : memref<8192xi32, #tpu.memory_space<vmem>>[vector<16xi32>], vector<16xi32>, vector<16xi1>
      %add3A_1248 = arith.addi %add3A_1188, %all_reduce_population_count3A_1238 : vector<16xi32>
      %ge3A_1249 = vector.broadcast %mul3A_7 : i32 to vector<16xi32>
      %ge3A_1250 = arith.cmpi sge, %get3A_1222, %ge3A_1249 : vector<16xi32>
      %add3A_1251 = arith.constant 12800 : i32
      %add3A_1252 = arith.addi %mul3A_7, %add3A_1251 : i32
      %lt3A_1253 = vector.broadcast %add3A_1252 : i32 to vector<16xi32>
      %lt3A_1254 = arith.cmpi slt, %get3A_1222, %lt3A_1253 : vector<16xi32>
      %and3A_1255 = arith.andi %ge3A_1250, %lt3A_1254 : vector<16xi1>
      %jit3A_1256 = arith.constant 1 : i32
      %jit3A_1257 = arith.constant 0 : i32
      %broadcast_in_dim3A_1258 = vector.broadcast %jit3A_1256 : i32 to vector<16xi32>
      %broadcast_in_dim3A_1259 = vector.broadcast %jit3A_1257 : i32 to vector<16xi32>
      %select_n3A_1260 = arith.select %and3A_1255, %broadcast_in_dim3A_1258, %broadcast_in_dim3A_1259 : vector<16xi1>, vector<16xi32>
      %cumsum3A_1261 = arith.constant true
      %cumsum3A_1262 = vector.broadcast %cumsum3A_1261 : i1 to vector<16xi1>
      %cumsum3A_1263 = tpu.scan <sum>, %select_n3A_1260 masked %cumsum3A_1262 : vector<16xi32>, vector<16xi1> -> vector<16xi32>
      %all_reduce_population_count3A_1264 = tpu.all_reduce %and3A_1255 {dim = 0 : i64, kind = #tpu.reduction_kind<sum>} : vector<16xi1> -> vector<16xi32>
      %add3A_1265 = arith.addi %add3A_1214, %cumsum3A_1263 : vector<16xi32>
      %sub3A_1266 = arith.constant 1 : i32
      %sub3A_1267 = vector.broadcast %sub3A_1266 : i32 to vector<16xi32>
      %sub3A_1268 = arith.subi %add3A_1265, %sub3A_1267 : vector<16xi32>
      %min3A_1269 = arith.constant 8191 : i32
      %min3A_1270 = vector.broadcast %min3A_1269 : i32 to vector<16xi32>
      %min3A_1271 = arith.minsi %sub3A_1268, %min3A_1270 : vector<16xi32>
      tpu.vector_store_idx %arg10[%min3A_1271], %get3A_1218 masked %and3A_1255 : memref<8192xi32, #tpu.memory_space<vmem>>[vector<16xi32>], vector<16xi32>, vector<16xi1>
      %sub3A_1272 = vector.broadcast %mul3A_7 : i32 to vector<16xi32>
      %sub3A_1273 = arith.subi %get3A_1222, %sub3A_1272 : vector<16xi32>
      tpu.vector_store_idx %arg11[%min3A_1271], %sub3A_1273 masked %and3A_1255 : memref<8192xi32, #tpu.memory_space<vmem>>[vector<16xi32>], vector<16xi32>, vector<16xi1>
      %add3A_1274 = arith.addi %add3A_1214, %all_reduce_population_count3A_1264 : vector<16xi32>
      %get3A_1275 = arith.constant 2 : i32
      %get3A_1276 = arith.index_cast %get3A_1275 : i32 to index
      %get3A_1277 = arith.constant 80 : index
      %get3A_1278 = tpu.vector_load %arg6[%get3A_1276, %get3A_1277] {strides = array<i32>} : memref<4x128xi32, #tpu.memory_space<vmem>>, vector<16xi32>,
      %get3A_1279 = arith.constant 2 : i32
      %get3A_1280 = arith.index_cast %get3A_1279 : i32 to index
      %get3A_1281 = arith.constant 80 : index
      %get3A_1282 = tpu.vector_load %arg7[%get3A_1280, %get3A_1281] {strides = array<i32>} : memref<4x128xi32, #tpu.memory_space<vmem>>, vector<16xi32>,
      %ge3A_1283 = vector.broadcast %mul3A_2 : i32 to vector<16xi32>
      %ge3A_1284 = arith.cmpi sge, %get3A_1282, %ge3A_1283 : vector<16xi32>
      %add3A_1285 = arith.constant 12800 : i32
      %add3A_1286 = arith.addi %mul3A_2, %add3A_1285 : i32
      %lt3A_1287 = vector.broadcast %add3A_1286 : i32 to vector<16xi32>
      %lt3A_1288 = arith.cmpi slt, %get3A_1282, %lt3A_1287 : vector<16xi32>
      %and3A_1289 = arith.andi %ge3A_1284, %lt3A_1288 : vector<16xi1>
      %jit3A_1290 = arith.constant 1 : i32
      %jit3A_1291 = arith.constant 0 : i32
      %broadcast_in_dim3A_1292 = vector.broadcast %jit3A_1290 : i32 to vector<16xi32>
      %broadcast_in_dim3A_1293 = vector.broadcast %jit3A_1291 : i32 to vector<16xi32>
      %select_n3A_1294 = arith.select %and3A_1289, %broadcast_in_dim3A_1292, %broadcast_in_dim3A_1293 : vector<16xi1>, vector<16xi32>
      %cumsum3A_1295 = arith.constant true
      %cumsum3A_1296 = vector.broadcast %cumsum3A_1295 : i1 to vector<16xi1>
      %cumsum3A_1297 = tpu.scan <sum>, %select_n3A_1294 masked %cumsum3A_1296 : vector<16xi32>, vector<16xi1> -> vector<16xi32>
      %all_reduce_population_count3A_1298 = tpu.all_reduce %and3A_1289 {dim = 0 : i64, kind = #tpu.reduction_kind<sum>} : vector<16xi1> -> vector<16xi32>
      %add3A_1299 = arith.addi %add3A_1248, %cumsum3A_1297 : vector<16xi32>
      %sub3A_1300 = arith.constant 1 : i32
      %sub3A_1301 = vector.broadcast %sub3A_1300 : i32 to vector<16xi32>
      %sub3A_1302 = arith.subi %add3A_1299, %sub3A_1301 : vector<16xi32>
      %min3A_1303 = arith.constant 8191 : i32
      %min3A_1304 = vector.broadcast %min3A_1303 : i32 to vector<16xi32>
      %min3A_1305 = arith.minsi %sub3A_1302, %min3A_1304 : vector<16xi32>
      tpu.vector_store_idx %arg8[%min3A_1305], %get3A_1278 masked %and3A_1289 : memref<8192xi32, #tpu.memory_space<vmem>>[vector<16xi32>], vector<16xi32>, vector<16xi1>
      %sub3A_1306 = vector.broadcast %mul3A_2 : i32 to vector<16xi32>
      %sub3A_1307 = arith.subi %get3A_1282, %sub3A_1306 : vector<16xi32>
      tpu.vector_store_idx %arg9[%min3A_1305], %sub3A_1307 masked %and3A_1289 : memref<8192xi32, #tpu.memory_space<vmem>>[vector<16xi32>], vector<16xi32>, vector<16xi1>
      %add3A_1308 = arith.addi %add3A_1248, %all_reduce_population_count3A_1298 : vector<16xi32>
      %ge3A_1309 = vector.broadcast %mul3A_7 : i32 to vector<16xi32>
      %ge3A_1310 = arith.cmpi sge, %get3A_1282, %ge3A_1309 : vector<16xi32>
      %add3A_1311 = arith.constant 12800 : i32
      %add3A_1312 = arith.addi %mul3A_7, %add3A_1311 : i32
      %lt3A_1313 = vector.broadcast %add3A_1312 : i32 to vector<16xi32>
      %lt3A_1314 = arith.cmpi slt, %get3A_1282, %lt3A_1313 : vector<16xi32>
      %and3A_1315 = arith.andi %ge3A_1310, %lt3A_1314 : vector<16xi1>
      %jit3A_1316 = arith.constant 1 : i32
      %jit3A_1317 = arith.constant 0 : i32
      %broadcast_in_dim3A_1318 = vector.broadcast %jit3A_1316 : i32 to vector<16xi32>
      %broadcast_in_dim3A_1319 = vector.broadcast %jit3A_1317 : i32 to vector<16xi32>
      %select_n3A_1320 = arith.select %and3A_1315, %broadcast_in_dim3A_1318, %broadcast_in_dim3A_1319 : vector<16xi1>, vector<16xi32>
      %cumsum3A_1321 = arith.constant true
      %cumsum3A_1322 = vector.broadcast %cumsum3A_1321 : i1 to vector<16xi1>
      %cumsum3A_1323 = tpu.scan <sum>, %select_n3A_1320 masked %cumsum3A_1322 : vector<16xi32>, vector<16xi1> -> vector<16xi32>
      %all_reduce_population_count3A_1324 = tpu.all_reduce %and3A_1315 {dim = 0 : i64, kind = #tpu.reduction_kind<sum>} : vector<16xi1> -> vector<16xi32>
      %add3A_1325 = arith.addi %add3A_1274, %cumsum3A_1323 : vector<16xi32>
      %sub3A_1326 = arith.constant 1 : i32
      %sub3A_1327 = vector.broadcast %sub3A_1326 : i32 to vector<16xi32>
      %sub3A_1328 = arith.subi %add3A_1325, %sub3A_1327 : vector<16xi32>
      %min3A_1329 = arith.constant 8191 : i32
      %min3A_1330 = vector.broadcast %min3A_1329 : i32 to vector<16xi32>
      %min3A_1331 = arith.minsi %sub3A_1328, %min3A_1330 : vector<16xi32>
      tpu.vector_store_idx %arg10[%min3A_1331], %get3A_1278 masked %and3A_1315 : memref<8192xi32, #tpu.memory_space<vmem>>[vector<16xi32>], vector<16xi32>, vector<16xi1>
      %sub3A_1332 = vector.broadcast %mul3A_7 : i32 to vector<16xi32>
      %sub3A_1333 = arith.subi %get3A_1282, %sub3A_1332 : vector<16xi32>
      tpu.vector_store_idx %arg11[%min3A_1331], %sub3A_1333 masked %and3A_1315 : memref<8192xi32, #tpu.memory_space<vmem>>[vector<16xi32>], vector<16xi32>, vector<16xi1>
      %add3A_1334 = arith.addi %add3A_1274, %all_reduce_population_count3A_1324 : vector<16xi32>
      %get3A_1335 = arith.constant 2 : i32
      %get3A_1336 = arith.index_cast %get3A_1335 : i32 to index
      %get3A_1337 = arith.constant 96 : index
      %get3A_1338 = tpu.vector_load %arg6[%get3A_1336, %get3A_1337] {strides = array<i32>} : memref<4x128xi32, #tpu.memory_space<vmem>>, vector<16xi32>,
      %get3A_1339 = arith.constant 2 : i32
      %get3A_1340 = arith.index_cast %get3A_1339 : i32 to index
      %get3A_1341 = arith.constant 96 : index
      %get3A_1342 = tpu.vector_load %arg7[%get3A_1340, %get3A_1341] {strides = array<i32>} : memref<4x128xi32, #tpu.memory_space<vmem>>, vector<16xi32>,
      %ge3A_1343 = vector.broadcast %mul3A_2 : i32 to vector<16xi32>
      %ge3A_1344 = arith.cmpi sge, %get3A_1342, %ge3A_1343 : vector<16xi32>
      %add3A_1345 = arith.constant 12800 : i32
      %add3A_1346 = arith.addi %mul3A_2, %add3A_1345 : i32
      %lt3A_1347 = vector.broadcast %add3A_1346 : i32 to vector<16xi32>
      %lt3A_1348 = arith.cmpi slt, %get3A_1342, %lt3A_1347 : vector<16xi32>
      %and3A_1349 = arith.andi %ge3A_1344, %lt3A_1348 : vector<16xi1>
      %jit3A_1350 = arith.constant 1 : i32
      %jit3A_1351 = arith.constant 0 : i32
      %broadcast_in_dim3A_1352 = vector.broadcast %jit3A_1350 : i32 to vector<16xi32>
      %broadcast_in_dim3A_1353 = vector.broadcast %jit3A_1351 : i32 to vector<16xi32>
      %select_n3A_1354 = arith.select %and3A_1349, %broadcast_in_dim3A_1352, %broadcast_in_dim3A_1353 : vector<16xi1>, vector<16xi32>
      %cumsum3A_1355 = arith.constant true
      %cumsum3A_1356 = vector.broadcast %cumsum3A_1355 : i1 to vector<16xi1>
      %cumsum3A_1357 = tpu.scan <sum>, %select_n3A_1354 masked %cumsum3A_1356 : vector<16xi32>, vector<16xi1> -> vector<16xi32>
      %all_reduce_population_count3A_1358 = tpu.all_reduce %and3A_1349 {dim = 0 : i64, kind = #tpu.reduction_kind<sum>} : vector<16xi1> -> vector<16xi32>
      %add3A_1359 = arith.addi %add3A_1308, %cumsum3A_1357 : vector<16xi32>
      %sub3A_1360 = arith.constant 1 : i32
      %sub3A_1361 = vector.broadcast %sub3A_1360 : i32 to vector<16xi32>
      %sub3A_1362 = arith.subi %add3A_1359, %sub3A_1361 : vector<16xi32>
      %min3A_1363 = arith.constant 8191 : i32
      %min3A_1364 = vector.broadcast %min3A_1363 : i32 to vector<16xi32>
      %min3A_1365 = arith.minsi %sub3A_1362, %min3A_1364 : vector<16xi32>
      tpu.vector_store_idx %arg8[%min3A_1365], %get3A_1338 masked %and3A_1349 : memref<8192xi32, #tpu.memory_space<vmem>>[vector<16xi32>], vector<16xi32>, vector<16xi1>
      %sub3A_1366 = vector.broadcast %mul3A_2 : i32 to vector<16xi32>
      %sub3A_1367 = arith.subi %get3A_1342, %sub3A_1366 : vector<16xi32>
      tpu.vector_store_idx %arg9[%min3A_1365], %sub3A_1367 masked %and3A_1349 : memref<8192xi32, #tpu.memory_space<vmem>>[vector<16xi32>], vector<16xi32>, vector<16xi1>
      %add3A_1368 = arith.addi %add3A_1308, %all_reduce_population_count3A_1358 : vector<16xi32>
      %ge3A_1369 = vector.broadcast %mul3A_7 : i32 to vector<16xi32>
      %ge3A_1370 = arith.cmpi sge, %get3A_1342, %ge3A_1369 : vector<16xi32>
      %add3A_1371 = arith.constant 12800 : i32
      %add3A_1372 = arith.addi %mul3A_7, %add3A_1371 : i32
      %lt3A_1373 = vector.broadcast %add3A_1372 : i32 to vector<16xi32>
      %lt3A_1374 = arith.cmpi slt, %get3A_1342, %lt3A_1373 : vector<16xi32>
      %and3A_1375 = arith.andi %ge3A_1370, %lt3A_1374 : vector<16xi1>
      %jit3A_1376 = arith.constant 1 : i32
      %jit3A_1377 = arith.constant 0 : i32
      %broadcast_in_dim3A_1378 = vector.broadcast %jit3A_1376 : i32 to vector<16xi32>
      %broadcast_in_dim3A_1379 = vector.broadcast %jit3A_1377 : i32 to vector<16xi32>
      %select_n3A_1380 = arith.select %and3A_1375, %broadcast_in_dim3A_1378, %broadcast_in_dim3A_1379 : vector<16xi1>, vector<16xi32>
      %cumsum3A_1381 = arith.constant true
      %cumsum3A_1382 = vector.broadcast %cumsum3A_1381 : i1 to vector<16xi1>
      %cumsum3A_1383 = tpu.scan <sum>, %select_n3A_1380 masked %cumsum3A_1382 : vector<16xi32>, vector<16xi1> -> vector<16xi32>
      %all_reduce_population_count3A_1384 = tpu.all_reduce %and3A_1375 {dim = 0 : i64, kind = #tpu.reduction_kind<sum>} : vector<16xi1> -> vector<16xi32>
      %add3A_1385 = arith.addi %add3A_1334, %cumsum3A_1383 : vector<16xi32>
      %sub3A_1386 = arith.constant 1 : i32
      %sub3A_1387 = vector.broadcast %sub3A_1386 : i32 to vector<16xi32>
      %sub3A_1388 = arith.subi %add3A_1385, %sub3A_1387 : vector<16xi32>
      %min3A_1389 = arith.constant 8191 : i32
      %min3A_1390 = vector.broadcast %min3A_1389 : i32 to vector<16xi32>
      %min3A_1391 = arith.minsi %sub3A_1388, %min3A_1390 : vector<16xi32>
      tpu.vector_store_idx %arg10[%min3A_1391], %get3A_1338 masked %and3A_1375 : memref<8192xi32, #tpu.memory_space<vmem>>[vector<16xi32>], vector<16xi32>, vector<16xi1>
      %sub3A_1392 = vector.broadcast %mul3A_7 : i32 to vector<16xi32>
      %sub3A_1393 = arith.subi %get3A_1342, %sub3A_1392 : vector<16xi32>
      tpu.vector_store_idx %arg11[%min3A_1391], %sub3A_1393 masked %and3A_1375 : memref<8192xi32, #tpu.memory_space<vmem>>[vector<16xi32>], vector<16xi32>, vector<16xi1>
      %add3A_1394 = arith.addi %add3A_1334, %all_reduce_population_count3A_1384 : vector<16xi32>
      %get3A_1395 = arith.constant 2 : i32
      %get3A_1396 = arith.index_cast %get3A_1395 : i32 to index
      %get3A_1397 = arith.constant 112 : index
      %get3A_1398 = tpu.vector_load %arg6[%get3A_1396, %get3A_1397] {strides = array<i32>} : memref<4x128xi32, #tpu.memory_space<vmem>>, vector<16xi32>,
      %get3A_1399 = arith.constant 2 : i32
      %get3A_1400 = arith.index_cast %get3A_1399 : i32 to index
      %get3A_1401 = arith.constant 112 : index
      %get3A_1402 = tpu.vector_load %arg7[%get3A_1400, %get3A_1401] {strides = array<i32>} : memref<4x128xi32, #tpu.memory_space<vmem>>, vector<16xi32>,
      %ge3A_1403 = vector.broadcast %mul3A_2 : i32 to vector<16xi32>
      %ge3A_1404 = arith.cmpi sge, %get3A_1402, %ge3A_1403 : vector<16xi32>
      %add3A_1405 = arith.constant 12800 : i32
      %add3A_1406 = arith.addi %mul3A_2, %add3A_1405 : i32
      %lt3A_1407 = vector.broadcast %add3A_1406 : i32 to vector<16xi32>
      %lt3A_1408 = arith.cmpi slt, %get3A_1402, %lt3A_1407 : vector<16xi32>
      %and3A_1409 = arith.andi %ge3A_1404, %lt3A_1408 : vector<16xi1>
      %jit3A_1410 = arith.constant 1 : i32
      %jit3A_1411 = arith.constant 0 : i32
      %broadcast_in_dim3A_1412 = vector.broadcast %jit3A_1410 : i32 to vector<16xi32>
      %broadcast_in_dim3A_1413 = vector.broadcast %jit3A_1411 : i32 to vector<16xi32>
      %select_n3A_1414 = arith.select %and3A_1409, %broadcast_in_dim3A_1412, %broadcast_in_dim3A_1413 : vector<16xi1>, vector<16xi32>
      %cumsum3A_1415 = arith.constant true
      %cumsum3A_1416 = vector.broadcast %cumsum3A_1415 : i1 to vector<16xi1>
      %cumsum3A_1417 = tpu.scan <sum>, %select_n3A_1414 masked %cumsum3A_1416 : vector<16xi32>, vector<16xi1> -> vector<16xi32>
      %all_reduce_population_count3A_1418 = tpu.all_reduce %and3A_1409 {dim = 0 : i64, kind = #tpu.reduction_kind<sum>} : vector<16xi1> -> vector<16xi32>
      %add3A_1419 = arith.addi %add3A_1368, %cumsum3A_1417 : vector<16xi32>
      %sub3A_1420 = arith.constant 1 : i32
      %sub3A_1421 = vector.broadcast %sub3A_1420 : i32 to vector<16xi32>
      %sub3A_1422 = arith.subi %add3A_1419, %sub3A_1421 : vector<16xi32>
      %min3A_1423 = arith.constant 8191 : i32
      %min3A_1424 = vector.broadcast %min3A_1423 : i32 to vector<16xi32>
      %min3A_1425 = arith.minsi %sub3A_1422, %min3A_1424 : vector<16xi32>
      tpu.vector_store_idx %arg8[%min3A_1425], %get3A_1398 masked %and3A_1409 : memref<8192xi32, #tpu.memory_space<vmem>>[vector<16xi32>], vector<16xi32>, vector<16xi1>
      %sub3A_1426 = vector.broadcast %mul3A_2 : i32 to vector<16xi32>
      %sub3A_1427 = arith.subi %get3A_1402, %sub3A_1426 : vector<16xi32>
      tpu.vector_store_idx %arg9[%min3A_1425], %sub3A_1427 masked %and3A_1409 : memref<8192xi32, #tpu.memory_space<vmem>>[vector<16xi32>], vector<16xi32>, vector<16xi1>
      %add3A_1428 = arith.addi %add3A_1368, %all_reduce_population_count3A_1418 : vector<16xi32>
      %ge3A_1429 = vector.broadcast %mul3A_7 : i32 to vector<16xi32>
      %ge3A_1430 = arith.cmpi sge, %get3A_1402, %ge3A_1429 : vector<16xi32>
      %add3A_1431 = arith.constant 12800 : i32
      %add3A_1432 = arith.addi %mul3A_7, %add3A_1431 : i32
      %lt3A_1433 = vector.broadcast %add3A_1432 : i32 to vector<16xi32>
      %lt3A_1434 = arith.cmpi slt, %get3A_1402, %lt3A_1433 : vector<16xi32>
      %and3A_1435 = arith.andi %ge3A_1430, %lt3A_1434 : vector<16xi1>
      %jit3A_1436 = arith.constant 1 : i32
      %jit3A_1437 = arith.constant 0 : i32
      %broadcast_in_dim3A_1438 = vector.broadcast %jit3A_1436 : i32 to vector<16xi32>
      %broadcast_in_dim3A_1439 = vector.broadcast %jit3A_1437 : i32 to vector<16xi32>
      %select_n3A_1440 = arith.select %and3A_1435, %broadcast_in_dim3A_1438, %broadcast_in_dim3A_1439 : vector<16xi1>, vector<16xi32>
      %cumsum3A_1441 = arith.constant true
      %cumsum3A_1442 = vector.broadcast %cumsum3A_1441 : i1 to vector<16xi1>
      %cumsum3A_1443 = tpu.scan <sum>, %select_n3A_1440 masked %cumsum3A_1442 : vector<16xi32>, vector<16xi1> -> vector<16xi32>
      %all_reduce_population_count3A_1444 = tpu.all_reduce %and3A_1435 {dim = 0 : i64, kind = #tpu.reduction_kind<sum>} : vector<16xi1> -> vector<16xi32>
      %add3A_1445 = arith.addi %add3A_1394, %cumsum3A_1443 : vector<16xi32>
      %sub3A_1446 = arith.constant 1 : i32
      %sub3A_1447 = vector.broadcast %sub3A_1446 : i32 to vector<16xi32>
      %sub3A_1448 = arith.subi %add3A_1445, %sub3A_1447 : vector<16xi32>
      %min3A_1449 = arith.constant 8191 : i32
      %min3A_1450 = vector.broadcast %min3A_1449 : i32 to vector<16xi32>
      %min3A_1451 = arith.minsi %sub3A_1448, %min3A_1450 : vector<16xi32>
      tpu.vector_store_idx %arg10[%min3A_1451], %get3A_1398 masked %and3A_1435 : memref<8192xi32, #tpu.memory_space<vmem>>[vector<16xi32>], vector<16xi32>, vector<16xi1>
      %sub3A_1452 = vector.broadcast %mul3A_7 : i32 to vector<16xi32>
      %sub3A_1453 = arith.subi %get3A_1402, %sub3A_1452 : vector<16xi32>
      tpu.vector_store_idx %arg11[%min3A_1451], %sub3A_1453 masked %and3A_1435 : memref<8192xi32, #tpu.memory_space<vmem>>[vector<16xi32>], vector<16xi32>, vector<16xi1>
      %add3A_1454 = arith.addi %add3A_1394, %all_reduce_population_count3A_1444 : vector<16xi32>
      %get3A_1455 = arith.constant 3 : i32
      %get3A_1456 = arith.index_cast %get3A_1455 : i32 to index
      %get3A_1457 = arith.constant 0 : index
      %get3A_1458 = tpu.vector_load %arg6[%get3A_1456, %get3A_1457] {strides = array<i32>} : memref<4x128xi32, #tpu.memory_space<vmem>>, vector<16xi32>,
      %get3A_1459 = arith.constant 3 : i32
      %get3A_1460 = arith.index_cast %get3A_1459 : i32 to index
      %get3A_1461 = arith.constant 0 : index
      %get3A_1462 = tpu.vector_load %arg7[%get3A_1460, %get3A_1461] {strides = array<i32>} : memref<4x128xi32, #tpu.memory_space<vmem>>, vector<16xi32>,
      %ge3A_1463 = vector.broadcast %mul3A_2 : i32 to vector<16xi32>
      %ge3A_1464 = arith.cmpi sge, %get3A_1462, %ge3A_1463 : vector<16xi32>
      %add3A_1465 = arith.constant 12800 : i32
      %add3A_1466 = arith.addi %mul3A_2, %add3A_1465 : i32
      %lt3A_1467 = vector.broadcast %add3A_1466 : i32 to vector<16xi32>
      %lt3A_1468 = arith.cmpi slt, %get3A_1462, %lt3A_1467 : vector<16xi32>
      %and3A_1469 = arith.andi %ge3A_1464, %lt3A_1468 : vector<16xi1>
      %jit3A_1470 = arith.constant 1 : i32
      %jit3A_1471 = arith.constant 0 : i32
      %broadcast_in_dim3A_1472 = vector.broadcast %jit3A_1470 : i32 to vector<16xi32>
      %broadcast_in_dim3A_1473 = vector.broadcast %jit3A_1471 : i32 to vector<16xi32>
      %select_n3A_1474 = arith.select %and3A_1469, %broadcast_in_dim3A_1472, %broadcast_in_dim3A_1473 : vector<16xi1>, vector<16xi32>
      %cumsum3A_1475 = arith.constant true
      %cumsum3A_1476 = vector.broadcast %cumsum3A_1475 : i1 to vector<16xi1>
      %cumsum3A_1477 = tpu.scan <sum>, %select_n3A_1474 masked %cumsum3A_1476 : vector<16xi32>, vector<16xi1> -> vector<16xi32>
      %all_reduce_population_count3A_1478 = tpu.all_reduce %and3A_1469 {dim = 0 : i64, kind = #tpu.reduction_kind<sum>} : vector<16xi1> -> vector<16xi32>
      %add3A_1479 = arith.addi %add3A_1428, %cumsum3A_1477 : vector<16xi32>
      %sub3A_1480 = arith.constant 1 : i32
      %sub3A_1481 = vector.broadcast %sub3A_1480 : i32 to vector<16xi32>
      %sub3A_1482 = arith.subi %add3A_1479, %sub3A_1481 : vector<16xi32>
      %min3A_1483 = arith.constant 8191 : i32
      %min3A_1484 = vector.broadcast %min3A_1483 : i32 to vector<16xi32>
      %min3A_1485 = arith.minsi %sub3A_1482, %min3A_1484 : vector<16xi32>
      tpu.vector_store_idx %arg8[%min3A_1485], %get3A_1458 masked %and3A_1469 : memref<8192xi32, #tpu.memory_space<vmem>>[vector<16xi32>], vector<16xi32>, vector<16xi1>
      %sub3A_1486 = vector.broadcast %mul3A_2 : i32 to vector<16xi32>
      %sub3A_1487 = arith.subi %get3A_1462, %sub3A_1486 : vector<16xi32>
      tpu.vector_store_idx %arg9[%min3A_1485], %sub3A_1487 masked %and3A_1469 : memref<8192xi32, #tpu.memory_space<vmem>>[vector<16xi32>], vector<16xi32>, vector<16xi1>
      %add3A_1488 = arith.addi %add3A_1428, %all_reduce_population_count3A_1478 : vector<16xi32>
      %ge3A_1489 = vector.broadcast %mul3A_7 : i32 to vector<16xi32>
      %ge3A_1490 = arith.cmpi sge, %get3A_1462, %ge3A_1489 : vector<16xi32>
      %add3A_1491 = arith.constant 12800 : i32
      %add3A_1492 = arith.addi %mul3A_7, %add3A_1491 : i32
      %lt3A_1493 = vector.broadcast %add3A_1492 : i32 to vector<16xi32>
      %lt3A_1494 = arith.cmpi slt, %get3A_1462, %lt3A_1493 : vector<16xi32>
      %and3A_1495 = arith.andi %ge3A_1490, %lt3A_1494 : vector<16xi1>
      %jit3A_1496 = arith.constant 1 : i32
      %jit3A_1497 = arith.constant 0 : i32
      %broadcast_in_dim3A_1498 = vector.broadcast %jit3A_1496 : i32 to vector<16xi32>
      %broadcast_in_dim3A_1499 = vector.broadcast %jit3A_1497 : i32 to vector<16xi32>
      %select_n3A_1500 = arith.select %and3A_1495, %broadcast_in_dim3A_1498, %broadcast_in_dim3A_1499 : vector<16xi1>, vector<16xi32>
      %cumsum3A_1501 = arith.constant true
      %cumsum3A_1502 = vector.broadcast %cumsum3A_1501 : i1 to vector<16xi1>
      %cumsum3A_1503 = tpu.scan <sum>, %select_n3A_1500 masked %cumsum3A_1502 : vector<16xi32>, vector<16xi1> -> vector<16xi32>
      %all_reduce_population_count3A_1504 = tpu.all_reduce %and3A_1495 {dim = 0 : i64, kind = #tpu.reduction_kind<sum>} : vector<16xi1> -> vector<16xi32>
      %add3A_1505 = arith.addi %add3A_1454, %cumsum3A_1503 : vector<16xi32>
      %sub3A_1506 = arith.constant 1 : i32
      %sub3A_1507 = vector.broadcast %sub3A_1506 : i32 to vector<16xi32>
      %sub3A_1508 = arith.subi %add3A_1505, %sub3A_1507 : vector<16xi32>
      %min3A_1509 = arith.constant 8191 : i32
      %min3A_1510 = vector.broadcast %min3A_1509 : i32 to vector<16xi32>
      %min3A_1511 = arith.minsi %sub3A_1508, %min3A_1510 : vector<16xi32>
      tpu.vector_store_idx %arg10[%min3A_1511], %get3A_1458 masked %and3A_1495 : memref<8192xi32, #tpu.memory_space<vmem>>[vector<16xi32>], vector<16xi32>, vector<16xi1>
      %sub3A_1512 = vector.broadcast %mul3A_7 : i32 to vector<16xi32>
      %sub3A_1513 = arith.subi %get3A_1462, %sub3A_1512 : vector<16xi32>
      tpu.vector_store_idx %arg11[%min3A_1511], %sub3A_1513 masked %and3A_1495 : memref<8192xi32, #tpu.memory_space<vmem>>[vector<16xi32>], vector<16xi32>, vector<16xi1>
      %add3A_1514 = arith.addi %add3A_1454, %all_reduce_population_count3A_1504 : vector<16xi32>
      %get3A_1515 = arith.constant 3 : i32
      %get3A_1516 = arith.index_cast %get3A_1515 : i32 to index
      %get3A_1517 = arith.constant 16 : index
      %get3A_1518 = tpu.vector_load %arg6[%get3A_1516, %get3A_1517] {strides = array<i32>} : memref<4x128xi32, #tpu.memory_space<vmem>>, vector<16xi32>,
      %get3A_1519 = arith.constant 3 : i32
      %get3A_1520 = arith.index_cast %get3A_1519 : i32 to index
      %get3A_1521 = arith.constant 16 : index
      %get3A_1522 = tpu.vector_load %arg7[%get3A_1520, %get3A_1521] {strides = array<i32>} : memref<4x128xi32, #tpu.memory_space<vmem>>, vector<16xi32>,
      %ge3A_1523 = vector.broadcast %mul3A_2 : i32 to vector<16xi32>
      %ge3A_1524 = arith.cmpi sge, %get3A_1522, %ge3A_1523 : vector<16xi32>
      %add3A_1525 = arith.constant 12800 : i32
      %add3A_1526 = arith.addi %mul3A_2, %add3A_1525 : i32
      %lt3A_1527 = vector.broadcast %add3A_1526 : i32 to vector<16xi32>
      %lt3A_1528 = arith.cmpi slt, %get3A_1522, %lt3A_1527 : vector<16xi32>
      %and3A_1529 = arith.andi %ge3A_1524, %lt3A_1528 : vector<16xi1>
      %jit3A_1530 = arith.constant 1 : i32
      %jit3A_1531 = arith.constant 0 : i32
      %broadcast_in_dim3A_1532 = vector.broadcast %jit3A_1530 : i32 to vector<16xi32>
      %broadcast_in_dim3A_1533 = vector.broadcast %jit3A_1531 : i32 to vector<16xi32>
      %select_n3A_1534 = arith.select %and3A_1529, %broadcast_in_dim3A_1532, %broadcast_in_dim3A_1533 : vector<16xi1>, vector<16xi32>
      %cumsum3A_1535 = arith.constant true
      %cumsum3A_1536 = vector.broadcast %cumsum3A_1535 : i1 to vector<16xi1>
      %cumsum3A_1537 = tpu.scan <sum>, %select_n3A_1534 masked %cumsum3A_1536 : vector<16xi32>, vector<16xi1> -> vector<16xi32>
      %all_reduce_population_count3A_1538 = tpu.all_reduce %and3A_1529 {dim = 0 : i64, kind = #tpu.reduction_kind<sum>} : vector<16xi1> -> vector<16xi32>
      %add3A_1539 = arith.addi %add3A_1488, %cumsum3A_1537 : vector<16xi32>
      %sub3A_1540 = arith.constant 1 : i32
      %sub3A_1541 = vector.broadcast %sub3A_1540 : i32 to vector<16xi32>
      %sub3A_1542 = arith.subi %add3A_1539, %sub3A_1541 : vector<16xi32>
      %min3A_1543 = arith.constant 8191 : i32
      %min3A_1544 = vector.broadcast %min3A_1543 : i32 to vector<16xi32>
      %min3A_1545 = arith.minsi %sub3A_1542, %min3A_1544 : vector<16xi32>
      tpu.vector_store_idx %arg8[%min3A_1545], %get3A_1518 masked %and3A_1529 : memref<8192xi32, #tpu.memory_space<vmem>>[vector<16xi32>], vector<16xi32>, vector<16xi1>
      %sub3A_1546 = vector.broadcast %mul3A_2 : i32 to vector<16xi32>
      %sub3A_1547 = arith.subi %get3A_1522, %sub3A_1546 : vector<16xi32>
      tpu.vector_store_idx %arg9[%min3A_1545], %sub3A_1547 masked %and3A_1529 : memref<8192xi32, #tpu.memory_space<vmem>>[vector<16xi32>], vector<16xi32>, vector<16xi1>
      %add3A_1548 = arith.addi %add3A_1488, %all_reduce_population_count3A_1538 : vector<16xi32>
      %ge3A_1549 = vector.broadcast %mul3A_7 : i32 to vector<16xi32>
      %ge3A_1550 = arith.cmpi sge, %get3A_1522, %ge3A_1549 : vector<16xi32>
      %add3A_1551 = arith.constant 12800 : i32
      %add3A_1552 = arith.addi %mul3A_7, %add3A_1551 : i32
      %lt3A_1553 = vector.broadcast %add3A_1552 : i32 to vector<16xi32>
      %lt3A_1554 = arith.cmpi slt, %get3A_1522, %lt3A_1553 : vector<16xi32>
      %and3A_1555 = arith.andi %ge3A_1550, %lt3A_1554 : vector<16xi1>
      %jit3A_1556 = arith.constant 1 : i32
      %jit3A_1557 = arith.constant 0 : i32
      %broadcast_in_dim3A_1558 = vector.broadcast %jit3A_1556 : i32 to vector<16xi32>
      %broadcast_in_dim3A_1559 = vector.broadcast %jit3A_1557 : i32 to vector<16xi32>
      %select_n3A_1560 = arith.select %and3A_1555, %broadcast_in_dim3A_1558, %broadcast_in_dim3A_1559 : vector<16xi1>, vector<16xi32>
      %cumsum3A_1561 = arith.constant true
      %cumsum3A_1562 = vector.broadcast %cumsum3A_1561 : i1 to vector<16xi1>
      %cumsum3A_1563 = tpu.scan <sum>, %select_n3A_1560 masked %cumsum3A_1562 : vector<16xi32>, vector<16xi1> -> vector<16xi32>
      %all_reduce_population_count3A_1564 = tpu.all_reduce %and3A_1555 {dim = 0 : i64, kind = #tpu.reduction_kind<sum>} : vector<16xi1> -> vector<16xi32>
      %add3A_1565 = arith.addi %add3A_1514, %cumsum3A_1563 : vector<16xi32>
      %sub3A_1566 = arith.constant 1 : i32
      %sub3A_1567 = vector.broadcast %sub3A_1566 : i32 to vector<16xi32>
      %sub3A_1568 = arith.subi %add3A_1565, %sub3A_1567 : vector<16xi32>
      %min3A_1569 = arith.constant 8191 : i32
      %min3A_1570 = vector.broadcast %min3A_1569 : i32 to vector<16xi32>
      %min3A_1571 = arith.minsi %sub3A_1568, %min3A_1570 : vector<16xi32>
      tpu.vector_store_idx %arg10[%min3A_1571], %get3A_1518 masked %and3A_1555 : memref<8192xi32, #tpu.memory_space<vmem>>[vector<16xi32>], vector<16xi32>, vector<16xi1>
      %sub3A_1572 = vector.broadcast %mul3A_7 : i32 to vector<16xi32>
      %sub3A_1573 = arith.subi %get3A_1522, %sub3A_1572 : vector<16xi32>
      tpu.vector_store_idx %arg11[%min3A_1571], %sub3A_1573 masked %and3A_1555 : memref<8192xi32, #tpu.memory_space<vmem>>[vector<16xi32>], vector<16xi32>, vector<16xi1>
      %add3A_1574 = arith.addi %add3A_1514, %all_reduce_population_count3A_1564 : vector<16xi32>
      %get3A_1575 = arith.constant 3 : i32
      %get3A_1576 = arith.index_cast %get3A_1575 : i32 to index
      %get3A_1577 = arith.constant 32 : index
      %get3A_1578 = tpu.vector_load %arg6[%get3A_1576, %get3A_1577] {strides = array<i32>} : memref<4x128xi32, #tpu.memory_space<vmem>>, vector<16xi32>,
      %get3A_1579 = arith.constant 3 : i32
      %get3A_1580 = arith.index_cast %get3A_1579 : i32 to index
      %get3A_1581 = arith.constant 32 : index
      %get3A_1582 = tpu.vector_load %arg7[%get3A_1580, %get3A_1581] {strides = array<i32>} : memref<4x128xi32, #tpu.memory_space<vmem>>, vector<16xi32>,
      %ge3A_1583 = vector.broadcast %mul3A_2 : i32 to vector<16xi32>
      %ge3A_1584 = arith.cmpi sge, %get3A_1582, %ge3A_1583 : vector<16xi32>
      %add3A_1585 = arith.constant 12800 : i32
      %add3A_1586 = arith.addi %mul3A_2, %add3A_1585 : i32
      %lt3A_1587 = vector.broadcast %add3A_1586 : i32 to vector<16xi32>
      %lt3A_1588 = arith.cmpi slt, %get3A_1582, %lt3A_1587 : vector<16xi32>
      %and3A_1589 = arith.andi %ge3A_1584, %lt3A_1588 : vector<16xi1>
      %jit3A_1590 = arith.constant 1 : i32
      %jit3A_1591 = arith.constant 0 : i32
      %broadcast_in_dim3A_1592 = vector.broadcast %jit3A_1590 : i32 to vector<16xi32>
      %broadcast_in_dim3A_1593 = vector.broadcast %jit3A_1591 : i32 to vector<16xi32>
      %select_n3A_1594 = arith.select %and3A_1589, %broadcast_in_dim3A_1592, %broadcast_in_dim3A_1593 : vector<16xi1>, vector<16xi32>
      %cumsum3A_1595 = arith.constant true
      %cumsum3A_1596 = vector.broadcast %cumsum3A_1595 : i1 to vector<16xi1>
      %cumsum3A_1597 = tpu.scan <sum>, %select_n3A_1594 masked %cumsum3A_1596 : vector<16xi32>, vector<16xi1> -> vector<16xi32>
      %all_reduce_population_count3A_1598 = tpu.all_reduce %and3A_1589 {dim = 0 : i64, kind = #tpu.reduction_kind<sum>} : vector<16xi1> -> vector<16xi32>
      %add3A_1599 = arith.addi %add3A_1548, %cumsum3A_1597 : vector<16xi32>
      %sub3A_1600 = arith.constant 1 : i32
      %sub3A_1601 = vector.broadcast %sub3A_1600 : i32 to vector<16xi32>
      %sub3A_1602 = arith.subi %add3A_1599, %sub3A_1601 : vector<16xi32>
      %min3A_1603 = arith.constant 8191 : i32
      %min3A_1604 = vector.broadcast %min3A_1603 : i32 to vector<16xi32>
      %min3A_1605 = arith.minsi %sub3A_1602, %min3A_1604 : vector<16xi32>
      tpu.vector_store_idx %arg8[%min3A_1605], %get3A_1578 masked %and3A_1589 : memref<8192xi32, #tpu.memory_space<vmem>>[vector<16xi32>], vector<16xi32>, vector<16xi1>
      %sub3A_1606 = vector.broadcast %mul3A_2 : i32 to vector<16xi32>
      %sub3A_1607 = arith.subi %get3A_1582, %sub3A_1606 : vector<16xi32>
      tpu.vector_store_idx %arg9[%min3A_1605], %sub3A_1607 masked %and3A_1589 : memref<8192xi32, #tpu.memory_space<vmem>>[vector<16xi32>], vector<16xi32>, vector<16xi1>
      %add3A_1608 = arith.addi %add3A_1548, %all_reduce_population_count3A_1598 : vector<16xi32>
      %ge3A_1609 = vector.broadcast %mul3A_7 : i32 to vector<16xi32>
      %ge3A_1610 = arith.cmpi sge, %get3A_1582, %ge3A_1609 : vector<16xi32>
      %add3A_1611 = arith.constant 12800 : i32
      %add3A_1612 = arith.addi %mul3A_7, %add3A_1611 : i32
      %lt3A_1613 = vector.broadcast %add3A_1612 : i32 to vector<16xi32>
      %lt3A_1614 = arith.cmpi slt, %get3A_1582, %lt3A_1613 : vector<16xi32>
      %and3A_1615 = arith.andi %ge3A_1610, %lt3A_1614 : vector<16xi1>
      %jit3A_1616 = arith.constant 1 : i32
      %jit3A_1617 = arith.constant 0 : i32
      %broadcast_in_dim3A_1618 = vector.broadcast %jit3A_1616 : i32 to vector<16xi32>
      %broadcast_in_dim3A_1619 = vector.broadcast %jit3A_1617 : i32 to vector<16xi32>
      %select_n3A_1620 = arith.select %and3A_1615, %broadcast_in_dim3A_1618, %broadcast_in_dim3A_1619 : vector<16xi1>, vector<16xi32>
      %cumsum3A_1621 = arith.constant true
      %cumsum3A_1622 = vector.broadcast %cumsum3A_1621 : i1 to vector<16xi1>
      %cumsum3A_1623 = tpu.scan <sum>, %select_n3A_1620 masked %cumsum3A_1622 : vector<16xi32>, vector<16xi1> -> vector<16xi32>
      %all_reduce_population_count3A_1624 = tpu.all_reduce %and3A_1615 {dim = 0 : i64, kind = #tpu.reduction_kind<sum>} : vector<16xi1> -> vector<16xi32>
      %add3A_1625 = arith.addi %add3A_1574, %cumsum3A_1623 : vector<16xi32>
      %sub3A_1626 = arith.constant 1 : i32
      %sub3A_1627 = vector.broadcast %sub3A_1626 : i32 to vector<16xi32>
      %sub3A_1628 = arith.subi %add3A_1625, %sub3A_1627 : vector<16xi32>
      %min3A_1629 = arith.constant 8191 : i32
      %min3A_1630 = vector.broadcast %min3A_1629 : i32 to vector<16xi32>
      %min3A_1631 = arith.minsi %sub3A_1628, %min3A_1630 : vector<16xi32>
      tpu.vector_store_idx %arg10[%min3A_1631], %get3A_1578 masked %and3A_1615 : memref<8192xi32, #tpu.memory_space<vmem>>[vector<16xi32>], vector<16xi32>, vector<16xi1>
      %sub3A_1632 = vector.broadcast %mul3A_7 : i32 to vector<16xi32>
      %sub3A_1633 = arith.subi %get3A_1582, %sub3A_1632 : vector<16xi32>
      tpu.vector_store_idx %arg11[%min3A_1631], %sub3A_1633 masked %and3A_1615 : memref<8192xi32, #tpu.memory_space<vmem>>[vector<16xi32>], vector<16xi32>, vector<16xi1>
      %add3A_1634 = arith.addi %add3A_1574, %all_reduce_population_count3A_1624 : vector<16xi32>
      %get3A_1635 = arith.constant 3 : i32
      %get3A_1636 = arith.index_cast %get3A_1635 : i32 to index
      %get3A_1637 = arith.constant 48 : index
      %get3A_1638 = tpu.vector_load %arg6[%get3A_1636, %get3A_1637] {strides = array<i32>} : memref<4x128xi32, #tpu.memory_space<vmem>>, vector<16xi32>,
      %get3A_1639 = arith.constant 3 : i32
      %get3A_1640 = arith.index_cast %get3A_1639 : i32 to index
      %get3A_1641 = arith.constant 48 : index
      %get3A_1642 = tpu.vector_load %arg7[%get3A_1640, %get3A_1641] {strides = array<i32>} : memref<4x128xi32, #tpu.memory_space<vmem>>, vector<16xi32>,
      %ge3A_1643 = vector.broadcast %mul3A_2 : i32 to vector<16xi32>
      %ge3A_1644 = arith.cmpi sge, %get3A_1642, %ge3A_1643 : vector<16xi32>
      %add3A_1645 = arith.constant 12800 : i32
      %add3A_1646 = arith.addi %mul3A_2, %add3A_1645 : i32
      %lt3A_1647 = vector.broadcast %add3A_1646 : i32 to vector<16xi32>
      %lt3A_1648 = arith.cmpi slt, %get3A_1642, %lt3A_1647 : vector<16xi32>
      %and3A_1649 = arith.andi %ge3A_1644, %lt3A_1648 : vector<16xi1>
      %jit3A_1650 = arith.constant 1 : i32
      %jit3A_1651 = arith.constant 0 : i32
      %broadcast_in_dim3A_1652 = vector.broadcast %jit3A_1650 : i32 to vector<16xi32>
      %broadcast_in_dim3A_1653 = vector.broadcast %jit3A_1651 : i32 to vector<16xi32>
      %select_n3A_1654 = arith.select %and3A_1649, %broadcast_in_dim3A_1652, %broadcast_in_dim3A_1653 : vector<16xi1>, vector<16xi32>
      %cumsum3A_1655 = arith.constant true
      %cumsum3A_1656 = vector.broadcast %cumsum3A_1655 : i1 to vector<16xi1>
      %cumsum3A_1657 = tpu.scan <sum>, %select_n3A_1654 masked %cumsum3A_1656 : vector<16xi32>, vector<16xi1> -> vector<16xi32>
      %all_reduce_population_count3A_1658 = tpu.all_reduce %and3A_1649 {dim = 0 : i64, kind = #tpu.reduction_kind<sum>} : vector<16xi1> -> vector<16xi32>
      %add3A_1659 = arith.addi %add3A_1608, %cumsum3A_1657 : vector<16xi32>
      %sub3A_1660 = arith.constant 1 : i32
      %sub3A_1661 = vector.broadcast %sub3A_1660 : i32 to vector<16xi32>
      %sub3A_1662 = arith.subi %add3A_1659, %sub3A_1661 : vector<16xi32>
      %min3A_1663 = arith.constant 8191 : i32
      %min3A_1664 = vector.broadcast %min3A_1663 : i32 to vector<16xi32>
      %min3A_1665 = arith.minsi %sub3A_1662, %min3A_1664 : vector<16xi32>
      tpu.vector_store_idx %arg8[%min3A_1665], %get3A_1638 masked %and3A_1649 : memref<8192xi32, #tpu.memory_space<vmem>>[vector<16xi32>], vector<16xi32>, vector<16xi1>
      %sub3A_1666 = vector.broadcast %mul3A_2 : i32 to vector<16xi32>
      %sub3A_1667 = arith.subi %get3A_1642, %sub3A_1666 : vector<16xi32>
      tpu.vector_store_idx %arg9[%min3A_1665], %sub3A_1667 masked %and3A_1649 : memref<8192xi32, #tpu.memory_space<vmem>>[vector<16xi32>], vector<16xi32>, vector<16xi1>
      %add3A_1668 = arith.addi %add3A_1608, %all_reduce_population_count3A_1658 : vector<16xi32>
      %ge3A_1669 = vector.broadcast %mul3A_7 : i32 to vector<16xi32>
      %ge3A_1670 = arith.cmpi sge, %get3A_1642, %ge3A_1669 : vector<16xi32>
      %add3A_1671 = arith.constant 12800 : i32
      %add3A_1672 = arith.addi %mul3A_7, %add3A_1671 : i32
      %lt3A_1673 = vector.broadcast %add3A_1672 : i32 to vector<16xi32>
      %lt3A_1674 = arith.cmpi slt, %get3A_1642, %lt3A_1673 : vector<16xi32>
      %and3A_1675 = arith.andi %ge3A_1670, %lt3A_1674 : vector<16xi1>
      %jit3A_1676 = arith.constant 1 : i32
      %jit3A_1677 = arith.constant 0 : i32
      %broadcast_in_dim3A_1678 = vector.broadcast %jit3A_1676 : i32 to vector<16xi32>
      %broadcast_in_dim3A_1679 = vector.broadcast %jit3A_1677 : i32 to vector<16xi32>
      %select_n3A_1680 = arith.select %and3A_1675, %broadcast_in_dim3A_1678, %broadcast_in_dim3A_1679 : vector<16xi1>, vector<16xi32>
      %cumsum3A_1681 = arith.constant true
      %cumsum3A_1682 = vector.broadcast %cumsum3A_1681 : i1 to vector<16xi1>
      %cumsum3A_1683 = tpu.scan <sum>, %select_n3A_1680 masked %cumsum3A_1682 : vector<16xi32>, vector<16xi1> -> vector<16xi32>
      %all_reduce_population_count3A_1684 = tpu.all_reduce %and3A_1675 {dim = 0 : i64, kind = #tpu.reduction_kind<sum>} : vector<16xi1> -> vector<16xi32>
      %add3A_1685 = arith.addi %add3A_1634, %cumsum3A_1683 : vector<16xi32>
      %sub3A_1686 = arith.constant 1 : i32
      %sub3A_1687 = vector.broadcast %sub3A_1686 : i32 to vector<16xi32>
      %sub3A_1688 = arith.subi %add3A_1685, %sub3A_1687 : vector<16xi32>
      %min3A_1689 = arith.constant 8191 : i32
      %min3A_1690 = vector.broadcast %min3A_1689 : i32 to vector<16xi32>
      %min3A_1691 = arith.minsi %sub3A_1688, %min3A_1690 : vector<16xi32>
      tpu.vector_store_idx %arg10[%min3A_1691], %get3A_1638 masked %and3A_1675 : memref<8192xi32, #tpu.memory_space<vmem>>[vector<16xi32>], vector<16xi32>, vector<16xi1>
      %sub3A_1692 = vector.broadcast %mul3A_7 : i32 to vector<16xi32>
      %sub3A_1693 = arith.subi %get3A_1642, %sub3A_1692 : vector<16xi32>
      tpu.vector_store_idx %arg11[%min3A_1691], %sub3A_1693 masked %and3A_1675 : memref<8192xi32, #tpu.memory_space<vmem>>[vector<16xi32>], vector<16xi32>, vector<16xi1>
      %add3A_1694 = arith.addi %add3A_1634, %all_reduce_population_count3A_1684 : vector<16xi32>
      %get3A_1695 = arith.constant 3 : i32
      %get3A_1696 = arith.index_cast %get3A_1695 : i32 to index
      %get3A_1697 = arith.constant 64 : index
      %get3A_1698 = tpu.vector_load %arg6[%get3A_1696, %get3A_1697] {strides = array<i32>} : memref<4x128xi32, #tpu.memory_space<vmem>>, vector<16xi32>,
      %get3A_1699 = arith.constant 3 : i32
      %get3A_1700 = arith.index_cast %get3A_1699 : i32 to index
      %get3A_1701 = arith.constant 64 : index
      %get3A_1702 = tpu.vector_load %arg7[%get3A_1700, %get3A_1701] {strides = array<i32>} : memref<4x128xi32, #tpu.memory_space<vmem>>, vector<16xi32>,
      %ge3A_1703 = vector.broadcast %mul3A_2 : i32 to vector<16xi32>
      %ge3A_1704 = arith.cmpi sge, %get3A_1702, %ge3A_1703 : vector<16xi32>
      %add3A_1705 = arith.constant 12800 : i32
      %add3A_1706 = arith.addi %mul3A_2, %add3A_1705 : i32
      %lt3A_1707 = vector.broadcast %add3A_1706 : i32 to vector<16xi32>
      %lt3A_1708 = arith.cmpi slt, %get3A_1702, %lt3A_1707 : vector<16xi32>
      %and3A_1709 = arith.andi %ge3A_1704, %lt3A_1708 : vector<16xi1>
      %jit3A_1710 = arith.constant 1 : i32
      %jit3A_1711 = arith.constant 0 : i32
      %broadcast_in_dim3A_1712 = vector.broadcast %jit3A_1710 : i32 to vector<16xi32>
      %broadcast_in_dim3A_1713 = vector.broadcast %jit3A_1711 : i32 to vector<16xi32>
      %select_n3A_1714 = arith.select %and3A_1709, %broadcast_in_dim3A_1712, %broadcast_in_dim3A_1713 : vector<16xi1>, vector<16xi32>
      %cumsum3A_1715 = arith.constant true
      %cumsum3A_1716 = vector.broadcast %cumsum3A_1715 : i1 to vector<16xi1>
      %cumsum3A_1717 = tpu.scan <sum>, %select_n3A_1714 masked %cumsum3A_1716 : vector<16xi32>, vector<16xi1> -> vector<16xi32>
      %all_reduce_population_count3A_1718 = tpu.all_reduce %and3A_1709 {dim = 0 : i64, kind = #tpu.reduction_kind<sum>} : vector<16xi1> -> vector<16xi32>
      %add3A_1719 = arith.addi %add3A_1668, %cumsum3A_1717 : vector<16xi32>
      %sub3A_1720 = arith.constant 1 : i32
      %sub3A_1721 = vector.broadcast %sub3A_1720 : i32 to vector<16xi32>
      %sub3A_1722 = arith.subi %add3A_1719, %sub3A_1721 : vector<16xi32>
      %min3A_1723 = arith.constant 8191 : i32
      %min3A_1724 = vector.broadcast %min3A_1723 : i32 to vector<16xi32>
      %min3A_1725 = arith.minsi %sub3A_1722, %min3A_1724 : vector<16xi32>
      tpu.vector_store_idx %arg8[%min3A_1725], %get3A_1698 masked %and3A_1709 : memref<8192xi32, #tpu.memory_space<vmem>>[vector<16xi32>], vector<16xi32>, vector<16xi1>
      %sub3A_1726 = vector.broadcast %mul3A_2 : i32 to vector<16xi32>
      %sub3A_1727 = arith.subi %get3A_1702, %sub3A_1726 : vector<16xi32>
      tpu.vector_store_idx %arg9[%min3A_1725], %sub3A_1727 masked %and3A_1709 : memref<8192xi32, #tpu.memory_space<vmem>>[vector<16xi32>], vector<16xi32>, vector<16xi1>
      %add3A_1728 = arith.addi %add3A_1668, %all_reduce_population_count3A_1718 : vector<16xi32>
      %ge3A_1729 = vector.broadcast %mul3A_7 : i32 to vector<16xi32>
      %ge3A_1730 = arith.cmpi sge, %get3A_1702, %ge3A_1729 : vector<16xi32>
      %add3A_1731 = arith.constant 12800 : i32
      %add3A_1732 = arith.addi %mul3A_7, %add3A_1731 : i32
      %lt3A_1733 = vector.broadcast %add3A_1732 : i32 to vector<16xi32>
      %lt3A_1734 = arith.cmpi slt, %get3A_1702, %lt3A_1733 : vector<16xi32>
      %and3A_1735 = arith.andi %ge3A_1730, %lt3A_1734 : vector<16xi1>
      %jit3A_1736 = arith.constant 1 : i32
      %jit3A_1737 = arith.constant 0 : i32
      %broadcast_in_dim3A_1738 = vector.broadcast %jit3A_1736 : i32 to vector<16xi32>
      %broadcast_in_dim3A_1739 = vector.broadcast %jit3A_1737 : i32 to vector<16xi32>
      %select_n3A_1740 = arith.select %and3A_1735, %broadcast_in_dim3A_1738, %broadcast_in_dim3A_1739 : vector<16xi1>, vector<16xi32>
      %cumsum3A_1741 = arith.constant true
      %cumsum3A_1742 = vector.broadcast %cumsum3A_1741 : i1 to vector<16xi1>
      %cumsum3A_1743 = tpu.scan <sum>, %select_n3A_1740 masked %cumsum3A_1742 : vector<16xi32>, vector<16xi1> -> vector<16xi32>
      %all_reduce_population_count3A_1744 = tpu.all_reduce %and3A_1735 {dim = 0 : i64, kind = #tpu.reduction_kind<sum>} : vector<16xi1> -> vector<16xi32>
      %add3A_1745 = arith.addi %add3A_1694, %cumsum3A_1743 : vector<16xi32>
      %sub3A_1746 = arith.constant 1 : i32
      %sub3A_1747 = vector.broadcast %sub3A_1746 : i32 to vector<16xi32>
      %sub3A_1748 = arith.subi %add3A_1745, %sub3A_1747 : vector<16xi32>
      %min3A_1749 = arith.constant 8191 : i32
      %min3A_1750 = vector.broadcast %min3A_1749 : i32 to vector<16xi32>
      %min3A_1751 = arith.minsi %sub3A_1748, %min3A_1750 : vector<16xi32>
      tpu.vector_store_idx %arg10[%min3A_1751], %get3A_1698 masked %and3A_1735 : memref<8192xi32, #tpu.memory_space<vmem>>[vector<16xi32>], vector<16xi32>, vector<16xi1>
      %sub3A_1752 = vector.broadcast %mul3A_7 : i32 to vector<16xi32>
      %sub3A_1753 = arith.subi %get3A_1702, %sub3A_1752 : vector<16xi32>
      tpu.vector_store_idx %arg11[%min3A_1751], %sub3A_1753 masked %and3A_1735 : memref<8192xi32, #tpu.memory_space<vmem>>[vector<16xi32>], vector<16xi32>, vector<16xi1>
      %add3A_1754 = arith.addi %add3A_1694, %all_reduce_population_count3A_1744 : vector<16xi32>
      %get3A_1755 = arith.constant 3 : i32
      %get3A_1756 = arith.index_cast %get3A_1755 : i32 to index
      %get3A_1757 = arith.constant 80 : index
      %get3A_1758 = tpu.vector_load %arg6[%get3A_1756, %get3A_1757] {strides = array<i32>} : memref<4x128xi32, #tpu.memory_space<vmem>>, vector<16xi32>,
      %get3A_1759 = arith.constant 3 : i32
      %get3A_1760 = arith.index_cast %get3A_1759 : i32 to index
      %get3A_1761 = arith.constant 80 : index
      %get3A_1762 = tpu.vector_load %arg7[%get3A_1760, %get3A_1761] {strides = array<i32>} : memref<4x128xi32, #tpu.memory_space<vmem>>, vector<16xi32>,
      %ge3A_1763 = vector.broadcast %mul3A_2 : i32 to vector<16xi32>
      %ge3A_1764 = arith.cmpi sge, %get3A_1762, %ge3A_1763 : vector<16xi32>
      %add3A_1765 = arith.constant 12800 : i32
      %add3A_1766 = arith.addi %mul3A_2, %add3A_1765 : i32
      %lt3A_1767 = vector.broadcast %add3A_1766 : i32 to vector<16xi32>
      %lt3A_1768 = arith.cmpi slt, %get3A_1762, %lt3A_1767 : vector<16xi32>
      %and3A_1769 = arith.andi %ge3A_1764, %lt3A_1768 : vector<16xi1>
      %jit3A_1770 = arith.constant 1 : i32
      %jit3A_1771 = arith.constant 0 : i32
      %broadcast_in_dim3A_1772 = vector.broadcast %jit3A_1770 : i32 to vector<16xi32>
      %broadcast_in_dim3A_1773 = vector.broadcast %jit3A_1771 : i32 to vector<16xi32>
      %select_n3A_1774 = arith.select %and3A_1769, %broadcast_in_dim3A_1772, %broadcast_in_dim3A_1773 : vector<16xi1>, vector<16xi32>
      %cumsum3A_1775 = arith.constant true
      %cumsum3A_1776 = vector.broadcast %cumsum3A_1775 : i1 to vector<16xi1>
      %cumsum3A_1777 = tpu.scan <sum>, %select_n3A_1774 masked %cumsum3A_1776 : vector<16xi32>, vector<16xi1> -> vector<16xi32>
      %all_reduce_population_count3A_1778 = tpu.all_reduce %and3A_1769 {dim = 0 : i64, kind = #tpu.reduction_kind<sum>} : vector<16xi1> -> vector<16xi32>
      %add3A_1779 = arith.addi %add3A_1728, %cumsum3A_1777 : vector<16xi32>
      %sub3A_1780 = arith.constant 1 : i32
      %sub3A_1781 = vector.broadcast %sub3A_1780 : i32 to vector<16xi32>
      %sub3A_1782 = arith.subi %add3A_1779, %sub3A_1781 : vector<16xi32>
      %min3A_1783 = arith.constant 8191 : i32
      %min3A_1784 = vector.broadcast %min3A_1783 : i32 to vector<16xi32>
      %min3A_1785 = arith.minsi %sub3A_1782, %min3A_1784 : vector<16xi32>
      tpu.vector_store_idx %arg8[%min3A_1785], %get3A_1758 masked %and3A_1769 : memref<8192xi32, #tpu.memory_space<vmem>>[vector<16xi32>], vector<16xi32>, vector<16xi1>
      %sub3A_1786 = vector.broadcast %mul3A_2 : i32 to vector<16xi32>
      %sub3A_1787 = arith.subi %get3A_1762, %sub3A_1786 : vector<16xi32>
      tpu.vector_store_idx %arg9[%min3A_1785], %sub3A_1787 masked %and3A_1769 : memref<8192xi32, #tpu.memory_space<vmem>>[vector<16xi32>], vector<16xi32>, vector<16xi1>
      %add3A_1788 = arith.addi %add3A_1728, %all_reduce_population_count3A_1778 : vector<16xi32>
      %ge3A_1789 = vector.broadcast %mul3A_7 : i32 to vector<16xi32>
      %ge3A_1790 = arith.cmpi sge, %get3A_1762, %ge3A_1789 : vector<16xi32>
      %add3A_1791 = arith.constant 12800 : i32
      %add3A_1792 = arith.addi %mul3A_7, %add3A_1791 : i32
      %lt3A_1793 = vector.broadcast %add3A_1792 : i32 to vector<16xi32>
      %lt3A_1794 = arith.cmpi slt, %get3A_1762, %lt3A_1793 : vector<16xi32>
      %and3A_1795 = arith.andi %ge3A_1790, %lt3A_1794 : vector<16xi1>
      %jit3A_1796 = arith.constant 1 : i32
      %jit3A_1797 = arith.constant 0 : i32
      %broadcast_in_dim3A_1798 = vector.broadcast %jit3A_1796 : i32 to vector<16xi32>
      %broadcast_in_dim3A_1799 = vector.broadcast %jit3A_1797 : i32 to vector<16xi32>
      %select_n3A_1800 = arith.select %and3A_1795, %broadcast_in_dim3A_1798, %broadcast_in_dim3A_1799 : vector<16xi1>, vector<16xi32>
      %cumsum3A_1801 = arith.constant true
      %cumsum3A_1802 = vector.broadcast %cumsum3A_1801 : i1 to vector<16xi1>
      %cumsum3A_1803 = tpu.scan <sum>, %select_n3A_1800 masked %cumsum3A_1802 : vector<16xi32>, vector<16xi1> -> vector<16xi32>
      %all_reduce_population_count3A_1804 = tpu.all_reduce %and3A_1795 {dim = 0 : i64, kind = #tpu.reduction_kind<sum>} : vector<16xi1> -> vector<16xi32>
      %add3A_1805 = arith.addi %add3A_1754, %cumsum3A_1803 : vector<16xi32>
      %sub3A_1806 = arith.constant 1 : i32
      %sub3A_1807 = vector.broadcast %sub3A_1806 : i32 to vector<16xi32>
      %sub3A_1808 = arith.subi %add3A_1805, %sub3A_1807 : vector<16xi32>
      %min3A_1809 = arith.constant 8191 : i32
      %min3A_1810 = vector.broadcast %min3A_1809 : i32 to vector<16xi32>
      %min3A_1811 = arith.minsi %sub3A_1808, %min3A_1810 : vector<16xi32>
      tpu.vector_store_idx %arg10[%min3A_1811], %get3A_1758 masked %and3A_1795 : memref<8192xi32, #tpu.memory_space<vmem>>[vector<16xi32>], vector<16xi32>, vector<16xi1>
      %sub3A_1812 = vector.broadcast %mul3A_7 : i32 to vector<16xi32>
      %sub3A_1813 = arith.subi %get3A_1762, %sub3A_1812 : vector<16xi32>
      tpu.vector_store_idx %arg11[%min3A_1811], %sub3A_1813 masked %and3A_1795 : memref<8192xi32, #tpu.memory_space<vmem>>[vector<16xi32>], vector<16xi32>, vector<16xi1>
      %add3A_1814 = arith.addi %add3A_1754, %all_reduce_population_count3A_1804 : vector<16xi32>
      %get3A_1815 = arith.constant 3 : i32
      %get3A_1816 = arith.index_cast %get3A_1815 : i32 to index
      %get3A_1817 = arith.constant 96 : index
      %get3A_1818 = tpu.vector_load %arg6[%get3A_1816, %get3A_1817] {strides = array<i32>} : memref<4x128xi32, #tpu.memory_space<vmem>>, vector<16xi32>,
      %get3A_1819 = arith.constant 3 : i32
      %get3A_1820 = arith.index_cast %get3A_1819 : i32 to index
      %get3A_1821 = arith.constant 96 : index
      %get3A_1822 = tpu.vector_load %arg7[%get3A_1820, %get3A_1821] {strides = array<i32>} : memref<4x128xi32, #tpu.memory_space<vmem>>, vector<16xi32>,
      %ge3A_1823 = vector.broadcast %mul3A_2 : i32 to vector<16xi32>
      %ge3A_1824 = arith.cmpi sge, %get3A_1822, %ge3A_1823 : vector<16xi32>
      %add3A_1825 = arith.constant 12800 : i32
      %add3A_1826 = arith.addi %mul3A_2, %add3A_1825 : i32
      %lt3A_1827 = vector.broadcast %add3A_1826 : i32 to vector<16xi32>
      %lt3A_1828 = arith.cmpi slt, %get3A_1822, %lt3A_1827 : vector<16xi32>
      %and3A_1829 = arith.andi %ge3A_1824, %lt3A_1828 : vector<16xi1>
      %jit3A_1830 = arith.constant 1 : i32
      %jit3A_1831 = arith.constant 0 : i32
      %broadcast_in_dim3A_1832 = vector.broadcast %jit3A_1830 : i32 to vector<16xi32>
      %broadcast_in_dim3A_1833 = vector.broadcast %jit3A_1831 : i32 to vector<16xi32>
      %select_n3A_1834 = arith.select %and3A_1829, %broadcast_in_dim3A_1832, %broadcast_in_dim3A_1833 : vector<16xi1>, vector<16xi32>
      %cumsum3A_1835 = arith.constant true
      %cumsum3A_1836 = vector.broadcast %cumsum3A_1835 : i1 to vector<16xi1>
      %cumsum3A_1837 = tpu.scan <sum>, %select_n3A_1834 masked %cumsum3A_1836 : vector<16xi32>, vector<16xi1> -> vector<16xi32>
      %all_reduce_population_count3A_1838 = tpu.all_reduce %and3A_1829 {dim = 0 : i64, kind = #tpu.reduction_kind<sum>} : vector<16xi1> -> vector<16xi32>
      %add3A_1839 = arith.addi %add3A_1788, %cumsum3A_1837 : vector<16xi32>
      %sub3A_1840 = arith.constant 1 : i32
      %sub3A_1841 = vector.broadcast %sub3A_1840 : i32 to vector<16xi32>
      %sub3A_1842 = arith.subi %add3A_1839, %sub3A_1841 : vector<16xi32>
      %min3A_1843 = arith.constant 8191 : i32
      %min3A_1844 = vector.broadcast %min3A_1843 : i32 to vector<16xi32>
      %min3A_1845 = arith.minsi %sub3A_1842, %min3A_1844 : vector<16xi32>
      tpu.vector_store_idx %arg8[%min3A_1845], %get3A_1818 masked %and3A_1829 : memref<8192xi32, #tpu.memory_space<vmem>>[vector<16xi32>], vector<16xi32>, vector<16xi1>
      %sub3A_1846 = vector.broadcast %mul3A_2 : i32 to vector<16xi32>
      %sub3A_1847 = arith.subi %get3A_1822, %sub3A_1846 : vector<16xi32>
      tpu.vector_store_idx %arg9[%min3A_1845], %sub3A_1847 masked %and3A_1829 : memref<8192xi32, #tpu.memory_space<vmem>>[vector<16xi32>], vector<16xi32>, vector<16xi1>
      %add3A_1848 = arith.addi %add3A_1788, %all_reduce_population_count3A_1838 : vector<16xi32>
      %ge3A_1849 = vector.broadcast %mul3A_7 : i32 to vector<16xi32>
      %ge3A_1850 = arith.cmpi sge, %get3A_1822, %ge3A_1849 : vector<16xi32>
      %add3A_1851 = arith.constant 12800 : i32
      %add3A_1852 = arith.addi %mul3A_7, %add3A_1851 : i32
      %lt3A_1853 = vector.broadcast %add3A_1852 : i32 to vector<16xi32>
      %lt3A_1854 = arith.cmpi slt, %get3A_1822, %lt3A_1853 : vector<16xi32>
      %and3A_1855 = arith.andi %ge3A_1850, %lt3A_1854 : vector<16xi1>
      %jit3A_1856 = arith.constant 1 : i32
      %jit3A_1857 = arith.constant 0 : i32
      %broadcast_in_dim3A_1858 = vector.broadcast %jit3A_1856 : i32 to vector<16xi32>
      %broadcast_in_dim3A_1859 = vector.broadcast %jit3A_1857 : i32 to vector<16xi32>
      %select_n3A_1860 = arith.select %and3A_1855, %broadcast_in_dim3A_1858, %broadcast_in_dim3A_1859 : vector<16xi1>, vector<16xi32>
      %cumsum3A_1861 = arith.constant true
      %cumsum3A_1862 = vector.broadcast %cumsum3A_1861 : i1 to vector<16xi1>
      %cumsum3A_1863 = tpu.scan <sum>, %select_n3A_1860 masked %cumsum3A_1862 : vector<16xi32>, vector<16xi1> -> vector<16xi32>
      %all_reduce_population_count3A_1864 = tpu.all_reduce %and3A_1855 {dim = 0 : i64, kind = #tpu.reduction_kind<sum>} : vector<16xi1> -> vector<16xi32>
      %add3A_1865 = arith.addi %add3A_1814, %cumsum3A_1863 : vector<16xi32>
      %sub3A_1866 = arith.constant 1 : i32
      %sub3A_1867 = vector.broadcast %sub3A_1866 : i32 to vector<16xi32>
      %sub3A_1868 = arith.subi %add3A_1865, %sub3A_1867 : vector<16xi32>
      %min3A_1869 = arith.constant 8191 : i32
      %min3A_1870 = vector.broadcast %min3A_1869 : i32 to vector<16xi32>
      %min3A_1871 = arith.minsi %sub3A_1868, %min3A_1870 : vector<16xi32>
      tpu.vector_store_idx %arg10[%min3A_1871], %get3A_1818 masked %and3A_1855 : memref<8192xi32, #tpu.memory_space<vmem>>[vector<16xi32>], vector<16xi32>, vector<16xi1>
      %sub3A_1872 = vector.broadcast %mul3A_7 : i32 to vector<16xi32>
      %sub3A_1873 = arith.subi %get3A_1822, %sub3A_1872 : vector<16xi32>
      tpu.vector_store_idx %arg11[%min3A_1871], %sub3A_1873 masked %and3A_1855 : memref<8192xi32, #tpu.memory_space<vmem>>[vector<16xi32>], vector<16xi32>, vector<16xi1>
      %add3A_1874 = arith.addi %add3A_1814, %all_reduce_population_count3A_1864 : vector<16xi32>
      %get3A_1875 = arith.constant 3 : i32
      %get3A_1876 = arith.index_cast %get3A_1875 : i32 to index
      %get3A_1877 = arith.constant 112 : index
      %get3A_1878 = tpu.vector_load %arg6[%get3A_1876, %get3A_1877] {strides = array<i32>} : memref<4x128xi32, #tpu.memory_space<vmem>>, vector<16xi32>,
      %get3A_1879 = arith.constant 3 : i32
      %get3A_1880 = arith.index_cast %get3A_1879 : i32 to index
      %get3A_1881 = arith.constant 112 : index
      %get3A_1882 = tpu.vector_load %arg7[%get3A_1880, %get3A_1881] {strides = array<i32>} : memref<4x128xi32, #tpu.memory_space<vmem>>, vector<16xi32>,
      %ge3A_1883 = vector.broadcast %mul3A_2 : i32 to vector<16xi32>
      %ge3A_1884 = arith.cmpi sge, %get3A_1882, %ge3A_1883 : vector<16xi32>
      %add3A_1885 = arith.constant 12800 : i32
      %add3A_1886 = arith.addi %mul3A_2, %add3A_1885 : i32
      %lt3A_1887 = vector.broadcast %add3A_1886 : i32 to vector<16xi32>
      %lt3A_1888 = arith.cmpi slt, %get3A_1882, %lt3A_1887 : vector<16xi32>
      %and3A_1889 = arith.andi %ge3A_1884, %lt3A_1888 : vector<16xi1>
      %jit3A_1890 = arith.constant 1 : i32
      %jit3A_1891 = arith.constant 0 : i32
      %broadcast_in_dim3A_1892 = vector.broadcast %jit3A_1890 : i32 to vector<16xi32>
      %broadcast_in_dim3A_1893 = vector.broadcast %jit3A_1891 : i32 to vector<16xi32>
      %select_n3A_1894 = arith.select %and3A_1889, %broadcast_in_dim3A_1892, %broadcast_in_dim3A_1893 : vector<16xi1>, vector<16xi32>
      %cumsum3A_1895 = arith.constant true
      %cumsum3A_1896 = vector.broadcast %cumsum3A_1895 : i1 to vector<16xi1>
      %cumsum3A_1897 = tpu.scan <sum>, %select_n3A_1894 masked %cumsum3A_1896 : vector<16xi32>, vector<16xi1> -> vector<16xi32>
      %all_reduce_population_count3A_1898 = tpu.all_reduce %and3A_1889 {dim = 0 : i64, kind = #tpu.reduction_kind<sum>} : vector<16xi1> -> vector<16xi32>
      %add3A_1899 = arith.addi %add3A_1848, %cumsum3A_1897 : vector<16xi32>
      %sub3A_1900 = arith.constant 1 : i32
      %sub3A_1901 = vector.broadcast %sub3A_1900 : i32 to vector<16xi32>
      %sub3A_1902 = arith.subi %add3A_1899, %sub3A_1901 : vector<16xi32>
      %min3A_1903 = arith.constant 8191 : i32
      %min3A_1904 = vector.broadcast %min3A_1903 : i32 to vector<16xi32>
      %min3A_1905 = arith.minsi %sub3A_1902, %min3A_1904 : vector<16xi32>
      tpu.vector_store_idx %arg8[%min3A_1905], %get3A_1878 masked %and3A_1889 : memref<8192xi32, #tpu.memory_space<vmem>>[vector<16xi32>], vector<16xi32>, vector<16xi1>
      %sub3A_1906 = vector.broadcast %mul3A_2 : i32 to vector<16xi32>
      %sub3A_1907 = arith.subi %get3A_1882, %sub3A_1906 : vector<16xi32>
      tpu.vector_store_idx %arg9[%min3A_1905], %sub3A_1907 masked %and3A_1889 : memref<8192xi32, #tpu.memory_space<vmem>>[vector<16xi32>], vector<16xi32>, vector<16xi1>
      %add3A_1908 = arith.addi %add3A_1848, %all_reduce_population_count3A_1898 : vector<16xi32>
      %ge3A_1909 = vector.broadcast %mul3A_7 : i32 to vector<16xi32>
      %ge3A_1910 = arith.cmpi sge, %get3A_1882, %ge3A_1909 : vector<16xi32>
      %add3A_1911 = arith.constant 12800 : i32
      %add3A_1912 = arith.addi %mul3A_7, %add3A_1911 : i32
      %lt3A_1913 = vector.broadcast %add3A_1912 : i32 to vector<16xi32>
      %lt3A_1914 = arith.cmpi slt, %get3A_1882, %lt3A_1913 : vector<16xi32>
      %and3A_1915 = arith.andi %ge3A_1910, %lt3A_1914 : vector<16xi1>
      %jit3A_1916 = arith.constant 1 : i32
      %jit3A_1917 = arith.constant 0 : i32
      %broadcast_in_dim3A_1918 = vector.broadcast %jit3A_1916 : i32 to vector<16xi32>
      %broadcast_in_dim3A_1919 = vector.broadcast %jit3A_1917 : i32 to vector<16xi32>
      %select_n3A_1920 = arith.select %and3A_1915, %broadcast_in_dim3A_1918, %broadcast_in_dim3A_1919 : vector<16xi1>, vector<16xi32>
      %cumsum3A_1921 = arith.constant true
      %cumsum3A_1922 = vector.broadcast %cumsum3A_1921 : i1 to vector<16xi1>
      %cumsum3A_1923 = tpu.scan <sum>, %select_n3A_1920 masked %cumsum3A_1922 : vector<16xi32>, vector<16xi1> -> vector<16xi32>
      %all_reduce_population_count3A_1924 = tpu.all_reduce %and3A_1915 {dim = 0 : i64, kind = #tpu.reduction_kind<sum>} : vector<16xi1> -> vector<16xi32>
      %add3A_1925 = arith.addi %add3A_1874, %cumsum3A_1923 : vector<16xi32>
      %sub3A_1926 = arith.constant 1 : i32
      %sub3A_1927 = vector.broadcast %sub3A_1926 : i32 to vector<16xi32>
      %sub3A_1928 = arith.subi %add3A_1925, %sub3A_1927 : vector<16xi32>
      %min3A_1929 = arith.constant 8191 : i32
      %min3A_1930 = vector.broadcast %min3A_1929 : i32 to vector<16xi32>
      %min3A_1931 = arith.minsi %sub3A_1928, %min3A_1930 : vector<16xi32>
      tpu.vector_store_idx %arg10[%min3A_1931], %get3A_1878 masked %and3A_1915 : memref<8192xi32, #tpu.memory_space<vmem>>[vector<16xi32>], vector<16xi32>, vector<16xi1>
      %sub3A_1932 = vector.broadcast %mul3A_7 : i32 to vector<16xi32>
      %sub3A_1933 = arith.subi %get3A_1882, %sub3A_1932 : vector<16xi32>
      tpu.vector_store_idx %arg11[%min3A_1931], %sub3A_1933 masked %and3A_1915 : memref<8192xi32, #tpu.memory_space<vmem>>[vector<16xi32>], vector<16xi32>, vector<16xi1>
      %add3A_1934 = arith.addi %add3A_1874, %all_reduce_population_count3A_1924 : vector<16xi32>
      scf.yield %add3A_1908, %add3A_1934 : vector<16xi32>, vector<16xi32>
    }
    %scan3A_18 = arith.constant 55 : i32
    %run_scoped3A = arith.constant 0 : i32
    "tpu.region"() ({
      %run_scoped3A_22 = tpu.sem_alloc : memref<!tpu.dma_semaphore, #tpu.memory_space<semaphore_mem>>
      %dma_start3A = arith.constant 0 : i32
      %dma_start3A_23 = tpu.memref_slice %arg4[%arg0, %arg1, %run_scoped3A, %dma_start3A] : memref<2x16x2x8192xi32, #tpu.memory_space<hbm>> -> memref<1x1x1x8192xi32, #tpu.memory_space<hbm>>
      %dma_start3A_24 = tpu.memref_squeeze %dma_start3A_23 : memref<1x1x1x8192xi32, #tpu.memory_space<hbm>> -> memref<8192xi32, #tpu.memory_space<hbm>>
      %dma_start3A_25 = arith.constant 0 : i32
      %dma_start3A_26 = tpu.memref_slice %arg4[%arg0, %arg1, %run_scoped3A, %dma_start3A_25] : memref<2x16x2x8192xi32, #tpu.memory_space<hbm>> -> memref<1x1x1x8192xi32, #tpu.memory_space<hbm>>
      %dma_start3A_27 = tpu.memref_squeeze %dma_start3A_26 : memref<1x1x1x8192xi32, #tpu.memory_space<hbm>> -> memref<8192xi32, #tpu.memory_space<hbm>>
      tpu.enqueue_dma source(%arg8 : memref<8192xi32, #tpu.memory_space<vmem>>) target(%dma_start3A_27 : memref<8192xi32, #tpu.memory_space<hbm>>) target_semaphore(%run_scoped3A_22 : memref<!tpu.dma_semaphore, #tpu.memory_space<semaphore_mem>>)
      %dma_wait3A = arith.constant 0 : i32
      %dma_wait3A_28 = tpu.memref_slice %arg4[%arg0, %arg1, %run_scoped3A, %dma_wait3A] : memref<2x16x2x8192xi32, #tpu.memory_space<hbm>> -> memref<1x1x1x8192xi32, #tpu.memory_space<hbm>>
      %dma_wait3A_29 = tpu.memref_squeeze %dma_wait3A_28 : memref<1x1x1x8192xi32, #tpu.memory_space<hbm>> -> memref<8192xi32, #tpu.memory_space<hbm>>
      %dma_wait3A_30 = arith.constant 0 : i32
      %dma_wait3A_31 = tpu.memref_slice %arg4[%arg0, %arg1, %run_scoped3A, %dma_wait3A_30] : memref<2x16x2x8192xi32, #tpu.memory_space<hbm>> -> memref<1x1x1x8192xi32, #tpu.memory_space<hbm>>
      %dma_wait3A_32 = tpu.memref_squeeze %dma_wait3A_31 : memref<1x1x1x8192xi32, #tpu.memory_space<hbm>> -> memref<8192xi32, #tpu.memory_space<hbm>>
      tpu.wait_dma2 semaphore(%run_scoped3A_22 : memref<!tpu.dma_semaphore, #tpu.memory_space<semaphore_mem>>) src(%arg8 : memref<8192xi32, #tpu.memory_space<vmem>>) dst(%dma_wait3A_32 : memref<8192xi32, #tpu.memory_space<hbm>>)
      tpu.yield
    }) : () -> ()
    %run_scoped3A_19 = arith.constant 0 : i32
    "tpu.region"() ({
      %run_scoped3A_22 = tpu.sem_alloc : memref<!tpu.dma_semaphore, #tpu.memory_space<semaphore_mem>>
      %dma_start3A = arith.constant 0 : i32
      %dma_start3A_23 = tpu.memref_slice %arg5[%arg0, %arg1, %run_scoped3A_19, %dma_start3A] : memref<2x16x2x8192xi32, #tpu.memory_space<hbm>> -> memref<1x1x1x8192xi32, #tpu.memory_space<hbm>>
      %dma_start3A_24 = tpu.memref_squeeze %dma_start3A_23 : memref<1x1x1x8192xi32, #tpu.memory_space<hbm>> -> memref<8192xi32, #tpu.memory_space<hbm>>
      %dma_start3A_25 = arith.constant 0 : i32
      %dma_start3A_26 = tpu.memref_slice %arg5[%arg0, %arg1, %run_scoped3A_19, %dma_start3A_25] : memref<2x16x2x8192xi32, #tpu.memory_space<hbm>> -> memref<1x1x1x8192xi32, #tpu.memory_space<hbm>>
      %dma_start3A_27 = tpu.memref_squeeze %dma_start3A_26 : memref<1x1x1x8192xi32, #tpu.memory_space<hbm>> -> memref<8192xi32, #tpu.memory_space<hbm>>
      tpu.enqueue_dma source(%arg9 : memref<8192xi32, #tpu.memory_space<vmem>>) target(%dma_start3A_27 : memref<8192xi32, #tpu.memory_space<hbm>>) target_semaphore(%run_scoped3A_22 : memref<!tpu.dma_semaphore, #tpu.memory_space<semaphore_mem>>)
      %dma_wait3A = arith.constant 0 : i32
      %dma_wait3A_28 = tpu.memref_slice %arg5[%arg0, %arg1, %run_scoped3A_19, %dma_wait3A] : memref<2x16x2x8192xi32, #tpu.memory_space<hbm>> -> memref<1x1x1x8192xi32, #tpu.memory_space<hbm>>
      %dma_wait3A_29 = tpu.memref_squeeze %dma_wait3A_28 : memref<1x1x1x8192xi32, #tpu.memory_space<hbm>> -> memref<8192xi32, #tpu.memory_space<hbm>>
      %dma_wait3A_30 = arith.constant 0 : i32
      %dma_wait3A_31 = tpu.memref_slice %arg5[%arg0, %arg1, %run_scoped3A_19, %dma_wait3A_30] : memref<2x16x2x8192xi32, #tpu.memory_space<hbm>> -> memref<1x1x1x8192xi32, #tpu.memory_space<hbm>>
      %dma_wait3A_32 = tpu.memref_squeeze %dma_wait3A_31 : memref<1x1x1x8192xi32, #tpu.memory_space<hbm>> -> memref<8192xi32, #tpu.memory_space<hbm>>
      tpu.wait_dma2 semaphore(%run_scoped3A_22 : memref<!tpu.dma_semaphore, #tpu.memory_space<semaphore_mem>>) src(%arg9 : memref<8192xi32, #tpu.memory_space<vmem>>) dst(%dma_wait3A_32 : memref<8192xi32, #tpu.memory_space<hbm>>)
      tpu.yield
    }) : () -> ()
    %run_scoped3A_20 = arith.constant 1 : i32
    "tpu.region"() ({
      %run_scoped3A_22 = tpu.sem_alloc : memref<!tpu.dma_semaphore, #tpu.memory_space<semaphore_mem>>
      %dma_start3A = arith.constant 0 : i32
      %dma_start3A_23 = tpu.memref_slice %arg4[%arg0, %arg1, %run_scoped3A_20, %dma_start3A] : memref<2x16x2x8192xi32, #tpu.memory_space<hbm>> -> memref<1x1x1x8192xi32, #tpu.memory_space<hbm>>
      %dma_start3A_24 = tpu.memref_squeeze %dma_start3A_23 : memref<1x1x1x8192xi32, #tpu.memory_space<hbm>> -> memref<8192xi32, #tpu.memory_space<hbm>>
      %dma_start3A_25 = arith.constant 0 : i32
      %dma_start3A_26 = tpu.memref_slice %arg4[%arg0, %arg1, %run_scoped3A_20, %dma_start3A_25] : memref<2x16x2x8192xi32, #tpu.memory_space<hbm>> -> memref<1x1x1x8192xi32, #tpu.memory_space<hbm>>
      %dma_start3A_27 = tpu.memref_squeeze %dma_start3A_26 : memref<1x1x1x8192xi32, #tpu.memory_space<hbm>> -> memref<8192xi32, #tpu.memory_space<hbm>>
      tpu.enqueue_dma source(%arg10 : memref<8192xi32, #tpu.memory_space<vmem>>) target(%dma_start3A_27 : memref<8192xi32, #tpu.memory_space<hbm>>) target_semaphore(%run_scoped3A_22 : memref<!tpu.dma_semaphore, #tpu.memory_space<semaphore_mem>>)
      %dma_wait3A = arith.constant 0 : i32
      %dma_wait3A_28 = tpu.memref_slice %arg4[%arg0, %arg1, %run_scoped3A_20, %dma_wait3A] : memref<2x16x2x8192xi32, #tpu.memory_space<hbm>> -> memref<1x1x1x8192xi32, #tpu.memory_space<hbm>>
      %dma_wait3A_29 = tpu.memref_squeeze %dma_wait3A_28 : memref<1x1x1x8192xi32, #tpu.memory_space<hbm>> -> memref<8192xi32, #tpu.memory_space<hbm>>
      %dma_wait3A_30 = arith.constant 0 : i32
      %dma_wait3A_31 = tpu.memref_slice %arg4[%arg0, %arg1, %run_scoped3A_20, %dma_wait3A_30] : memref<2x16x2x8192xi32, #tpu.memory_space<hbm>> -> memref<1x1x1x8192xi32, #tpu.memory_space<hbm>>
      %dma_wait3A_32 = tpu.memref_squeeze %dma_wait3A_31 : memref<1x1x1x8192xi32, #tpu.memory_space<hbm>> -> memref<8192xi32, #tpu.memory_space<hbm>>
      tpu.wait_dma2 semaphore(%run_scoped3A_22 : memref<!tpu.dma_semaphore, #tpu.memory_space<semaphore_mem>>) src(%arg10 : memref<8192xi32, #tpu.memory_space<vmem>>) dst(%dma_wait3A_32 : memref<8192xi32, #tpu.memory_space<hbm>>)
      tpu.yield
    }) : () -> ()
    %run_scoped3A_21 = arith.constant 1 : i32
    "tpu.region"() ({
      %run_scoped3A_22 = tpu.sem_alloc : memref<!tpu.dma_semaphore, #tpu.memory_space<semaphore_mem>>
      %dma_start3A = arith.constant 0 : i32
      %dma_start3A_23 = tpu.memref_slice %arg5[%arg0, %arg1, %run_scoped3A_21, %dma_start3A] : memref<2x16x2x8192xi32, #tpu.memory_space<hbm>> -> memref<1x1x1x8192xi32, #tpu.memory_space<hbm>>
      %dma_start3A_24 = tpu.memref_squeeze %dma_start3A_23 : memref<1x1x1x8192xi32, #tpu.memory_space<hbm>> -> memref<8192xi32, #tpu.memory_space<hbm>>
      %dma_start3A_25 = arith.constant 0 : i32
      %dma_start3A_26 = tpu.memref_slice %arg5[%arg0, %arg1, %run_scoped3A_21, %dma_start3A_25] : memref<2x16x2x8192xi32, #tpu.memory_space<hbm>> -> memref<1x1x1x8192xi32, #tpu.memory_space<hbm>>
      %dma_start3A_27 = tpu.memref_squeeze %dma_start3A_26 : memref<1x1x1x8192xi32, #tpu.memory_space<hbm>> -> memref<8192xi32, #tpu.memory_space<hbm>>
      tpu.enqueue_dma source(%arg11 : memref<8192xi32, #tpu.memory_space<vmem>>) target(%dma_start3A_27 : memref<8192xi32, #tpu.memory_space<hbm>>) target_semaphore(%run_scoped3A_22 : memref<!tpu.dma_semaphore, #tpu.memory_space<semaphore_mem>>)
      %dma_wait3A = arith.constant 0 : i32
      %dma_wait3A_28 = tpu.memref_slice %arg5[%arg0, %arg1, %run_scoped3A_21, %dma_wait3A] : memref<2x16x2x8192xi32, #tpu.memory_space<hbm>> -> memref<1x1x1x8192xi32, #tpu.memory_space<hbm>>
      %dma_wait3A_29 = tpu.memref_squeeze %dma_wait3A_28 : memref<1x1x1x8192xi32, #tpu.memory_space<hbm>> -> memref<8192xi32, #tpu.memory_space<hbm>>
      %dma_wait3A_30 = arith.constant 0 : i32
      %dma_wait3A_31 = tpu.memref_slice %arg5[%arg0, %arg1, %run_scoped3A_21, %dma_wait3A_30] : memref<2x16x2x8192xi32, #tpu.memory_space<hbm>> -> memref<1x1x1x8192xi32, #tpu.memory_space<hbm>>
      %dma_wait3A_32 = tpu.memref_squeeze %dma_wait3A_31 : memref<1x1x1x8192xi32, #tpu.memory_space<hbm>> -> memref<8192xi32, #tpu.memory_space<hbm>>
      tpu.wait_dma2 semaphore(%run_scoped3A_22 : memref<!tpu.dma_semaphore, #tpu.memory_space<semaphore_mem>>) src(%arg11 : memref<8192xi32, #tpu.memory_space<vmem>>) dst(%dma_wait3A_32 : memref<8192xi32, #tpu.memory_space<hbm>>)
      tpu.yield
    }) : () -> ()
    return
  }
}

</mosaic_0001>

<sc_bundles>
// kernel: _bin_edges.3.cloned.1.call-start
scs
__scs_entry_jumppad:
0x0: {  	(pc) =	sbr.rel $0x88, $3  }
0x1: {  	(tag) =	ssettag $0x0;
	lr =	simm.s32 $0x1  }
0x2: {  	[smem:$0x3F9F] =	sst lr;
	_ =	strace $0xD0000000  }
0x3: {  	_ = 	snop  }
0x4: {  	_ = 	snop  }
0x5: {  	_ = 	snop  }
0x6: {  	_ = 	snop  }
0x7: {  	_ = 	snop  }
__scs_overlays_trampoline_lowered:
0x8: {  	[smem:$0x3FAE] =	sst s0  }
0x9: {  	[smem:$0x3FAF] =	sst s1  }
0xa: {  	[smem:$0x3FB0] =	sst s2  }
0xb: {  	[smem:$0x3FB1] =	sst s3  }
0xc: {  	[smem:$0x3FB2] =	sst s4  }
0xd: {  	[smem:$0x3FB3] =	sst s5  }
0xe: {  	[smem:$0x3FB4] =	sst s6  }
0xf: {  	[smem:$0x3FB5] =	sst s7  }
0x10: {  	[smem:$0x3FB6] =	sst s8  }
0x11: {  	[smem:$0x3FB7] =	sst s9;
	s0 =	simm.s32 @!p0 $0x0  }
0x12: {  	s1 =	sld [smem:$0x3F9D];
	s0 =	simm.s32 @p0 $0x1  }
0x13: {  	[smem:$0x3FB8] =	sst s0;
	s0 =	simm.s32 @!p1 $0x0  }
0x14: {  	s2 =	sld [smem:$0x3F9C];
	s0 =	simm.s32 @p1 $0x1  }
0x15: {  	[smem:$0x3FB9] =	sst s0;
	s0 =	simm.s32 @!p2 $0x0  }
0x16: {  	s3 =	sld [smem:$0x3FDB];
	s0 =	simm.s32 @p2 $0x1  }
0x17: {  	s4 =	simm.s32 $0x1BF5;
	[smem:$0x3FBB] =	sst s0  }
0x18: {  	s0 =	sld [smem:$0x3F9E];
	_ =	swait.ge [sflag:s4], $0x0  }
0x19: {  	s7 =	sld [smem:$0x3F9F]  }
0x1a: {  	s8 =	sadd.s32 $0xFFFFE003, lr  }
0x1b: {  	s9 =	sadd.s32 $0xFFFFFEF7, lr;
	s5 =	simm.s32 $0xFFFFFFFF;
	p2 =	slt.u32 s8, $0xFFFFF086  }
0x1c: {  	p1 =	slt.u32 s9, $0xF7A;
	s5 =	simm.s32 @!p2 $0x0  }
0x1d: {  	s5 =	simm.s32 @p1 $0x1;
	p0 =	seq.s32 s7, s2  }
0x1e: {  	s7 =	smul.u32 @!p0 $0xF7A, s2;
	p2 =	seq.s32 @!p0 s5, $0x0  }
0x1f: {  	s9 =	smul.u32 $0xF7A, s1;
	s8 =	simm.s32 @!p0 $0x1BF5;
	p2 =	por !p2, p0  }
0x20: {  	[sflag:s8] =	ssyncset.s32 @!p0 $0xFFFFF086;
	s6 =	sadd.s32 @!p0 s3, s7;
	s7 =	simm.s32 @!p0 $0x108  }
0x21: {  	s3 =	sadd.s32 s3, s9;
	s6 =	sadd.s32 @!p0 $0x88, s6;
	s7 =	simm.s32 @p2 $0x1082  }
0x22: {  	[simem:s7], [sflag:s8] =	dma.local @!p0 [hbm:s6], $0xF7A  }
0x23: {  	s9 =	sor.u32 $0xD0000000, s2;
	s6 =	simm.s32 $0x108;
	_ =	swait.ge @!p0 [sflag:s8], $0x0  }
0x24: {  	s3 =	sadd.s32 $0x88, s3;
	s6 =	simm.s32 @!p1 $0x1082;
	[sflag:s4] =	ssyncset.s32 $0xFFFFF086  }
0x25: {  	[simem:s6], [sflag:s4] =	dma.local [hbm:s3], $0xF7A  }
0x26: {  	[smem:$0x3F9F] =	sst s1;
	(tag) =	ssettag s2;
	_ =	strace s9  }
0x27: {  	s1 =	sld [smem:$0x3FAF]  }
0x28: {  	s2 =	sld [smem:$0x3FB0]  }
0x29: {  	s4 =	sld [smem:$0x3FB2]  }
0x2a: {  	p0 =	seq.s32 s5, $0x0;
	s5 =	sld [smem:$0x3FB3]  }
0x2b: {  	s6 =	sld [smem:$0x3FB4]  }
0x2c: {  	s7 =	sld [smem:$0x3FB5]  }
0x2d: {  	s3 =	simm.s32 $0x108;
	s8 =	sld [smem:$0x3FB6]  }
0x2e: {  	s3 =	simm.s32 @!p0 $0x1082;
	s9 =	sld [smem:$0x3FB7]  }
0x2f: {  	lr =	sadd.s32 s0, s3;
	s0 =	sld [smem:$0x3FAE]  }
0x30: {  	s3 =	sld [smem:$0x3FB1]  }
0x31: {  	[smem:$0x3FBA] =	sst s10  }
0x32: {  	s10 =	sld [smem:$0x3FB8];
	_ =	sdelay $0x3  }
0x33: {  	p0 =	seq.s32 s10, $0x1;
	s10 =	sld [smem:$0x3FBA];
	_ =	sdelay $0x3  }
0x34: {  	[smem:$0x3FBA] =	sst s10  }
0x35: {  	s10 =	sld [smem:$0x3FB9];
	_ =	sdelay $0x3  }
0x36: {  	p1 =	seq.s32 s10, $0x1;
	s10 =	sld [smem:$0x3FBA];
	_ =	sdelay $0x3  }
0x37: {  	[smem:$0x3FBA] =	sst s10  }
0x38: {  	s10 =	sld [smem:$0x3FBB]  }
0x39: {  	_ = 	snop;
	(pc) =	sbr.ind lr, $3  }
0x3a: {  	_ = 	snop  }
0x3b: {  	_ = 	snop  }
0x3c: {  	p2 =	seq.s32 s10, $0x1;
	s10 =	sld [smem:$0x3FBA]  }
0x3d: {  	_ =	shalt  }
0x3e: {  	_ =	shalt  }
0x3f: {  	_ =	shalt  }
0x40: {  	_ =	shalt  }
0x41: {  	_ =	shalt  }
0x42: {  	_ =	shalt  }
0x43: {  	_ =	shalt  }
0x44: {  	_ =	shalt  }
0x45: {  	_ =	shalt  }
0x46: {  	_ =	shalt  }
0x47: {  	_ =	shalt  }
0x48: {  	_ =	shalt  }
0x49: {  	_ =	shalt  }
0x4a: {  	_ =	shalt  }
0x4b: {  	_ =	shalt  }
0x4c: {  	_ =	shalt  }
0x4d: {  	_ =	shalt  }
0x4e: {  	_ =	shalt  }
0x4f: {  	_ =	shalt  }
0x50: {  	_ =	shalt  }
0x51: {  	_ =	shalt  }
0x52: {  	_ =	shalt  }
0x53: {  	_ =	shalt  }
0x54: {  	_ =	shalt  }
0x55: {  	_ =	shalt  }
0x56: {  	_ =	shalt  }
0x57: {  	_ =	shalt  }
0x58: {  	_ =	shalt  }
0x59: {  	_ =	shalt  }
0x5a: {  	_ =	shalt  }
0x5b: {  	_ =	shalt  }
0x5c: {  	_ =	shalt  }
0x5d: {  	_ =	shalt  }
0x5e: {  	_ =	shalt  }
0x5f: {  	_ =	shalt  }
0x60: {  	_ =	shalt  }
0x61: {  	_ =	shalt  }
0x62: {  	_ =	shalt  }
0x63: {  	_ =	shalt  }
0x64: {  	_ =	shalt  }
0x65: {  	_ =	shalt  }
0x66: {  	_ =	shalt  }
0x67: {  	_ =	shalt  }
0x68: {  	_ =	shalt  }
0x69: {  	_ =	shalt  }
0x6a: {  	_ =	shalt  }
0x6b: {  	_ =	shalt  }
0x6c: {  	_ =	shalt  }
0x6d: {  	_ =	shalt  }
0x6e: {  	_ =	shalt  }
0x6f: {  	_ =	shalt  }
0x70: {  	_ =	shalt  }
0x71: {  	_ =	shalt  }
0x72: {  	_ =	shalt  }
0x73: {  	_ =	shalt  }
0x74: {  	_ =	shalt  }
0x75: {  	_ =	shalt  }
0x76: {  	_ =	shalt  }
0x77: {  	_ =	shalt  }
0x78: {  	_ =	shalt  }
0x79: {  	_ =	shalt  }
0x7a: {  	_ =	shalt  }
0x7b: {  	_ =	shalt  }
0x7c: {  	_ =	shalt  }
0x7d: {  	_ =	shalt  }
0x7e: {  	_ =	shalt  }
0x7f: {  	_ =	shalt  }
0x80: {  	_ =	shalt  }
0x81: {  	_ =	shalt  }
0x82: {  	_ =	shalt  }
0x83: {  	_ =	shalt  }
0x84: {  	_ =	shalt  }
0x85: {  	_ =	shalt  }
0x86: {  	_ =	shalt  }
0x87: {  	_ =	shalt  }
.Lfunc_end0:
.L_simem_size_0:
called_computation_lowered:
.L_overlay_start_0:
0x88: {  	s2 =	sld [smem:$0x3FD9]  }
0x89: {  	s3 =	sld [smem:$0x3FFE];
	_ =	sdelay $0x1  }
0x8a: {  	s1 =	srdreg.scid  }
0x8b: {  	s0 =	sand.u32 $0x1, s1  }
0x8c: {  	s14 =	sshll.u32 s0, $0xA;
	s2 =	sadd.s32 s3, s2  }
0x8d: {  	s2 =	sadd.s32 s2, s14  }
0x8e: {  	[smem:$0x3FC6] =	sst s2  }
0x8f: {  	_ = 	snop  }
0x90: {  	s2 =	sld [smem:$0x3FD0];
	_ =	sdelay $0x1  }
0x91: {  	s15 =	sld [smem:$0x3FC9]  }
0x92: {  	s5 =	simm.s32 $0xA;
	s6 =	simm.s32 $0x10;
	s4 =	sld [smem:$0x3FC8]  }
0x93: {  	[smem:s6], [sflag:s5] =	dma.local [hbm:s2], $0x1  }
0x94: {  	_ =	swait.eq [sflag:s5], $0x1  }
0x95: {  	[sflag:s5] =	ssyncset.done $0x0  }
0x96: {  	[sflag:s5] =	ssyncadd.s32 $0xFFFFFFFF  }
0x97: {  	s16 =	sld [smem:$0x11];
	(tm) =	ssettm $0x1  }
0x98: {  	s17 =	sld [smem:$0x3FFB];
	_ =	sdelay $0x3  }
0x99: {  	_ =	strace s17  }
0x9a: {  	s5 =	sld [smem:$0x3FFC];
	_ =	sdelay $0x3  }
0x9b: {  	_ =	strace s5  }
0x9c: {  	s5 =	sld [smem:$0x3FFD];
	_ =	sdelay $0x3  }
0x9d: {  	_ =	strace s5  }
0x9e: {  	_ =	strace $0x8FFFFFFF  }
0x9f: {  	s18 =	sld [smem:$0x3FDB];
	_ =	sdelay $0x1  }
0xa0: {  	s19 =	simm.s32 $_scs_section_size  }
0xa1: {  	s7 =	simm.s32 $_size__tile_overlayer_lowered;
	s8 =	simm.s32 $_tile_overlayer_lowered  }
0xa2: {  	s22 =	simm.s32 $0x1BFF;
	s21 =	sshll.u32 s8, $0x1;
	s5 =	sadd.s32 s19, s18  }
0xa3: {  	s9 =	simm.s32 $0x0;
	s20 =	sshll.u32 s7, $0x1;
	s7 =	sadd.s32 s21, s5  }
0xa4: {  	[timem:s9], [sflag:s22] =	dma.local [hbm:s7], s20  }
0xa5: {  	_ =	swait.ge [sflag:s22], s20  }
0xa6: {  	s6 =	ssub.s32 $0x0, s20;
	[sflag:s22] =	ssyncset.done $0x0  }
0xa7: {  	[sflag:s22] =	ssyncadd.s32 s6;
	_ =	sdelay $0x1  }
0xa8: {  	s23 =	simm.s32 $0x1B8B  }
0xa9: {  	_ =	swait.ge [sflag:s23], $0x1  }
0xaa: {  	[sflag:s23] =	ssyncset.done $0x0  }
0xab: {  	s25 =	simm.s32 $0x1B8E;
	s24 =	sld [smem:$0x3FFE];
	[sflag:s23] =	ssyncadd.s32 $0xFFFFFFFF  }
0xac: {  	s26 =	simm.s32 $execute0_lowered;
	[smem:$0x3FD2] =	sst s25  }
0xad: {  	s7 =	sshll.u32 s26, $0x1;
	_ =	strace $0x80000046;
	[dreg:$0x1] =	wrdreg $0xFFFFFFFF  }
0xae: {  	s28 =	simm.s32 $_size_execute0_lowered;
	s5 =	sadd.s32 s5, s7;
	[dreg:$0x0] =	wrdreg $0x0  }
0xaf: {  	s7 =	sshll.u32 s28, $0x1;
	[dreg:$0x2] =	wrdreg s5  }
0xb0: {  	[dreg:$0x3] =	wrdreg s7  }
0xb1: {  	[dreg:$0x4] =	wrdreg $0xC0  }
0xb2: {  	_ =	task [dreg:s9], $0x5FFFF  }
0xb3: {  	[dreg:$0x1] =	wrdreg $0xFFFFFFFF  }
0xb4: {  	[dreg:$0x0] =	wrdreg $0x60  }
0xb5: {  	[dreg:$0x2] =	wrdreg s15  }
0xb6: {  	[dreg:$0x3] =	wrdreg s4  }
0xb7: {  	[dreg:$0x4] =	wrdreg s16  }
0xb8: {  	[dreg:$0x5] =	wrdreg s24  }
0xb9: {  	[dreg:$0x6] =	wrdreg $0x9  }
0xba: {  	_ =	task.clear_ibuf [dreg:s9], $0x7FFFF;
	_ =	strace $0x90000046  }
0xbb: {  	s29 =	simm.s32 $0x9;
	_ =	strace $0x80000048  }
0xbc: {  	_ =	swait.ge [sflag:s29], $0x1  }
0xbd: {  	[sflag:s29] =	ssyncadd.s32 $0xFFFFFFFF  }
0xbe: {  	_ =	strace $0x90000048  }
0xbf: {  	_ =	sfence  }
0xc0: {  	s30 =	sld [smem:$0x0];
	_ =	sdelay $0x2  }
0xc1: {  	s31 =	sshll.u32 s1, $0xD;
	s1 =	sshrl.u32 s1, $0x2  }
0xc2: {  	s3 =	sand.u32 $0x4000, s31;
	s1 =	sadd.s32 s1, s30  }
0xc3: {  	s0 =	sor.u32 s3, s0;
	s1 =	sshll.u32 s1, $0x11  }
0xc4: {  	s0 =	sor.u32 s1, s0  }
0xc5: {  	s0 =	sadd.s32 $0x8F2B, s0  }
0xc6: {  	[sflag:s0] =	ssyncadd.remote.s32 $0x1  }
0xc7: {  	_ =	sfence.sel $0xFFFF  }
0xc8: {  	[dreg:$0x0] =	wrdreg $0xFFFFFFFF;
	(pc) =	sbr.abs _section_cstart, $3  }
0xc9: {  	[dreg:$0x1] =	wrdreg $0xFFFFFFFF  }
0xca: {  	_ =	task.clear_ibuf [dreg:s9], $0x2FFFF;
	_ =	strace $0x9FFFFFFF  }
0xcb: {  	(tm) =	ssettm $0x7FFFFFFF  }
tec
execute0_lowered:
.L_overlay_start_1:
0x0: {  	(tag) =	ssettag $0x1  }
0x1: {  	s9 =	rddreg [dreg:$0x0]  }
0x2: {  	s8 =	rddreg [dreg:$0x1]  }
0x3: {  	s5 =	rddreg [dreg:$0x2]  }
0x4: {  	s3 =	rddreg [dreg:$0x3]  }
0x5: {  	s2 =	srdreg.scid;
	s0 =	rddreg [dreg:$0x4];
	s1 =	simm.s32 $0x0  }
0x6: {  	s15 =	simm.s32 $0x6400;
	s16 =	simm.s32 $0x0;
	s4 =	sand.u32 $0x1, s2  }
0x7: {  	[smem:$0x7FF] =	sst s1;
	s2 =	stileid.u32;
	s12 =	sadd.s32 $0xA00, s3  }
0x8: {  	s6 =	ssub.s32 $0x2, s4;
	_ =	strace $0x80000047;
	s11 =	smul.u32 $0x6400, s4  }
0x9: {  	s4 =	sshll.u32 s4, $0xF;
	s10 =	sshll.u32 s2, $0xB;
	s31 =	smul.u32 $0xDC0, s2  }
0xa: {  	s7 =	sshrl.u32 s6, $0x1;
	s30 =	sor.u32 s10, s4;
	s10 =	simm.s32 $0x1  }
0xb: {  	s7 =	ssub.s32 s6, s7;
	s13 =	sadd.s32 $0x3200, s11;
	s14 =	sadd.s32 $0x6400, s11  }
0xc: {  	s3 =	sadd.s32 s5, s30;
	s4 =	sadd.s32 s12, s30;
	s6 =	sor.u32 $0x400, s30  }
0xd: {  	s8 =	sadd.s32 s31, s8;
	s9 =	sadd.s32 s31, s9;
	v0 =	vmov s11;
	s11 =	simm.s32 $0x200  }
0xe: {  	v2 =	vlaneseq.u32;
	v5 =	vimm.s32 $0x0;
	s5 =	sadd.s32 s5, s6;
	s6 =	sadd.s32 s12, s6;
	s7 =	smax.u32 s7, $0x1  }
0xf: {  	v4 =	vmul.u32 $0x7D3, v2;
	v1 =	vmov s13;
	s12 =	simm.s32 $0x400;
	s13 =	simm.s32 $0x2400;
	v3 =	vmov s14;
	s14 =	simm.s32 $0x4400  }
.LBB2_1:
0x10: {  	v6 =	vmov s1  }
0x11: {  	v6 =	vmul.u32 $0x7D3, v6;
	_ =	sdelay $0x1  }
0x12: {  	v6 =	vbroadcast v6, $0x0  }
0x13: {  	s18 =	simm.s32 $0x10  }
0x14: {  	v7 =	vadd.s32 v4, v6;
	v6 =	vmov s18  }
0x15: {  	v8 =	vshrl.u32 v7, $0x4;
	v6 =	vmul.u32 $0x7D3, v6  }
0x16: {  	v8 =	vmulhi.u32 $0xA7C5AC5, v8  }
0x17: {  	v6 =	vbroadcast v6, $0x0  }
0x18: {  	v8 =	vshrl.u32 v8, $0x7  }
0x19: {  	s17 =	simm.s32 $0x20;
	v8 =	vmul.u32 $0xC350, v8;
	v6 =	vadd.s32 v4, v6  }
0x1a: {  	v9 =	vmov s17;
	v10 =	vshrl.u32 v6, $0x4  }
0x1b: {  	v9 =	vmul.u32 $0x7D3, v9;
	v7 =	vsub.s32 v7, v8;
	v8 =	vmulhi.u32 $0xA7C5AC5, v10  }
0x1c: {  	s19 =	sand.u32 $0x70, s1  }
0x1d: {  	s19 =	sor.u32 $0x3200, s19;
	v10 =	vbroadcast v9, $0x0;
	[tilespmem:s12+$0x0] =	vst v7;
	v9 =	vshrl.u32 v8, $0x7  }
0x1e: {  	s23 =	simm.s32 $0x30;
	s22 =	simm.s32 $0x400;
	v8 =	vor.u32 s19, v2;
	[tilespmem:s14+$0x0] =	vst v7;
	v9 =	vmul.u32 $0xC350, v9  }
0x1f: {  	s21 =	simm.s32 $0x4400;
	s20 =	simm.s32 $0x2400;
	s19 =	simm.s32 $0x6400;
	v7 =	vadd.s32 v4, v10;
	[tilespmem:s13+$0x0] =	vst v8  }
.LBB2_2:
0x20: {  	v10 =	vmov s23;
	v11 =	vshrl.u32 v7, $0x4;
	v12 =	vsub.s32 v6, v9;
	[tilespmem:s19+$0x0] =	vst v8;
	s22 =	sadd.s32 $0x10, s22;
	v6 =	vmovc v7;
	p0 =	sne.s32 s23, $0x1FF0  }
.Ltmp0:
0x21: {  	v7 =	vmul.u32 $0x7D3, v10;
	v8 =	vmulhi.u32 $0xA7C5AC5, v11;
	[tilespmem:s22+$0x0] =	vst v12;
	(pc) =	sbr.rel @p0 .LBB2_2-.Ltmp0, $4  }
0x22: {  	s24 =	sand.u32 $0x70, s18;
	s18 =	smov.u32 s17;
	s17 =	smov.u32 s23  }
0x23: {  	s21 =	sadd.s32 $0x10, s21;
	s24 =	sor.u32 $0x3200, s24;
	v7 =	vbroadcast v7, $0x0;
	v8 =	vshrl.u32 v8, $0x7  }
0x24: {  	s20 =	sadd.s32 $0x10, s20;
	v9 =	vmul.u32 $0xC350, v8;
	v8 =	vor.u32 s24, v2;
	[tilespmem:s21+$0x0] =	vst v12  }
0x25: {  	s23 =	sadd.s32 $0x10, s23;
	s19 =	sadd.s32 $0x10, s19;
	v7 =	vadd.s32 v4, v7;
	[tilespmem:s20+$0x0] =	vst v8  }
0x26: {  	v10 =	vshrl.u32 v7, $0x4  }
0x27: {  	v10 =	vmulhi.u32 $0xA7C5AC5, v10  }
0x28: {  	v6 =	vsub.s32 v6, v9;
	[tilespmem:s19+$0x0] =	vst v8;
	s22 =	sadd.s32 $0x10, s22;
	s18 =	sand.u32 $0x70, s18  }
0x29: {  	s21 =	sadd.s32 $0x10, s21;
	[tilespmem:s22+$0x0] =	vst v6;
	s18 =	sor.u32 $0x3200, s18;
	v8 =	vshrl.u32 v10, $0x7  }
0x2a: {  	s25 =	sadd.s32 $0x10, s20;
	v63 =	vor.u32 s18, v2;
	[tilespmem:s21+$0x0] =	vst v6;
	v8 =	vmul.u32 $0xC350, v8  }
0x2b: {  	s26 =	sadd.s32 $0x10, s19;
	[tilespmem:s25+$0x0] =	vst v63  }
0x2c: {  	s17 =	sand.u32 $0x70, s17;
	s28 =	sadd.s32 $0x10, s22;
	[tilespmem:s26+$0x0] =	vst v63;
	v6 =	vsub.s32 v7, v8  }
0x2d: {  	s17 =	sor.u32 $0x3200, s17;
	s29 =	sadd.s32 $0x10, s21;
	[tilespmem:s28+$0x0] =	vst v6  }
0x2e: {  	s30 =	sadd.s32 $0x10, s25;
	v7 =	vor.u32 s17, v2;
	[tilespmem:s29+$0x0] =	vst v6  }
0x2f: {  	s31 =	sadd.s32 $0x10, s26;
	[tilespmem:s30+$0x0] =	vst v7  }
0x30: {  	s17 =	simm.s32 $0x0;
	v6 =	vimm.s32 $0x0;
	[tilespmem:s31+$0x0] =	vst v7;
	v7 =	vimm.s32 $0x0  }
.LBB2_4:
0x31: {  	s18 =	sadd.s32 s17, s9  }
0x32: {  	[tilespmem:s1], [sflag:$0x1] =	stream.linear.gather [hbm4b:s18+s1], $0x200, $0x38;
	[tilespmem:$0x8400] =	vst v63  }
0x33: {  	_ =	swait.ge [sflag:s10], $0x200  }
0x34: {  	[sflag:s10] =	ssyncset.done $0x0  }
0x35: {  	s31 =	sadd.s32 s17, s8;
	[sflag:s10] =	ssyncadd.s32 $0xFFFFFE00  }
0x36: {  	[tilespmem:s11], [sflag:$0x1] =	stream.linear.gather [hbm4b:s31+s1], $0x200, $0x38;
	[tilespmem:$0x8400] =	vst v63  }
0x37: {  	_ =	swait.ge [sflag:s10], $0x200  }
0x38: {  	[sflag:s10] =	ssyncset.done $0x0  }
0x39: {  	[sflag:s10] =	ssyncadd.s32 $0xFFFFFE00  }
0x3a: {  	v8 =	vld [tilespmem:$0x200];
	_ =	sdelay $0x4  }
0x3b: {  	vm0 =	vge.s32 v8, v0;
	vm1 =	vlt.s32 v8, v1  }
0x3c: {  	vm1 =	vmand vm0, vm1  }
0x3d: {  	vm4 =	vge.s32 v8, v1;
	vm2 =	vlt.s32 v8, v3;
	v9 =	vsel vm1, $0x1, v5  }
0x3e: {  	vm3 =	vmand vm4, vm2;
	(xrf0) =	vadd.scan.msk.s32 $0xffff, v9  }
0x3f: {  	v54 =	vsel vm3, $0x1, v5  }
0x40: {  	(xrf0) =	vadd.scan.msk.s32 $0xffff, v54;
	_ =	sdelay $0x3  }
0x41: {  	v55, _, _ =	vpop (xrf0)  }
0x42: {  	v9 =	vadd.s32 v55, v7  }
0x43: {  	v10, _, _ =	vpop (xrf0);
	v9 =	vadd.s32 $0xFFFFFFFF, v9  }
0x44: {  	v10 =	vadd.s32 v10, v6;
	vm5 =	vlt.s32 v9, $0x1FFF  }
0x45: {  	v11 =	vld [tilespmem:$0x0];
	v10 =	vadd.s32 $0xFFFFFFFF, v10;
	v9 =	vnsel vm5, $0x1FFF, v9  }
0x46: {  	vm6 =	vlt.s32 v10, $0x1FFF  }
0x47: {  	v10 =	vnsel vm6, $0x1FFF, v10;
	_ =	sdelay $0x2  }
0x48: {  	v12 =	vsub.s32 v8, v0;
	[tilespmem:v9+s12+$0x0] =	vst.idx.msk vm1, v11  }
0x49: {  	[tilespmem:v9+s13+$0x0] =	vst.idx.msk vm1, v12  }
0x4a: {  	v8 =	vsub.s32 v8, v1;
	[tilespmem:v10+s14+$0x0] =	vst.idx.msk vm3, v11  }
0x4b: {  	[tilespmem:v10+s15+$0x0] =	vst.idx.msk vm3, v8  }
0x4c: {  	v8 =	vld [tilespmem:$0x210];
	_ =	sdelay $0x4  }
0x4d: {  	vm7 =	vge.s32 v8, v0;
	vm8 =	vlt.s32 v8, v1  }
0x4e: {  	vm0 =	vmand vm7, vm8  }
0x4f: {  	vm9 =	vge.s32 v8, v1;
	vm4 =	vlt.s32 v8, v3;
	v56 =	vsel vm0, $0x1, v5  }
0x50: {  	vm2 =	vmand vm9, vm4;
	(xrf0) =	vadd.scan.msk.s32 $0xffff, v56  }
0x51: {  	v57 =	vsel vm2, $0x1, v5  }
0x52: {  	(xrf0) =	vadd.scan.msk.s32 $0xffff, v57;
	_ =	sdelay $0x1  }
0x53: {  	v58 =	vmpcnt.ones.xlane vm1;
	_ =	sdelay $0x1  }
0x54: {  	v59 =	vmpcnt.ones.xlane vm3;
	v7 =	vadd.s32 v7, v58;
	v60, _, _ =	vpop (xrf0)  }
0x55: {  	v10 =	vadd.s32 v60, v7  }
0x56: {  	v6 =	vadd.s32 v6, v59;
	v62, _, _ =	vpop (xrf0);
	v61 =	vadd.s32 $0xFFFFFFFF, v10  }
0x57: {  	v10 =	vadd.s32 v62, v6;
	vm10 =	vlt.s32 v61, $0x1FFF  }
0x58: {  	v11 =	vld [tilespmem:$0x10];
	v10 =	vadd.s32 $0xFFFFFFFF, v10;
	v9 =	vnsel vm10, $0x1FFF, v61  }
0x59: {  	vm11 =	vlt.s32 v10, $0x1FFF  }
0x5a: {  	v10 =	vnsel vm11, $0x1FFF, v10;
	_ =	sdelay $0x2  }
0x5b: {  	v63 =	vsub.s32 v8, v0;
	[tilespmem:v9+s12+$0x0] =	vst.idx.msk vm0, v11  }
0x5c: {  	[tilespmem:v9+s13+$0x0] =	vst.idx.msk vm0, v63  }
0x5d: {  	v8 =	vsub.s32 v8, v1;
	[tilespmem:v10+s14+$0x0] =	vst.idx.msk vm2, v11  }
0x5e: {  	[tilespmem:v10+s15+$0x0] =	vst.idx.msk vm2, v8  }
0x5f: {  	v8 =	vld [tilespmem:$0x220];
	_ =	sdelay $0x4  }
0x60: {  	vm12 =	vge.s32 v8, v0;
	vm13 =	vlt.s32 v8, v1  }
0x61: {  	vm1 =	vmand vm12, vm13  }
0x62: {  	vm14 =	vge.s32 v8, v1;
	vm15 =	vlt.s32 v8, v3;
	v16 =	vsel vm1, $0x1, v5  }
0x63: {  	vm3 =	vmand vm14, vm15;
	(xrf0) =	vadd.scan.msk.s32 $0xffff, v16  }
0x64: {  	v17 =	vsel vm3, $0x1, v5  }
0x65: {  	(xrf0) =	vadd.scan.msk.s32 $0xffff, v17;
	_ =	sdelay $0x1  }
0x66: {  	v18 =	vmpcnt.ones.xlane vm0;
	_ =	sdelay $0x1  }
0x67: {  	v19 =	vmpcnt.ones.xlane vm2;
	v7 =	vadd.s32 v7, v18;
	v20, _, _ =	vpop (xrf0)  }
0x68: {  	v10 =	vadd.s32 v20, v7  }
0x69: {  	v6 =	vadd.s32 v6, v19;
	v22, _, _ =	vpop (xrf0);
	v21 =	vadd.s32 $0xFFFFFFFF, v10  }
0x6a: {  	v10 =	vadd.s32 v22, v6;
	vm4 =	vlt.s32 v21, $0x1FFF  }
0x6b: {  	v11 =	vld [tilespmem:$0x20];
	v10 =	vadd.s32 $0xFFFFFFFF, v10;
	v9 =	vnsel vm4, $0x1FFF, v21  }
0x6c: {  	vm5 =	vlt.s32 v10, $0x1FFF  }
0x6d: {  	v10 =	vnsel vm5, $0x1FFF, v10;
	_ =	sdelay $0x2  }
0x6e: {  	v23 =	vsub.s32 v8, v0;
	[tilespmem:v9+s12+$0x0] =	vst.idx.msk vm1, v11  }
0x6f: {  	[tilespmem:v9+s13+$0x0] =	vst.idx.msk vm1, v23  }
0x70: {  	v8 =	vsub.s32 v8, v1;
	[tilespmem:v10+s14+$0x0] =	vst.idx.msk vm3, v11  }
0x71: {  	[tilespmem:v10+s15+$0x0] =	vst.idx.msk vm3, v8  }
0x72: {  	v8 =	vld [tilespmem:$0x230];
	_ =	sdelay $0x4  }
0x73: {  	vm6 =	vge.s32 v8, v0;
	vm7 =	vlt.s32 v8, v1  }
0x74: {  	vm0 =	vmand vm6, vm7  }
0x75: {  	vm8 =	vge.s32 v8, v1;
	vm9 =	vlt.s32 v8, v3;
	v24 =	vsel vm0, $0x1, v5  }
0x76: {  	vm2 =	vmand vm8, vm9;
	(xrf0) =	vadd.scan.msk.s32 $0xffff, v24  }
0x77: {  	v25 =	vsel vm2, $0x1, v5  }
0x78: {  	(xrf0) =	vadd.scan.msk.s32 $0xffff, v25;
	_ =	sdelay $0x1  }
0x79: {  	v26 =	vmpcnt.ones.xlane vm1;
	_ =	sdelay $0x1  }
0x7a: {  	v27 =	vmpcnt.ones.xlane vm3;
	v7 =	vadd.s32 v7, v26;
	v28, _, _ =	vpop (xrf0)  }
0x7b: {  	v10 =	vadd.s32 v28, v7  }
0x7c: {  	v6 =	vadd.s32 v6, v27;
	v30, _, _ =	vpop (xrf0);
	v29 =	vadd.s32 $0xFFFFFFFF, v10  }
0x7d: {  	v10 =	vadd.s32 v30, v6;
	vm10 =	vlt.s32 v29, $0x1FFF  }
0x7e: {  	v11 =	vld [tilespmem:$0x30];
	v10 =	vadd.s32 $0xFFFFFFFF, v10;
	v9 =	vnsel vm10, $0x1FFF, v29  }
0x7f: {  	vm11 =	vlt.s32 v10, $0x1FFF  }
0x80: {  	v10 =	vnsel vm11, $0x1FFF, v10;
	_ =	sdelay $0x2  }
0x81: {  	v31 =	vsub.s32 v8, v0;
	[tilespmem:v9+s12+$0x0] =	vst.idx.msk vm0, v11  }
0x82: {  	[tilespmem:v9+s13+$0x0] =	vst.idx.msk vm0, v31  }
0x83: {  	v8 =	vsub.s32 v8, v1;
	[tilespmem:v10+s14+$0x0] =	vst.idx.msk vm2, v11  }
0x84: {  	[tilespmem:v10+s15+$0x0] =	vst.idx.msk vm2, v8  }
0x85: {  	v8 =	vld [tilespmem:$0x240];
	_ =	sdelay $0x4  }
0x86: {  	vm12 =	vge.s32 v8, v0;
	vm13 =	vlt.s32 v8, v1  }
0x87: {  	vm1 =	vmand vm12, vm13  }
0x88: {  	vm14 =	vge.s32 v8, v1;
	vm15 =	vlt.s32 v8, v3;
	v32 =	vsel vm1, $0x1, v5  }
0x89: {  	vm3 =	vmand vm14, vm15;
	(xrf0) =	vadd.scan.msk.s32 $0xffff, v32  }
0x8a: {  	v33 =	vsel vm3, $0x1, v5  }
0x8b: {  	(xrf0) =	vadd.scan.msk.s32 $0xffff, v33;
	_ =	sdelay $0x1  }
0x8c: {  	v34 =	vmpcnt.ones.xlane vm0;
	_ =	sdelay $0x1  }
0x8d: {  	v35 =	vmpcnt.ones.xlane vm2;
	v7 =	vadd.s32 v7, v34;
	v36, _, _ =	vpop (xrf0)  }
0x8e: {  	v10 =	vadd.s32 v36, v7  }
0x8f: {  	v6 =	vadd.s32 v6, v35;
	v38, _, _ =	vpop (xrf0);
	v37 =	vadd.s32 $0xFFFFFFFF, v10  }
0x90: {  	v10 =	vadd.s32 v38, v6;
	vm4 =	vlt.s32 v37, $0x1FFF  }
0x91: {  	v11 =	vld [tilespmem:$0x40];
	v10 =	vadd.s32 $0xFFFFFFFF, v10;
	v9 =	vnsel vm4, $0x1FFF, v37  }
0x92: {  	vm5 =	vlt.s32 v10, $0x1FFF  }
0x93: {  	v10 =	vnsel vm5, $0x1FFF, v10;
	_ =	sdelay $0x2  }
0x94: {  	v39 =	vsub.s32 v8, v0;
	[tilespmem:v9+s12+$0x0] =	vst.idx.msk vm1, v11  }
0x95: {  	[tilespmem:v9+s13+$0x0] =	vst.idx.msk vm1, v39  }
0x96: {  	v8 =	vsub.s32 v8, v1;
	[tilespmem:v10+s14+$0x0] =	vst.idx.msk vm3, v11  }
0x97: {  	[tilespmem:v10+s15+$0x0] =	vst.idx.msk vm3, v8  }
0x98: {  	v8 =	vld [tilespmem:$0x250];
	_ =	sdelay $0x4  }
0x99: {  	vm6 =	vge.s32 v8, v0;
	vm7 =	vlt.s32 v8, v1  }
0x9a: {  	vm0 =	vmand vm6, vm7  }
0x9b: {  	vm8 =	vge.s32 v8, v1;
	vm9 =	vlt.s32 v8, v3;
	v40 =	vsel vm0, $0x1, v5  }
0x9c: {  	vm2 =	vmand vm8, vm9;
	(xrf0) =	vadd.scan.msk.s32 $0xffff, v40  }
0x9d: {  	v41 =	vsel vm2, $0x1, v5  }
0x9e: {  	(xrf0) =	vadd.scan.msk.s32 $0xffff, v41;
	_ =	sdelay $0x1  }
0x9f: {  	v42 =	vmpcnt.ones.xlane vm1;
	_ =	sdelay $0x1  }
0xa0: {  	v43 =	vmpcnt.ones.xlane vm3;
	v7 =	vadd.s32 v7, v42;
	v44, _, _ =	vpop (xrf0)  }
0xa1: {  	v10 =	vadd.s32 v44, v7  }
0xa2: {  	v6 =	vadd.s32 v6, v43;
	v46, _, _ =	vpop (xrf0);
	v45 =	vadd.s32 $0xFFFFFFFF, v10  }
0xa3: {  	v10 =	vadd.s32 v46, v6;
	vm10 =	vlt.s32 v45, $0x1FFF  }
0xa4: {  	v11 =	vld [tilespmem:$0x50];
	v10 =	vadd.s32 $0xFFFFFFFF, v10;
	v9 =	vnsel vm10, $0x1FFF, v45  }
0xa5: {  	vm11 =	vlt.s32 v10, $0x1FFF  }
0xa6: {  	v10 =	vnsel vm11, $0x1FFF, v10;
	_ =	sdelay $0x2  }
0xa7: {  	v47 =	vsub.s32 v8, v0;
	[tilespmem:v9+s12+$0x0] =	vst.idx.msk vm0, v11  }
0xa8: {  	[tilespmem:v9+s13+$0x0] =	vst.idx.msk vm0, v47  }
0xa9: {  	v8 =	vsub.s32 v8, v1;
	[tilespmem:v10+s14+$0x0] =	vst.idx.msk vm2, v11  }
0xaa: {  	[tilespmem:v10+s15+$0x0] =	vst.idx.msk vm2, v8  }
0xab: {  	v8 =	vld [tilespmem:$0x260];
	_ =	sdelay $0x4  }
0xac: {  	vm12 =	vge.s32 v8, v0;
	vm13 =	vlt.s32 v8, v1  }
0xad: {  	vm1 =	vmand vm12, vm13  }
0xae: {  	vm14 =	vge.s32 v8, v1;
	vm15 =	vlt.s32 v8, v3;
	v48 =	vsel vm1, $0x1, v5  }
0xaf: {  	vm3 =	vmand vm14, vm15;
	(xrf0) =	vadd.scan.msk.s32 $0xffff, v48  }
0xb0: {  	v49 =	vsel vm3, $0x1, v5  }
0xb1: {  	(xrf0) =	vadd.scan.msk.s32 $0xffff, v49;
	_ =	sdelay $0x1  }
0xb2: {  	v50 =	vmpcnt.ones.xlane vm0;
	_ =	sdelay $0x1  }
0xb3: {  	v51 =	vmpcnt.ones.xlane vm2;
	v7 =	vadd.s32 v7, v50;
	v52, _, _ =	vpop (xrf0)  }
0xb4: {  	v10 =	vadd.s32 v52, v7  }
0xb5: {  	v6 =	vadd.s32 v6, v51;
	v54, _, _ =	vpop (xrf0);
	v53 =	vadd.s32 $0xFFFFFFFF, v10  }
0xb6: {  	v10 =	vadd.s32 v54, v6;
	vm4 =	vlt.s32 v53, $0x1FFF  }
0xb7: {  	v11 =	vld [tilespmem:$0x60];
	v10 =	vadd.s32 $0xFFFFFFFF, v10;
	v9 =	vnsel vm4, $0x1FFF, v53  }
0xb8: {  	vm5 =	vlt.s32 v10, $0x1FFF  }
0xb9: {  	v10 =	vnsel vm5, $0x1FFF, v10;
	_ =	sdelay $0x2  }
0xba: {  	v55 =	vsub.s32 v8, v0;
	[tilespmem:v9+s12+$0x0] =	vst.idx.msk vm1, v11  }
0xbb: {  	[tilespmem:v9+s13+$0x0] =	vst.idx.msk vm1, v55  }
0xbc: {  	v8 =	vsub.s32 v8, v1;
	[tilespmem:v10+s14+$0x0] =	vst.idx.msk vm3, v11  }
0xbd: {  	[tilespmem:v10+s15+$0x0] =	vst.idx.msk vm3, v8  }
0xbe: {  	v8 =	vld [tilespmem:$0x270];
	_ =	sdelay $0x4  }
0xbf: {  	vm6 =	vge.s32 v8, v0;
	vm7 =	vlt.s32 v8, v1  }
0xc0: {  	vm0 =	vmand vm6, vm7  }
0xc1: {  	vm8 =	vge.s32 v8, v1;
	vm9 =	vlt.s32 v8, v3;
	v56 =	vsel vm0, $0x1, v5  }
0xc2: {  	vm2 =	vmand vm8, vm9;
	(xrf0) =	vadd.scan.msk.s32 $0xffff, v56  }
0xc3: {  	v57 =	vsel vm2, $0x1, v5  }
0xc4: {  	(xrf0) =	vadd.scan.msk.s32 $0xffff, v57;
	_ =	sdelay $0x1  }
0xc5: {  	v58 =	vmpcnt.ones.xlane vm1;
	_ =	sdelay $0x1  }
0xc6: {  	v59 =	vmpcnt.ones.xlane vm3;
	v7 =	vadd.s32 v7, v58;
	v60, _, _ =	vpop (xrf0)  }
0xc7: {  	v10 =	vadd.s32 v60, v7  }
0xc8: {  	v6 =	vadd.s32 v6, v59;
	v62, _, _ =	vpop (xrf0);
	v61 =	vadd.s32 $0xFFFFFFFF, v10  }
0xc9: {  	v10 =	vadd.s32 v62, v6;
	vm10 =	vlt.s32 v61, $0x1FFF  }
0xca: {  	v11 =	vld [tilespmem:$0x70];
	v10 =	vadd.s32 $0xFFFFFFFF, v10;
	v9 =	vnsel vm10, $0x1FFF, v61  }
0xcb: {  	vm11 =	vlt.s32 v10, $0x1FFF  }
0xcc: {  	v10 =	vnsel vm11, $0x1FFF, v10;
	_ =	sdelay $0x2  }
0xcd: {  	v63 =	vsub.s32 v8, v0;
	[tilespmem:v9+s12+$0x0] =	vst.idx.msk vm0, v11  }
0xce: {  	[tilespmem:v9+s13+$0x0] =	vst.idx.msk vm0, v63  }
0xcf: {  	v8 =	vsub.s32 v8, v1;
	[tilespmem:v10+s14+$0x0] =	vst.idx.msk vm2, v11  }
0xd0: {  	[tilespmem:v10+s15+$0x0] =	vst.idx.msk vm2, v8  }
0xd1: {  	v8 =	vld [tilespmem:$0x280];
	_ =	sdelay $0x4  }
0xd2: {  	vm12 =	vge.s32 v8, v0;
	vm13 =	vlt.s32 v8, v1  }
0xd3: {  	vm1 =	vmand vm12, vm13  }
0xd4: {  	vm14 =	vge.s32 v8, v1;
	vm15 =	vlt.s32 v8, v3;
	v16 =	vsel vm1, $0x1, v5  }
0xd5: {  	vm3 =	vmand vm14, vm15;
	(xrf0) =	vadd.scan.msk.s32 $0xffff, v16  }
0xd6: {  	v17 =	vsel vm3, $0x1, v5  }
0xd7: {  	(xrf0) =	vadd.scan.msk.s32 $0xffff, v17;
	_ =	sdelay $0x1  }
0xd8: {  	v18 =	vmpcnt.ones.xlane vm0;
	_ =	sdelay $0x1  }
0xd9: {  	v19 =	vmpcnt.ones.xlane vm2;
	v7 =	vadd.s32 v7, v18;
	v20, _, _ =	vpop (xrf0)  }
0xda: {  	v10 =	vadd.s32 v20, v7  }
0xdb: {  	v6 =	vadd.s32 v6, v19;
	v22, _, _ =	vpop (xrf0);
	v21 =	vadd.s32 $0xFFFFFFFF, v10  }
0xdc: {  	v10 =	vadd.s32 v22, v6;
	vm4 =	vlt.s32 v21, $0x1FFF  }
0xdd: {  	v11 =	vld [tilespmem:$0x80];
	v10 =	vadd.s32 $0xFFFFFFFF, v10;
	v9 =	vnsel vm4, $0x1FFF, v21  }
0xde: {  	vm5 =	vlt.s32 v10, $0x1FFF  }
0xdf: {  	v10 =	vnsel vm5, $0x1FFF, v10;
	_ =	sdelay $0x2  }
0xe0: {  	v23 =	vsub.s32 v8, v0;
	[tilespmem:v9+s12+$0x0] =	vst.idx.msk vm1, v11  }
0xe1: {  	[tilespmem:v9+s13+$0x0] =	vst.idx.msk vm1, v23  }
0xe2: {  	v8 =	vsub.s32 v8, v1;
	[tilespmem:v10+s14+$0x0] =	vst.idx.msk vm3, v11  }
0xe3: {  	[tilespmem:v10+s15+$0x0] =	vst.idx.msk vm3, v8  }
0xe4: {  	v8 =	vld [tilespmem:$0x290];
	_ =	sdelay $0x4  }
0xe5: {  	vm6 =	vge.s32 v8, v0;
	vm7 =	vlt.s32 v8, v1  }
0xe6: {  	vm0 =	vmand vm6, vm7  }
0xe7: {  	vm8 =	vge.s32 v8, v1;
	vm9 =	vlt.s32 v8, v3;
	v24 =	vsel vm0, $0x1, v5  }
0xe8: {  	vm2 =	vmand vm8, vm9;
	(xrf0) =	vadd.scan.msk.s32 $0xffff, v24  }
0xe9: {  	v25 =	vsel vm2, $0x1, v5  }
0xea: {  	(xrf0) =	vadd.scan.msk.s32 $0xffff, v25;
	_ =	sdelay $0x1  }
0xeb: {  	v26 =	vmpcnt.ones.xlane vm1;
	_ =	sdelay $0x1  }
0xec: {  	v27 =	vmpcnt.ones.xlane vm3;
	v7 =	vadd.s32 v7, v26;
	v28, _, _ =	vpop (xrf0)  }
0xed: {  	v10 =	vadd.s32 v28, v7  }
0xee: {  	v6 =	vadd.s32 v6, v27;
	v30, _, _ =	vpop (xrf0);
	v29 =	vadd.s32 $0xFFFFFFFF, v10  }
0xef: {  	v10 =	vadd.s32 v30, v6;
	vm10 =	vlt.s32 v29, $0x1FFF  }
0xf0: {  	v11 =	vld [tilespmem:$0x90];
	v10 =	vadd.s32 $0xFFFFFFFF, v10;
	v9 =	vnsel vm10, $0x1FFF, v29  }
0xf1: {  	vm11 =	vlt.s32 v10, $0x1FFF  }
0xf2: {  	v10 =	vnsel vm11, $0x1FFF, v10;
	_ =	sdelay $0x2  }
0xf3: {  	v31 =	vsub.s32 v8, v0;
	[tilespmem:v9+s12+$0x0] =	vst.idx.msk vm0, v11  }
0xf4: {  	[tilespmem:v9+s13+$0x0] =	vst.idx.msk vm0, v31  }
0xf5: {  	v8 =	vsub.s32 v8, v1;
	[tilespmem:v10+s14+$0x0] =	vst.idx.msk vm2, v11  }
0xf6: {  	[tilespmem:v10+s15+$0x0] =	vst.idx.msk vm2, v8  }
0xf7: {  	v8 =	vld [tilespmem:$0x2A0];
	_ =	sdelay $0x4  }
0xf8: {  	vm12 =	vge.s32 v8, v0;
	vm13 =	vlt.s32 v8, v1  }
0xf9: {  	vm1 =	vmand vm12, vm13  }
0xfa: {  	vm14 =	vge.s32 v8, v1;
	vm15 =	vlt.s32 v8, v3;
	v32 =	vsel vm1, $0x1, v5  }
0xfb: {  	vm3 =	vmand vm14, vm15;
	(xrf0) =	vadd.scan.msk.s32 $0xffff, v32  }
0xfc: {  	v33 =	vsel vm3, $0x1, v5  }
0xfd: {  	(xrf0) =	vadd.scan.msk.s32 $0xffff, v33;
	_ =	sdelay $0x1  }
0xfe: {  	v34 =	vmpcnt.ones.xlane vm0;
	_ =	sdelay $0x1  }
0xff: {  	v35 =	vmpcnt.ones.xlane vm2;
	v7 =	vadd.s32 v7, v34;
	v36, _, _ =	vpop (xrf0)  }
0x100: {  	v10 =	vadd.s32 v36, v7  }
0x101: {  	v6 =	vadd.s32 v6, v35;
	v38, _, _ =	vpop (xrf0);
	v37 =	vadd.s32 $0xFFFFFFFF, v10  }
0x102: {  	v10 =	vadd.s32 v38, v6;
	vm4 =	vlt.s32 v37, $0x1FFF  }
0x103: {  	v11 =	vld [tilespmem:$0xA0];
	v10 =	vadd.s32 $0xFFFFFFFF, v10;
	v9 =	vnsel vm4, $0x1FFF, v37  }
0x104: {  	vm5 =	vlt.s32 v10, $0x1FFF  }
0x105: {  	v10 =	vnsel vm5, $0x1FFF, v10;
	_ =	sdelay $0x2  }
0x106: {  	v39 =	vsub.s32 v8, v0;
	[tilespmem:v9+s12+$0x0] =	vst.idx.msk vm1, v11  }
0x107: {  	[tilespmem:v9+s13+$0x0] =	vst.idx.msk vm1, v39  }
0x108: {  	v8 =	vsub.s32 v8, v1;
	[tilespmem:v10+s14+$0x0] =	vst.idx.msk vm3, v11  }
0x109: {  	[tilespmem:v10+s15+$0x0] =	vst.idx.msk vm3, v8  }
0x10a: {  	v8 =	vld [tilespmem:$0x2B0];
	_ =	sdelay $0x4  }
0x10b: {  	vm6 =	vge.s32 v8, v0;
	vm7 =	vlt.s32 v8, v1  }
0x10c: {  	vm0 =	vmand vm6, vm7  }
0x10d: {  	vm8 =	vge.s32 v8, v1;
	vm9 =	vlt.s32 v8, v3;
	v40 =	vsel vm0, $0x1, v5  }
0x10e: {  	vm2 =	vmand vm8, vm9;
	(xrf0) =	vadd.scan.msk.s32 $0xffff, v40  }
0x10f: {  	v41 =	vsel vm2, $0x1, v5  }
0x110: {  	(xrf0) =	vadd.scan.msk.s32 $0xffff, v41;
	_ =	sdelay $0x1  }
0x111: {  	v42 =	vmpcnt.ones.xlane vm1;
	_ =	sdelay $0x1  }
0x112: {  	v43 =	vmpcnt.ones.xlane vm3;
	v7 =	vadd.s32 v7, v42;
	v44, _, _ =	vpop (xrf0)  }
0x113: {  	v10 =	vadd.s32 v44, v7  }
0x114: {  	v6 =	vadd.s32 v6, v43;
	v46, _, _ =	vpop (xrf0);
	v45 =	vadd.s32 $0xFFFFFFFF, v10  }
0x115: {  	v10 =	vadd.s32 v46, v6;
	vm10 =	vlt.s32 v45, $0x1FFF  }
0x116: {  	v11 =	vld [tilespmem:$0xB0];
	v10 =	vadd.s32 $0xFFFFFFFF, v10;
	v9 =	vnsel vm10, $0x1FFF, v45  }
0x117: {  	vm11 =	vlt.s32 v10, $0x1FFF  }
0x118: {  	v10 =	vnsel vm11, $0x1FFF, v10;
	_ =	sdelay $0x2  }
0x119: {  	v47 =	vsub.s32 v8, v0;
	[tilespmem:v9+s12+$0x0] =	vst.idx.msk vm0, v11  }
0x11a: {  	[tilespmem:v9+s13+$0x0] =	vst.idx.msk vm0, v47  }
0x11b: {  	v8 =	vsub.s32 v8, v1;
	[tilespmem:v10+s14+$0x0] =	vst.idx.msk vm2, v11  }
0x11c: {  	[tilespmem:v10+s15+$0x0] =	vst.idx.msk vm2, v8  }
0x11d: {  	v8 =	vld [tilespmem:$0x2C0];
	_ =	sdelay $0x4  }
0x11e: {  	vm12 =	vge.s32 v8, v0;
	vm13 =	vlt.s32 v8, v1  }
0x11f: {  	vm1 =	vmand vm12, vm13  }
0x120: {  	vm14 =	vge.s32 v8, v1;
	vm15 =	vlt.s32 v8, v3;
	v48 =	vsel vm1, $0x1, v5  }
0x121: {  	vm3 =	vmand vm14, vm15;
	(xrf0) =	vadd.scan.msk.s32 $0xffff, v48  }
0x122: {  	v49 =	vsel vm3, $0x1, v5  }
0x123: {  	(xrf0) =	vadd.scan.msk.s32 $0xffff, v49;
	_ =	sdelay $0x1  }
0x124: {  	v50 =	vmpcnt.ones.xlane vm0;
	_ =	sdelay $0x1  }
0x125: {  	v51 =	vmpcnt.ones.xlane vm2;
	v7 =	vadd.s32 v7, v50;
	v52, _, _ =	vpop (xrf0)  }
0x126: {  	v10 =	vadd.s32 v52, v7  }
0x127: {  	v6 =	vadd.s32 v6, v51;
	v54, _, _ =	vpop (xrf0);
	v53 =	vadd.s32 $0xFFFFFFFF, v10  }
0x128: {  	v10 =	vadd.s32 v54, v6;
	vm4 =	vlt.s32 v53, $0x1FFF  }
0x129: {  	v11 =	vld [tilespmem:$0xC0];
	v10 =	vadd.s32 $0xFFFFFFFF, v10;
	v9 =	vnsel vm4, $0x1FFF, v53  }
0x12a: {  	vm5 =	vlt.s32 v10, $0x1FFF  }
0x12b: {  	v10 =	vnsel vm5, $0x1FFF, v10;
	_ =	sdelay $0x2  }
0x12c: {  	v55 =	vsub.s32 v8, v0;
	[tilespmem:v9+s12+$0x0] =	vst.idx.msk vm1, v11  }
0x12d: {  	[tilespmem:v9+s13+$0x0] =	vst.idx.msk vm1, v55  }
0x12e: {  	v8 =	vsub.s32 v8, v1;
	[tilespmem:v10+s14+$0x0] =	vst.idx.msk vm3, v11  }
0x12f: {  	[tilespmem:v10+s15+$0x0] =	vst.idx.msk vm3, v8  }
0x130: {  	v8 =	vld [tilespmem:$0x2D0];
	_ =	sdelay $0x4  }
0x131: {  	vm6 =	vge.s32 v8, v0;
	vm7 =	vlt.s32 v8, v1  }
0x132: {  	vm0 =	vmand vm6, vm7  }
0x133: {  	vm8 =	vge.s32 v8, v1;
	vm9 =	vlt.s32 v8, v3;
	v56 =	vsel vm0, $0x1, v5  }
0x134: {  	vm2 =	vmand vm8, vm9;
	(xrf0) =	vadd.scan.msk.s32 $0xffff, v56  }
0x135: {  	v57 =	vsel vm2, $0x1, v5  }
0x136: {  	(xrf0) =	vadd.scan.msk.s32 $0xffff, v57;
	_ =	sdelay $0x1  }
0x137: {  	v58 =	vmpcnt.ones.xlane vm1;
	_ =	sdelay $0x1  }
0x138: {  	v59 =	vmpcnt.ones.xlane vm3;
	v7 =	vadd.s32 v7, v58;
	v60, _, _ =	vpop (xrf0)  }
0x139: {  	v10 =	vadd.s32 v60, v7  }
0x13a: {  	v6 =	vadd.s32 v6, v59;
	v62, _, _ =	vpop (xrf0);
	v61 =	vadd.s32 $0xFFFFFFFF, v10  }
0x13b: {  	v10 =	vadd.s32 v62, v6;
	vm10 =	vlt.s32 v61, $0x1FFF  }
0x13c: {  	v11 =	vld [tilespmem:$0xD0];
	v10 =	vadd.s32 $0xFFFFFFFF, v10;
	v9 =	vnsel vm10, $0x1FFF, v61  }
0x13d: {  	vm11 =	vlt.s32 v10, $0x1FFF  }
0x13e: {  	v10 =	vnsel vm11, $0x1FFF, v10;
	_ =	sdelay $0x2  }
0x13f: {  	v63 =	vsub.s32 v8, v0;
	[tilespmem:v9+s12+$0x0] =	vst.idx.msk vm0, v11  }
0x140: {  	[tilespmem:v9+s13+$0x0] =	vst.idx.msk vm0, v63  }
0x141: {  	v8 =	vsub.s32 v8, v1;
	[tilespmem:v10+s14+$0x0] =	vst.idx.msk vm2, v11  }
0x142: {  	[tilespmem:v10+s15+$0x0] =	vst.idx.msk vm2, v8  }
0x143: {  	v8 =	vld [tilespmem:$0x2E0];
	_ =	sdelay $0x4  }
0x144: {  	vm12 =	vge.s32 v8, v0;
	vm13 =	vlt.s32 v8, v1  }
0x145: {  	vm1 =	vmand vm12, vm13  }
0x146: {  	vm14 =	vge.s32 v8, v1;
	vm15 =	vlt.s32 v8, v3;
	v16 =	vsel vm1, $0x1, v5  }
0x147: {  	vm3 =	vmand vm14, vm15;
	(xrf0) =	vadd.scan.msk.s32 $0xffff, v16  }
0x148: {  	v17 =	vsel vm3, $0x1, v5  }
0x149: {  	(xrf0) =	vadd.scan.msk.s32 $0xffff, v17;
	_ =	sdelay $0x1  }
0x14a: {  	v18 =	vmpcnt.ones.xlane vm0;
	_ =	sdelay $0x1  }
0x14b: {  	v19 =	vmpcnt.ones.xlane vm2;
	v7 =	vadd.s32 v7, v18;
	v20, _, _ =	vpop (xrf0)  }
0x14c: {  	v10 =	vadd.s32 v20, v7  }
0x14d: {  	v6 =	vadd.s32 v6, v19;
	v22, _, _ =	vpop (xrf0);
	v21 =	vadd.s32 $0xFFFFFFFF, v10  }
0x14e: {  	v10 =	vadd.s32 v22, v6;
	vm4 =	vlt.s32 v21, $0x1FFF  }
0x14f: {  	v11 =	vld [tilespmem:$0xE0];
	v10 =	vadd.s32 $0xFFFFFFFF, v10;
	v9 =	vnsel vm4, $0x1FFF, v21  }
0x150: {  	vm5 =	vlt.s32 v10, $0x1FFF  }
0x151: {  	v10 =	vnsel vm5, $0x1FFF, v10;
	_ =	sdelay $0x2  }
0x152: {  	v23 =	vsub.s32 v8, v0;
	[tilespmem:v9+s12+$0x0] =	vst.idx.msk vm1, v11  }
0x153: {  	[tilespmem:v9+s13+$0x0] =	vst.idx.msk vm1, v23  }
0x154: {  	v8 =	vsub.s32 v8, v1;
	[tilespmem:v10+s14+$0x0] =	vst.idx.msk vm3, v11  }
0x155: {  	[tilespmem:v10+s15+$0x0] =	vst.idx.msk vm3, v8  }
0x156: {  	v8 =	vld [tilespmem:$0x2F0];
	_ =	sdelay $0x4  }
0x157: {  	vm6 =	vge.s32 v8, v0;
	vm7 =	vlt.s32 v8, v1  }
0x158: {  	vm0 =	vmand vm6, vm7  }
0x159: {  	vm8 =	vge.s32 v8, v1;
	vm9 =	vlt.s32 v8, v3;
	v24 =	vsel vm0, $0x1, v5  }
0x15a: {  	vm2 =	vmand vm8, vm9;
	(xrf0) =	vadd.scan.msk.s32 $0xffff, v24  }
0x15b: {  	v25 =	vsel vm2, $0x1, v5  }
0x15c: {  	(xrf0) =	vadd.scan.msk.s32 $0xffff, v25;
	_ =	sdelay $0x1  }
0x15d: {  	v26 =	vmpcnt.ones.xlane vm1;
	_ =	sdelay $0x1  }
0x15e: {  	v27 =	vmpcnt.ones.xlane vm3;
	v7 =	vadd.s32 v7, v26;
	v28, _, _ =	vpop (xrf0)  }
0x15f: {  	v10 =	vadd.s32 v28, v7  }
0x160: {  	v6 =	vadd.s32 v6, v27;
	v30, _, _ =	vpop (xrf0);
	v29 =	vadd.s32 $0xFFFFFFFF, v10  }
0x161: {  	v10 =	vadd.s32 v30, v6;
	vm10 =	vlt.s32 v29, $0x1FFF  }
0x162: {  	v11 =	vld [tilespmem:$0xF0];
	v10 =	vadd.s32 $0xFFFFFFFF, v10;
	v9 =	vnsel vm10, $0x1FFF, v29  }
0x163: {  	vm11 =	vlt.s32 v10, $0x1FFF  }
0x164: {  	v10 =	vnsel vm11, $0x1FFF, v10;
	_ =	sdelay $0x2  }
0x165: {  	v31 =	vsub.s32 v8, v0;
	[tilespmem:v9+s12+$0x0] =	vst.idx.msk vm0, v11  }
0x166: {  	[tilespmem:v9+s13+$0x0] =	vst.idx.msk vm0, v31  }
0x167: {  	v8 =	vsub.s32 v8, v1;
	[tilespmem:v10+s14+$0x0] =	vst.idx.msk vm2, v11  }
0x168: {  	[tilespmem:v10+s15+$0x0] =	vst.idx.msk vm2, v8  }
0x169: {  	v8 =	vld [tilespmem:$0x300];
	_ =	sdelay $0x4  }
0x16a: {  	vm12 =	vge.s32 v8, v0;
	vm13 =	vlt.s32 v8, v1  }
0x16b: {  	vm1 =	vmand vm12, vm13  }
0x16c: {  	vm14 =	vge.s32 v8, v1;
	vm15 =	vlt.s32 v8, v3;
	v32 =	vsel vm1, $0x1, v5  }
0x16d: {  	vm3 =	vmand vm14, vm15;
	(xrf0) =	vadd.scan.msk.s32 $0xffff, v32  }
0x16e: {  	v33 =	vsel vm3, $0x1, v5  }
0x16f: {  	(xrf0) =	vadd.scan.msk.s32 $0xffff, v33;
	_ =	sdelay $0x1  }
0x170: {  	v34 =	vmpcnt.ones.xlane vm0;
	_ =	sdelay $0x1  }
0x171: {  	v35 =	vmpcnt.ones.xlane vm2;
	v7 =	vadd.s32 v7, v34;
	v36, _, _ =	vpop (xrf0)  }
0x172: {  	v10 =	vadd.s32 v36, v7  }
0x173: {  	v6 =	vadd.s32 v6, v35;
	v38, _, _ =	vpop (xrf0);
	v37 =	vadd.s32 $0xFFFFFFFF, v10  }
0x174: {  	v10 =	vadd.s32 v38, v6;
	vm4 =	vlt.s32 v37, $0x1FFF  }
0x175: {  	v11 =	vld [tilespmem:$0x100];
	v10 =	vadd.s32 $0xFFFFFFFF, v10;
	v9 =	vnsel vm4, $0x1FFF, v37  }
0x176: {  	vm5 =	vlt.s32 v10, $0x1FFF  }
0x177: {  	v10 =	vnsel vm5, $0x1FFF, v10;
	_ =	sdelay $0x2  }
0x178: {  	v39 =	vsub.s32 v8, v0;
	[tilespmem:v9+s12+$0x0] =	vst.idx.msk vm1, v11  }
0x179: {  	[tilespmem:v9+s13+$0x0] =	vst.idx.msk vm1, v39  }
0x17a: {  	v8 =	vsub.s32 v8, v1;
	[tilespmem:v10+s14+$0x0] =	vst.idx.msk vm3, v11  }
0x17b: {  	[tilespmem:v10+s15+$0x0] =	vst.idx.msk vm3, v8  }
0x17c: {  	v8 =	vld [tilespmem:$0x310];
	_ =	sdelay $0x4  }
0x17d: {  	vm6 =	vge.s32 v8, v0;
	vm7 =	vlt.s32 v8, v1  }
0x17e: {  	vm0 =	vmand vm6, vm7  }
0x17f: {  	vm8 =	vge.s32 v8, v1;
	vm9 =	vlt.s32 v8, v3;
	v40 =	vsel vm0, $0x1, v5  }
0x180: {  	vm2 =	vmand vm8, vm9;
	(xrf0) =	vadd.scan.msk.s32 $0xffff, v40  }
0x181: {  	v41 =	vsel vm2, $0x1, v5  }
0x182: {  	(xrf0) =	vadd.scan.msk.s32 $0xffff, v41;
	_ =	sdelay $0x1  }
0x183: {  	v42 =	vmpcnt.ones.xlane vm1;
	_ =	sdelay $0x1  }
0x184: {  	v43 =	vmpcnt.ones.xlane vm3;
	v7 =	vadd.s32 v7, v42;
	v44, _, _ =	vpop (xrf0)  }
0x185: {  	v10 =	vadd.s32 v44, v7  }
0x186: {  	v6 =	vadd.s32 v6, v43;
	v46, _, _ =	vpop (xrf0);
	v45 =	vadd.s32 $0xFFFFFFFF, v10  }
0x187: {  	v10 =	vadd.s32 v46, v6;
	vm10 =	vlt.s32 v45, $0x1FFF  }
0x188: {  	v11 =	vld [tilespmem:$0x110];
	v10 =	vadd.s32 $0xFFFFFFFF, v10;
	v9 =	vnsel vm10, $0x1FFF, v45  }
0x189: {  	vm11 =	vlt.s32 v10, $0x1FFF  }
0x18a: {  	v10 =	vnsel vm11, $0x1FFF, v10;
	_ =	sdelay $0x2  }
0x18b: {  	v47 =	vsub.s32 v8, v0;
	[tilespmem:v9+s12+$0x0] =	vst.idx.msk vm0, v11  }
0x18c: {  	[tilespmem:v9+s13+$0x0] =	vst.idx.msk vm0, v47  }
0x18d: {  	v8 =	vsub.s32 v8, v1;
	[tilespmem:v10+s14+$0x0] =	vst.idx.msk vm2, v11  }
0x18e: {  	[tilespmem:v10+s15+$0x0] =	vst.idx.msk vm2, v8  }
0x18f: {  	v8 =	vld [tilespmem:$0x320];
	_ =	sdelay $0x4  }
0x190: {  	vm12 =	vge.s32 v8, v0;
	vm13 =	vlt.s32 v8, v1  }
0x191: {  	vm1 =	vmand vm12, vm13  }
0x192: {  	vm14 =	vge.s32 v8, v1;
	vm15 =	vlt.s32 v8, v3;
	v48 =	vsel vm1, $0x1, v5  }
0x193: {  	vm3 =	vmand vm14, vm15;
	(xrf0) =	vadd.scan.msk.s32 $0xffff, v48  }
0x194: {  	v49 =	vsel vm3, $0x1, v5  }
0x195: {  	(xrf0) =	vadd.scan.msk.s32 $0xffff, v49;
	_ =	sdelay $0x1  }
0x196: {  	v50 =	vmpcnt.ones.xlane vm0;
	_ =	sdelay $0x1  }
0x197: {  	v51 =	vmpcnt.ones.xlane vm2;
	v7 =	vadd.s32 v7, v50;
	v52, _, _ =	vpop (xrf0)  }
0x198: {  	v10 =	vadd.s32 v52, v7  }
0x199: {  	v6 =	vadd.s32 v6, v51;
	v54, _, _ =	vpop (xrf0);
	v53 =	vadd.s32 $0xFFFFFFFF, v10  }
0x19a: {  	v10 =	vadd.s32 v54, v6;
	vm4 =	vlt.s32 v53, $0x1FFF  }
0x19b: {  	v11 =	vld [tilespmem:$0x120];
	v10 =	vadd.s32 $0xFFFFFFFF, v10;
	v9 =	vnsel vm4, $0x1FFF, v53  }
0x19c: {  	vm5 =	vlt.s32 v10, $0x1FFF  }
0x19d: {  	v10 =	vnsel vm5, $0x1FFF, v10;
	_ =	sdelay $0x2  }
0x19e: {  	v55 =	vsub.s32 v8, v0;
	[tilespmem:v9+s12+$0x0] =	vst.idx.msk vm1, v11  }
0x19f: {  	[tilespmem:v9+s13+$0x0] =	vst.idx.msk vm1, v55  }
0x1a0: {  	v8 =	vsub.s32 v8, v1;
	[tilespmem:v10+s14+$0x0] =	vst.idx.msk vm3, v11  }
0x1a1: {  	[tilespmem:v10+s15+$0x0] =	vst.idx.msk vm3, v8  }
0x1a2: {  	v8 =	vld [tilespmem:$0x330];
	_ =	sdelay $0x4  }
0x1a3: {  	vm6 =	vge.s32 v8, v0;
	vm7 =	vlt.s32 v8, v1  }
0x1a4: {  	vm0 =	vmand vm6, vm7  }
0x1a5: {  	vm8 =	vge.s32 v8, v1;
	vm9 =	vlt.s32 v8, v3;
	v56 =	vsel vm0, $0x1, v5  }
0x1a6: {  	vm2 =	vmand vm8, vm9;
	(xrf0) =	vadd.scan.msk.s32 $0xffff, v56  }
0x1a7: {  	v57 =	vsel vm2, $0x1, v5  }
0x1a8: {  	(xrf0) =	vadd.scan.msk.s32 $0xffff, v57;
	_ =	sdelay $0x1  }
0x1a9: {  	v58 =	vmpcnt.ones.xlane vm1;
	_ =	sdelay $0x1  }
0x1aa: {  	v59 =	vmpcnt.ones.xlane vm3;
	v7 =	vadd.s32 v7, v58;
	v60, _, _ =	vpop (xrf0)  }
0x1ab: {  	v10 =	vadd.s32 v60, v7  }
0x1ac: {  	v6 =	vadd.s32 v6, v59;
	v62, _, _ =	vpop (xrf0);
	v61 =	vadd.s32 $0xFFFFFFFF, v10  }
0x1ad: {  	v10 =	vadd.s32 v62, v6;
	vm10 =	vlt.s32 v61, $0x1FFF  }
0x1ae: {  	v11 =	vld [tilespmem:$0x130];
	v10 =	vadd.s32 $0xFFFFFFFF, v10;
	v9 =	vnsel vm10, $0x1FFF, v61  }
0x1af: {  	vm11 =	vlt.s32 v10, $0x1FFF  }
0x1b0: {  	v10 =	vnsel vm11, $0x1FFF, v10;
	_ =	sdelay $0x2  }
0x1b1: {  	v63 =	vsub.s32 v8, v0;
	[tilespmem:v9+s12+$0x0] =	vst.idx.msk vm0, v11  }
0x1b2: {  	[tilespmem:v9+s13+$0x0] =	vst.idx.msk vm0, v63  }
0x1b3: {  	v8 =	vsub.s32 v8, v1;
	[tilespmem:v10+s14+$0x0] =	vst.idx.msk vm2, v11  }
0x1b4: {  	[tilespmem:v10+s15+$0x0] =	vst.idx.msk vm2, v8  }
0x1b5: {  	v8 =	vld [tilespmem:$0x340];
	_ =	sdelay $0x4  }
0x1b6: {  	vm12 =	vge.s32 v8, v0;
	vm13 =	vlt.s32 v8, v1  }
0x1b7: {  	vm1 =	vmand vm12, vm13  }
0x1b8: {  	vm14 =	vge.s32 v8, v1;
	vm15 =	vlt.s32 v8, v3;
	v16 =	vsel vm1, $0x1, v5  }
0x1b9: {  	vm3 =	vmand vm14, vm15;
	(xrf0) =	vadd.scan.msk.s32 $0xffff, v16  }
0x1ba: {  	v17 =	vsel vm3, $0x1, v5  }
0x1bb: {  	(xrf0) =	vadd.scan.msk.s32 $0xffff, v17;
	_ =	sdelay $0x1  }
0x1bc: {  	v18 =	vmpcnt.ones.xlane vm0;
	_ =	sdelay $0x1  }
0x1bd: {  	v19 =	vmpcnt.ones.xlane vm2;
	v7 =	vadd.s32 v7, v18;
	v20, _, _ =	vpop (xrf0)  }
0x1be: {  	v10 =	vadd.s32 v20, v7  }
0x1bf: {  	v6 =	vadd.s32 v6, v19;
	v22, _, _ =	vpop (xrf0);
	v21 =	vadd.s32 $0xFFFFFFFF, v10  }
0x1c0: {  	v10 =	vadd.s32 v22, v6;
	vm4 =	vlt.s32 v21, $0x1FFF  }
0x1c1: {  	v11 =	vld [tilespmem:$0x140];
	v10 =	vadd.s32 $0xFFFFFFFF, v10;
	v9 =	vnsel vm4, $0x1FFF, v21  }
0x1c2: {  	vm5 =	vlt.s32 v10, $0x1FFF  }
0x1c3: {  	v10 =	vnsel vm5, $0x1FFF, v10;
	_ =	sdelay $0x2  }
0x1c4: {  	v23 =	vsub.s32 v8, v0;
	[tilespmem:v9+s12+$0x0] =	vst.idx.msk vm1, v11  }
0x1c5: {  	[tilespmem:v9+s13+$0x0] =	vst.idx.msk vm1, v23  }
0x1c6: {  	v8 =	vsub.s32 v8, v1;
	[tilespmem:v10+s14+$0x0] =	vst.idx.msk vm3, v11  }
0x1c7: {  	[tilespmem:v10+s15+$0x0] =	vst.idx.msk vm3, v8  }
0x1c8: {  	v8 =	vld [tilespmem:$0x350];
	_ =	sdelay $0x4  }
0x1c9: {  	vm6 =	vge.s32 v8, v0;
	vm7 =	vlt.s32 v8, v1  }
0x1ca: {  	vm0 =	vmand vm6, vm7  }
0x1cb: {  	vm8 =	vge.s32 v8, v1;
	vm9 =	vlt.s32 v8, v3;
	v24 =	vsel vm0, $0x1, v5  }
0x1cc: {  	vm2 =	vmand vm8, vm9;
	(xrf0) =	vadd.scan.msk.s32 $0xffff, v24  }
0x1cd: {  	v25 =	vsel vm2, $0x1, v5  }
0x1ce: {  	(xrf0) =	vadd.scan.msk.s32 $0xffff, v25;
	_ =	sdelay $0x1  }
0x1cf: {  	v26 =	vmpcnt.ones.xlane vm1;
	_ =	sdelay $0x1  }
0x1d0: {  	v27 =	vmpcnt.ones.xlane vm3;
	v7 =	vadd.s32 v7, v26;
	v28, _, _ =	vpop (xrf0)  }
0x1d1: {  	v10 =	vadd.s32 v28, v7  }
0x1d2: {  	v6 =	vadd.s32 v6, v27;
	v30, _, _ =	vpop (xrf0);
	v29 =	vadd.s32 $0xFFFFFFFF, v10  }
0x1d3: {  	v10 =	vadd.s32 v30, v6;
	vm10 =	vlt.s32 v29, $0x1FFF  }
0x1d4: {  	v11 =	vld [tilespmem:$0x150];
	v10 =	vadd.s32 $0xFFFFFFFF, v10;
	v9 =	vnsel vm10, $0x1FFF, v29  }
0x1d5: {  	vm11 =	vlt.s32 v10, $0x1FFF  }
0x1d6: {  	v10 =	vnsel vm11, $0x1FFF, v10;
	_ =	sdelay $0x2  }
0x1d7: {  	v31 =	vsub.s32 v8, v0;
	[tilespmem:v9+s12+$0x0] =	vst.idx.msk vm0, v11  }
0x1d8: {  	[tilespmem:v9+s13+$0x0] =	vst.idx.msk vm0, v31  }
0x1d9: {  	v8 =	vsub.s32 v8, v1;
	[tilespmem:v10+s14+$0x0] =	vst.idx.msk vm2, v11  }
0x1da: {  	[tilespmem:v10+s15+$0x0] =	vst.idx.msk vm2, v8  }
0x1db: {  	v8 =	vld [tilespmem:$0x360];
	_ =	sdelay $0x4  }
0x1dc: {  	vm12 =	vge.s32 v8, v0;
	vm13 =	vlt.s32 v8, v1  }
0x1dd: {  	vm1 =	vmand vm12, vm13  }
0x1de: {  	vm14 =	vge.s32 v8, v1;
	vm15 =	vlt.s32 v8, v3;
	v32 =	vsel vm1, $0x1, v5  }
0x1df: {  	vm3 =	vmand vm14, vm15;
	(xrf0) =	vadd.scan.msk.s32 $0xffff, v32  }
0x1e0: {  	v33 =	vsel vm3, $0x1, v5  }
0x1e1: {  	(xrf0) =	vadd.scan.msk.s32 $0xffff, v33;
	_ =	sdelay $0x1  }
0x1e2: {  	v34 =	vmpcnt.ones.xlane vm0;
	_ =	sdelay $0x1  }
0x1e3: {  	v35 =	vmpcnt.ones.xlane vm2;
	v7 =	vadd.s32 v7, v34;
	v36, _, _ =	vpop (xrf0)  }
0x1e4: {  	v10 =	vadd.s32 v36, v7  }
0x1e5: {  	v6 =	vadd.s32 v6, v35;
	v38, _, _ =	vpop (xrf0);
	v37 =	vadd.s32 $0xFFFFFFFF, v10  }
0x1e6: {  	v10 =	vadd.s32 v38, v6;
	vm4 =	vlt.s32 v37, $0x1FFF  }
0x1e7: {  	v11 =	vld [tilespmem:$0x160];
	v10 =	vadd.s32 $0xFFFFFFFF, v10;
	v9 =	vnsel vm4, $0x1FFF, v37  }
0x1e8: {  	vm5 =	vlt.s32 v10, $0x1FFF  }
0x1e9: {  	v10 =	vnsel vm5, $0x1FFF, v10;
	_ =	sdelay $0x2  }
0x1ea: {  	v39 =	vsub.s32 v8, v0;
	[tilespmem:v9+s12+$0x0] =	vst.idx.msk vm1, v11  }
0x1eb: {  	[tilespmem:v9+s13+$0x0] =	vst.idx.msk vm1, v39  }
0x1ec: {  	v8 =	vsub.s32 v8, v1;
	[tilespmem:v10+s14+$0x0] =	vst.idx.msk vm3, v11  }
0x1ed: {  	[tilespmem:v10+s15+$0x0] =	vst.idx.msk vm3, v8  }
0x1ee: {  	v8 =	vld [tilespmem:$0x370];
	_ =	sdelay $0x4  }
0x1ef: {  	vm6 =	vge.s32 v8, v0;
	vm7 =	vlt.s32 v8, v1  }
0x1f0: {  	vm0 =	vmand vm6, vm7  }
0x1f1: {  	vm8 =	vge.s32 v8, v1;
	vm9 =	vlt.s32 v8, v3;
	v40 =	vsel vm0, $0x1, v5  }
0x1f2: {  	vm2 =	vmand vm8, vm9;
	(xrf0) =	vadd.scan.msk.s32 $0xffff, v40  }
0x1f3: {  	v41 =	vsel vm2, $0x1, v5  }
0x1f4: {  	(xrf0) =	vadd.scan.msk.s32 $0xffff, v41;
	_ =	sdelay $0x1  }
0x1f5: {  	v42 =	vmpcnt.ones.xlane vm1;
	_ =	sdelay $0x1  }
0x1f6: {  	v43 =	vmpcnt.ones.xlane vm3;
	v7 =	vadd.s32 v7, v42;
	v44, _, _ =	vpop (xrf0)  }
0x1f7: {  	v10 =	vadd.s32 v44, v7  }
0x1f8: {  	v6 =	vadd.s32 v6, v43;
	v46, _, _ =	vpop (xrf0);
	v45 =	vadd.s32 $0xFFFFFFFF, v10  }
0x1f9: {  	v10 =	vadd.s32 v46, v6;
	vm10 =	vlt.s32 v45, $0x1FFF  }
0x1fa: {  	v11 =	vld [tilespmem:$0x170];
	v10 =	vadd.s32 $0xFFFFFFFF, v10;
	v9 =	vnsel vm10, $0x1FFF, v45  }
0x1fb: {  	vm11 =	vlt.s32 v10, $0x1FFF  }
0x1fc: {  	v10 =	vnsel vm11, $0x1FFF, v10;
	_ =	sdelay $0x2  }
0x1fd: {  	v47 =	vsub.s32 v8, v0;
	[tilespmem:v9+s12+$0x0] =	vst.idx.msk vm0, v11  }
0x1fe: {  	[tilespmem:v9+s13+$0x0] =	vst.idx.msk vm0, v47  }
0x1ff: {  	v8 =	vsub.s32 v8, v1;
	[tilespmem:v10+s14+$0x0] =	vst.idx.msk vm2, v11  }
0x200: {  	[tilespmem:v10+s15+$0x0] =	vst.idx.msk vm2, v8  }
0x201: {  	v8 =	vld [tilespmem:$0x380];
	_ =	sdelay $0x4  }
0x202: {  	vm12 =	vge.s32 v8, v0;
	vm13 =	vlt.s32 v8, v1  }
0x203: {  	vm1 =	vmand vm12, vm13  }
0x204: {  	vm14 =	vge.s32 v8, v1;
	vm15 =	vlt.s32 v8, v3;
	v48 =	vsel vm1, $0x1, v5  }
0x205: {  	vm3 =	vmand vm14, vm15;
	(xrf0) =	vadd.scan.msk.s32 $0xffff, v48  }
0x206: {  	v49 =	vsel vm3, $0x1, v5  }
0x207: {  	(xrf0) =	vadd.scan.msk.s32 $0xffff, v49;
	_ =	sdelay $0x1  }
0x208: {  	v50 =	vmpcnt.ones.xlane vm0;
	_ =	sdelay $0x1  }
0x209: {  	v51 =	vmpcnt.ones.xlane vm2;
	v7 =	vadd.s32 v7, v50;
	v52, _, _ =	vpop (xrf0)  }
0x20a: {  	v10 =	vadd.s32 v52, v7  }
0x20b: {  	v6 =	vadd.s32 v6, v51;
	v54, _, _ =	vpop (xrf0);
	v53 =	vadd.s32 $0xFFFFFFFF, v10  }
0x20c: {  	v10 =	vadd.s32 v54, v6;
	vm4 =	vlt.s32 v53, $0x1FFF  }
0x20d: {  	v11 =	vld [tilespmem:$0x180];
	v10 =	vadd.s32 $0xFFFFFFFF, v10;
	v9 =	vnsel vm4, $0x1FFF, v53  }
0x20e: {  	vm5 =	vlt.s32 v10, $0x1FFF  }
0x20f: {  	v10 =	vnsel vm5, $0x1FFF, v10;
	_ =	sdelay $0x2  }
0x210: {  	v55 =	vsub.s32 v8, v0;
	[tilespmem:v9+s12+$0x0] =	vst.idx.msk vm1, v11  }
0x211: {  	[tilespmem:v9+s13+$0x0] =	vst.idx.msk vm1, v55  }
0x212: {  	v8 =	vsub.s32 v8, v1;
	[tilespmem:v10+s14+$0x0] =	vst.idx.msk vm3, v11  }
0x213: {  	[tilespmem:v10+s15+$0x0] =	vst.idx.msk vm3, v8  }
0x214: {  	v8 =	vld [tilespmem:$0x390];
	_ =	sdelay $0x4  }
0x215: {  	vm6 =	vge.s32 v8, v0;
	vm7 =	vlt.s32 v8, v1  }
0x216: {  	vm0 =	vmand vm6, vm7  }
0x217: {  	vm8 =	vge.s32 v8, v1;
	vm9 =	vlt.s32 v8, v3;
	v56 =	vsel vm0, $0x1, v5  }
0x218: {  	vm2 =	vmand vm8, vm9;
	(xrf0) =	vadd.scan.msk.s32 $0xffff, v56  }
0x219: {  	v57 =	vsel vm2, $0x1, v5  }
0x21a: {  	(xrf0) =	vadd.scan.msk.s32 $0xffff, v57;
	_ =	sdelay $0x1  }
0x21b: {  	v58 =	vmpcnt.ones.xlane vm1;
	_ =	sdelay $0x1  }
0x21c: {  	v59 =	vmpcnt.ones.xlane vm3;
	v7 =	vadd.s32 v7, v58;
	v60, _, _ =	vpop (xrf0)  }
0x21d: {  	v10 =	vadd.s32 v60, v7  }
0x21e: {  	v6 =	vadd.s32 v6, v59;
	v62, _, _ =	vpop (xrf0);
	v61 =	vadd.s32 $0xFFFFFFFF, v10  }
0x21f: {  	v10 =	vadd.s32 v62, v6;
	vm10 =	vlt.s32 v61, $0x1FFF  }
0x220: {  	v11 =	vld [tilespmem:$0x190];
	v10 =	vadd.s32 $0xFFFFFFFF, v10;
	v9 =	vnsel vm10, $0x1FFF, v61  }
0x221: {  	vm11 =	vlt.s32 v10, $0x1FFF  }
0x222: {  	v10 =	vnsel vm11, $0x1FFF, v10;
	_ =	sdelay $0x2  }
0x223: {  	v63 =	vsub.s32 v8, v0;
	[tilespmem:v9+s12+$0x0] =	vst.idx.msk vm0, v11  }
0x224: {  	[tilespmem:v9+s13+$0x0] =	vst.idx.msk vm0, v63  }
0x225: {  	v8 =	vsub.s32 v8, v1;
	[tilespmem:v10+s14+$0x0] =	vst.idx.msk vm2, v11  }
0x226: {  	[tilespmem:v10+s15+$0x0] =	vst.idx.msk vm2, v8  }
0x227: {  	v8 =	vld [tilespmem:$0x3A0];
	_ =	sdelay $0x4  }
0x228: {  	vm12 =	vge.s32 v8, v0;
	vm13 =	vlt.s32 v8, v1  }
0x229: {  	vm1 =	vmand vm12, vm13  }
0x22a: {  	vm14 =	vge.s32 v8, v1;
	vm15 =	vlt.s32 v8, v3;
	v14 =	vsel vm1, $0x1, v5  }
0x22b: {  	vm3 =	vmand vm14, vm15;
	(xrf0) =	vadd.scan.msk.s32 $0xffff, v14  }
0x22c: {  	v15 =	vsel vm3, $0x1, v5  }
0x22d: {  	(xrf0) =	vadd.scan.msk.s32 $0xffff, v15;
	_ =	sdelay $0x1  }
0x22e: {  	v16 =	vmpcnt.ones.xlane vm0;
	_ =	sdelay $0x1  }
0x22f: {  	v17 =	vmpcnt.ones.xlane vm2;
	v7 =	vadd.s32 v7, v16;
	v18, _, _ =	vpop (xrf0)  }
0x230: {  	v10 =	vadd.s32 v18, v7  }
0x231: {  	v6 =	vadd.s32 v6, v17;
	v20, _, _ =	vpop (xrf0);
	v19 =	vadd.s32 $0xFFFFFFFF, v10  }
0x232: {  	v10 =	vadd.s32 v20, v6;
	vm4 =	vlt.s32 v19, $0x1FFF  }
0x233: {  	v11 =	vld [tilespmem:$0x1A0];
	v10 =	vadd.s32 $0xFFFFFFFF, v10;
	v9 =	vnsel vm4, $0x1FFF, v19  }
0x234: {  	vm5 =	vlt.s32 v10, $0x1FFF  }
0x235: {  	v10 =	vnsel vm5, $0x1FFF, v10;
	_ =	sdelay $0x2  }
0x236: {  	v21 =	vsub.s32 v8, v0;
	[tilespmem:v9+s12+$0x0] =	vst.idx.msk vm1, v11  }
0x237: {  	[tilespmem:v9+s13+$0x0] =	vst.idx.msk vm1, v21  }
0x238: {  	v8 =	vsub.s32 v8, v1;
	[tilespmem:v10+s14+$0x0] =	vst.idx.msk vm3, v11  }
0x239: {  	[tilespmem:v10+s15+$0x0] =	vst.idx.msk vm3, v8  }
0x23a: {  	v8 =	vld [tilespmem:$0x3B0];
	_ =	sdelay $0x4  }
0x23b: {  	vm6 =	vge.s32 v8, v0;
	vm7 =	vlt.s32 v8, v1  }
0x23c: {  	vm0 =	vmand vm6, vm7  }
0x23d: {  	vm8 =	vge.s32 v8, v1;
	vm9 =	vlt.s32 v8, v3;
	v22 =	vsel vm0, $0x1, v5  }
0x23e: {  	vm2 =	vmand vm8, vm9;
	(xrf0) =	vadd.scan.msk.s32 $0xffff, v22  }
0x23f: {  	v23 =	vsel vm2, $0x1, v5  }
0x240: {  	(xrf0) =	vadd.scan.msk.s32 $0xffff, v23;
	_ =	sdelay $0x1  }
0x241: {  	v24 =	vmpcnt.ones.xlane vm1;
	_ =	sdelay $0x1  }
0x242: {  	v25 =	vmpcnt.ones.xlane vm3;
	v7 =	vadd.s32 v7, v24;
	v26, _, _ =	vpop (xrf0)  }
0x243: {  	v10 =	vadd.s32 v26, v7  }
0x244: {  	v6 =	vadd.s32 v6, v25;
	v28, _, _ =	vpop (xrf0);
	v27 =	vadd.s32 $0xFFFFFFFF, v10  }
0x245: {  	v10 =	vadd.s32 v28, v6;
	vm10 =	vlt.s32 v27, $0x1FFF  }
0x246: {  	v11 =	vld [tilespmem:$0x1B0];
	v10 =	vadd.s32 $0xFFFFFFFF, v10;
	v9 =	vnsel vm10, $0x1FFF, v27  }
0x247: {  	vm11 =	vlt.s32 v10, $0x1FFF  }
0x248: {  	v10 =	vnsel vm11, $0x1FFF, v10;
	_ =	sdelay $0x2  }
0x249: {  	v29 =	vsub.s32 v8, v0;
	[tilespmem:v9+s12+$0x0] =	vst.idx.msk vm0, v11  }
0x24a: {  	[tilespmem:v9+s13+$0x0] =	vst.idx.msk vm0, v29  }
0x24b: {  	v8 =	vsub.s32 v8, v1;
	[tilespmem:v10+s14+$0x0] =	vst.idx.msk vm2, v11  }
0x24c: {  	[tilespmem:v10+s15+$0x0] =	vst.idx.msk vm2, v8  }
0x24d: {  	v8 =	vld [tilespmem:$0x3C0];
	_ =	sdelay $0x4  }
0x24e: {  	vm12 =	vge.s32 v8, v0;
	vm13 =	vlt.s32 v8, v1  }
0x24f: {  	vm1 =	vmand vm12, vm13  }
0x250: {  	vm14 =	vge.s32 v8, v1;
	vm15 =	vlt.s32 v8, v3;
	v30 =	vsel vm1, $0x1, v5  }
0x251: {  	vm3 =	vmand vm14, vm15;
	(xrf0) =	vadd.scan.msk.s32 $0xffff, v30  }
0x252: {  	v31 =	vsel vm3, $0x1, v5  }
0x253: {  	(xrf0) =	vadd.scan.msk.s32 $0xffff, v31;
	_ =	sdelay $0x1  }
0x254: {  	v32 =	vmpcnt.ones.xlane vm0;
	_ =	sdelay $0x1  }
0x255: {  	v33 =	vmpcnt.ones.xlane vm2;
	v7 =	vadd.s32 v7, v32;
	v34, _, _ =	vpop (xrf0)  }
0x256: {  	v10 =	vadd.s32 v34, v7  }
0x257: {  	v6 =	vadd.s32 v6, v33;
	v36, _, _ =	vpop (xrf0);
	v35 =	vadd.s32 $0xFFFFFFFF, v10  }
0x258: {  	v10 =	vadd.s32 v36, v6;
	vm7 =	vlt.s32 v35, $0x1FFF  }
0x259: {  	v11 =	vld [tilespmem:$0x1C0];
	v10 =	vadd.s32 $0xFFFFFFFF, v10;
	v9 =	vnsel vm7, $0x1FFF, v35  }
0x25a: {  	vm8 =	vlt.s32 v10, $0x1FFF  }
0x25b: {  	v10 =	vnsel vm8, $0x1FFF, v10;
	_ =	sdelay $0x2  }
0x25c: {  	v37 =	vsub.s32 v8, v0;
	[tilespmem:v9+s12+$0x0] =	vst.idx.msk vm1, v11  }
0x25d: {  	[tilespmem:v9+s13+$0x0] =	vst.idx.msk vm1, v37  }
0x25e: {  	v8 =	vsub.s32 v8, v1;
	[tilespmem:v10+s14+$0x0] =	vst.idx.msk vm3, v11  }
0x25f: {  	[tilespmem:v10+s15+$0x0] =	vst.idx.msk vm3, v8  }
0x260: {  	v8 =	vld [tilespmem:$0x3D0];
	_ =	sdelay $0x4  }
0x261: {  	vm9 =	vge.s32 v8, v0;
	vm10 =	vlt.s32 v8, v1  }
0x262: {  	vm0 =	vmand vm9, vm10  }
0x263: {  	vm11 =	vge.s32 v8, v1;
	vm12 =	vlt.s32 v8, v3;
	v38 =	vsel vm0, $0x1, v5  }
0x264: {  	vm4 =	vmand vm11, vm12;
	(xrf0) =	vadd.scan.msk.s32 $0xffff, v38  }
0x265: {  	v39 =	vsel vm4, $0x1, v5  }
0x266: {  	(xrf0) =	vadd.scan.msk.s32 $0xffff, v39;
	_ =	sdelay $0x1  }
0x267: {  	v40 =	vmpcnt.ones.xlane vm1;
	_ =	sdelay $0x1  }
0x268: {  	v41 =	vmpcnt.ones.xlane vm3;
	v7 =	vadd.s32 v7, v40;
	v42, _, _ =	vpop (xrf0)  }
0x269: {  	v10 =	vadd.s32 v42, v7  }
0x26a: {  	v6 =	vadd.s32 v6, v41;
	v44, _, _ =	vpop (xrf0);
	v43 =	vadd.s32 $0xFFFFFFFF, v10  }
0x26b: {  	v10 =	vadd.s32 v44, v6;
	vm13 =	vlt.s32 v43, $0x1FFF  }
0x26c: {  	v11 =	vld [tilespmem:$0x1D0];
	v10 =	vadd.s32 $0xFFFFFFFF, v10;
	v9 =	vnsel vm13, $0x1FFF, v43  }
0x26d: {  	vm14 =	vlt.s32 v10, $0x1FFF  }
0x26e: {  	v10 =	vnsel vm14, $0x1FFF, v10;
	_ =	sdelay $0x2  }
0x26f: {  	v45 =	vsub.s32 v8, v0;
	[tilespmem:v9+s12+$0x0] =	vst.idx.msk vm0, v11  }
0x270: {  	[tilespmem:v9+s13+$0x0] =	vst.idx.msk vm0, v45  }
0x271: {  	v8 =	vsub.s32 v8, v1;
	[tilespmem:v10+s14+$0x0] =	vst.idx.msk vm4, v11  }
0x272: {  	[tilespmem:v10+s15+$0x0] =	vst.idx.msk vm4, v8  }
0x273: {  	v8 =	vld [tilespmem:$0x3E0];
	_ =	sdelay $0x4  }
0x274: {  	vm15 =	vge.s32 v8, v0;
	vm5 =	vlt.s32 v8, v1  }
0x275: {  	vm1 =	vmand vm15, vm5  }
0x276: {  	vm6 =	vge.s32 v8, v1;
	vm7 =	vlt.s32 v8, v3;
	v46 =	vsel vm1, $0x1, v5  }
0x277: {  	vm2 =	vmand vm6, vm7;
	(xrf0) =	vadd.scan.msk.s32 $0xffff, v46  }
0x278: {  	v47 =	vsel vm2, $0x1, v5  }
0x279: {  	(xrf0) =	vadd.scan.msk.s32 $0xffff, v47;
	_ =	sdelay $0x1  }
0x27a: {  	v48 =	vmpcnt.ones.xlane vm0;
	_ =	sdelay $0x1  }
0x27b: {  	v49 =	vmpcnt.ones.xlane vm4;
	v7 =	vadd.s32 v7, v48;
	v50, _, _ =	vpop (xrf0)  }
0x27c: {  	v10 =	vadd.s32 v50, v7  }
0x27d: {  	v6 =	vadd.s32 v6, v49;
	v52, _, _ =	vpop (xrf0);
	v51 =	vadd.s32 $0xFFFFFFFF, v10  }
0x27e: {  	v10 =	vadd.s32 v52, v6;
	vm8 =	vlt.s32 v51, $0x1FFF  }
0x27f: {  	v11 =	vld [tilespmem:$0x1E0];
	v10 =	vadd.s32 $0xFFFFFFFF, v10;
	v9 =	vnsel vm8, $0x1FFF, v51  }
0x280: {  	vm9 =	vlt.s32 v10, $0x1FFF  }
0x281: {  	v10 =	vnsel vm9, $0x1FFF, v10;
	_ =	sdelay $0x2  }
0x282: {  	v53 =	vsub.s32 v8, v0;
	[tilespmem:v9+s12+$0x0] =	vst.idx.msk vm1, v11  }
0x283: {  	[tilespmem:v9+s13+$0x0] =	vst.idx.msk vm1, v53  }
0x284: {  	v8 =	vsub.s32 v8, v1;
	[tilespmem:v10+s14+$0x0] =	vst.idx.msk vm2, v11  }
0x285: {  	[tilespmem:v10+s15+$0x0] =	vst.idx.msk vm2, v8  }
0x286: {  	v8 =	vld [tilespmem:$0x3F0];
	_ =	sdelay $0x4  }
0x287: {  	vm10 =	vge.s32 v8, v0;
	vm11 =	vlt.s32 v8, v1  }
0x288: {  	vm0 =	vmand vm10, vm11  }
0x289: {  	vm12 =	vge.s32 v8, v1;
	vm13 =	vlt.s32 v8, v3;
	v54 =	vsel vm0, $0x1, v5  }
0x28a: {  	vm3 =	vmand vm12, vm13;
	(xrf0) =	vadd.scan.msk.s32 $0xffff, v54  }
0x28b: {  	v55 =	vsel vm3, $0x1, v5  }
0x28c: {  	(xrf0) =	vadd.scan.msk.s32 $0xffff, v55;
	_ =	sdelay $0x1  }
0x28d: {  	v56 =	vmpcnt.ones.xlane vm1;
	_ =	sdelay $0x1  }
0x28e: {  	v58 =	vmpcnt.ones.xlane vm2;
	v7 =	vadd.s32 v7, v56;
	v57, _, _ =	vpop (xrf0)  }
0x28f: {  	v10 =	vadd.s32 v57, v7  }
0x290: {  	v6 =	vadd.s32 v6, v58;
	v60, _, _ =	vpop (xrf0);
	v59 =	vadd.s32 $0xFFFFFFFF, v10  }
0x291: {  	v10 =	vadd.s32 v60, v6;
	vm14 =	vlt.s32 v59, $0x1FFF  }
0x292: {  	v11 =	vld [tilespmem:$0x1F0];
	v10 =	vadd.s32 $0xFFFFFFFF, v10;
	v9 =	vnsel vm14, $0x1FFF, v59  }
0x293: {  	vm15 =	vlt.s32 v10, $0x1FFF  }
0x294: {  	v10 =	vnsel vm15, $0x1FFF, v10  }
0x295: {  	p0 =	sne.s32 s17, $0xD80  }
.Ltmp1:
0x296: {  	_ = 	snop;
	(pc) =	sbr.rel @p0 .LBB2_4-.Ltmp1, $4  }
0x297: {  	v61 =	vsub.s32 v8, v0;
	[tilespmem:v9+s12+$0x0] =	vst.idx.msk vm0, v11  }
0x298: {  	v62 =	vmpcnt.ones.xlane vm0;
	v63 =	vmpcnt.ones.xlane vm3;
	[tilespmem:v9+s13+$0x0] =	vst.idx.msk vm0, v61  }
0x299: {  	v8 =	vsub.s32 v8, v1;
	[tilespmem:v10+s14+$0x0] =	vst.idx.msk vm3, v11  }
0x29a: {  	s17 =	sadd.s32 $0x40, s17;
	v7 =	vadd.s32 v7, v62;
	v6 =	vadd.s32 v6, v63;
	[tilespmem:v10+s15+$0x0] =	vst.idx.msk vm3, v8  }
0x29b: {  	[hbm4b:s3+s1] =	stream.linear.scatter [tilespmem:s12], [sflag:$0x1], $0x2000, $0x38;
	[tilespmem:$0x8400] =	vst v63  }
0x29c: {  	_ =	swait.ge [sflag:s10], $0x2000  }
0x29d: {  	[sflag:s10] =	ssyncset.done $0x0  }
0x29e: {  	[sflag:s10] =	ssyncadd.s32 $0xFFFFE000  }
0x29f: {  	[hbm4b:s4+s1] =	stream.linear.scatter [tilespmem:s13], [sflag:$0x1], $0x2000, $0x38;
	[tilespmem:$0x8400] =	vst v63  }
0x2a0: {  	_ =	swait.ge [sflag:s10], $0x2000  }
0x2a1: {  	[sflag:s10] =	ssyncset.done $0x0  }
0x2a2: {  	[sflag:s10] =	ssyncadd.s32 $0xFFFFE000  }
0x2a3: {  	[hbm4b:s5+s1] =	stream.linear.scatter [tilespmem:s14], [sflag:$0x1], $0x2000, $0x38;
	[tilespmem:$0x8400] =	vst v63  }
0x2a4: {  	s16 =	sadd.s32 $0x1, s16;
	_ =	swait.ge [sflag:s10], $0x2000  }
0x2a5: {  	p0 =	sne.s32 s16, s7;
	[sflag:s10] =	ssyncset.done $0x0  }
.Ltmp2:
0x2a6: {  	[sflag:s10] =	ssyncadd.s32 $0xFFFFE000;
	(pc) =	sbr.rel @p0 .LBB2_1-.Ltmp2, $4  }
0x2a7: {  	[hbm4b:s6+s1] =	stream.linear.scatter [tilespmem:s15], [sflag:$0x1], $0x2000, $0x38;
	[tilespmem:$0x8400] =	vst v63  }
0x2a8: {  	_ =	swait.ge [sflag:s10], $0x2000  }
0x2a9: {  	[sflag:s10] =	ssyncset.done $0x0  }
0x2aa: {  	[sflag:s10] =	ssyncadd.s32 $0xFFFFE000  }
0x2ab: {  	_ =	sfence.sel $0x180000  }
0x2ac: {  	[bflag:$0x0] =	sbarrier.arrive $0xFFFF  }
0x2ad: {  	p0 =	sne.s32 s2, $0x0;
	_ =	strace $0x90000047  }
0x2ae: {  	s0 =	sadd.s32 @!p0 $0x100000, s0;
	[bflag:$0x2] =	sbarrier.arrive $0xFFFF  }
0x2af: {  	[sflag:s0] =	ssyncadd.tile.s32 @!p0 $0x1;
	_ =	shalt  }
.Lfunc_end2:
_tile_overlayer_lowered:
.L_overlay_start_2:
0x2b0: {  	(tag) =	ssettag $0x2  }
0x2b1: {  	s0 =	rddreg [dreg:$0x0];
	s2 =	stileid.u32  }
0x2b2: {  	s1 =	rddreg [dreg:$0x1];
	p0 =	sne.s32 s2, $0x0  }
0x2b3: {  	s3 =	rddreg [dreg:$0x2];
	[bflag:$0x3] =	sbarrier.arrive $0xFFFF;
	s2 =	simm.s32 @!p0 $0x1C01  }
0x2b4: {  	[timem:s3], [sflag:s2] =	dma.local @!p0 [hbm:s0], s1  }
0x2b5: {  	s0 =	simm.s32 @!p0 $0x1  }
0x2b6: {  	_ =	swait.ge @!p0 [sflag:s0], s1  }
0x2b7: {  	s1 =	ssub.s32 @!p0 $0x0, s1;
	[sflag:s0] =	ssyncset.done @!p0 $0x0  }
0x2b8: {  	[sflag:s0] =	ssyncadd.s32 @!p0 s1  }
0x2b9: {  	[bflag:$0x3] =	sbarrier.arrive $0xFFFF  }
0x2ba: {  	_ =	shalt  }

</sc_bundles>
